<compile_context>
chip_gen: v7x
topology: tpu7x:2x2x1
jax: 0.10.2.dev20260603
libtpu: 0.0.44.dev20260713+nightly
codegen_flags: <defaults>
</compile_context>

<pallas_src>
import functools

import jax
import jax.numpy as jnp
from jax import lax
from jax.experimental import pallas as pl
from jax.experimental.pallas import tpu as pltpu
from jax.experimental.pallas import tpu_sc as plsc

N = 10000
E = 320000
G = 64
D_IN = 128
D_HID = 256
D_OUT = 128

NC = 2
NS = 16
KB = 128
NB = 160
SEC = 16
EPT = NB * KB
EPAD = EPT * NS
NP = 10240
RPT = NP // NS
RB = 512
GRID = NP // RB

_mesh = plsc.VectorSubcoreMesh(
    core_axis_name="c", subcore_axis_name="s", num_cores=NC, num_subcores=NS
)

_DEG_HALF = NB // 2


_DEG_W = 128


@functools.partial(
    pl.kernel,
    out_type=jax.ShapeDtypeStruct((NC, NP, _DEG_W), jnp.float32),
    mesh=_mesh,
    scratch_types=[
        pltpu.VMEM((SEC, KB), jnp.int32),
        pltpu.VMEM((KB, _DEG_W), jnp.float32),
        pltpu.VMEM_SHARED((NP, _DEG_W), jnp.float32),
    ],
)
def _deg_kernel(dst_hbm, ones_hbm, zeros_hbm, out_hbm, didx, ones_v, acc_sh):
    c = lax.axis_index("c")
    s = lax.axis_index("s")
    row0 = s * RPT
    pltpu.sync_copy(ones_hbm, ones_v)
    pltpu.sync_copy(zeros_hbm.at[pl.ds(row0, RPT)], acc_sh.at[pl.ds(row0, RPT)])
    plsc.subcore_barrier()

    def sec_body(t, carry):
        pltpu.sync_copy(dst_hbm.at[s].at[pl.ds(c * _DEG_HALF + t * SEC, SEC)], didx)

        def body(j, carry2):
            pltpu.sync_copy(ones_v, acc_sh.at[didx.at[j]], add=True)
            return carry2

        return lax.fori_loop(0, SEC, body, carry)

    lax.fori_loop(0, _DEG_HALF // SEC, sec_body, 0)
    plsc.subcore_barrier()
    pltpu.sync_copy(
        acc_sh.at[pl.ds(row0, RPT)], out_hbm.at[c].at[pl.ds(row0, RPT)]
    )


def _make_agg_kernel(dc):

    @functools.partial(
        pl.kernel,
        out_type=(
            jax.ShapeDtypeStruct((NP, dc), jnp.float32),
            jax.ShapeDtypeStruct((NP, dc), jnp.float32),
        ),
        mesh=_mesh,
        scratch_types=[
            pltpu.VMEM((SEC, KB), jnp.int32),
            pltpu.VMEM((SEC, KB), jnp.int32),
            pltpu.VMEM((KB, dc), jnp.float32),
            pltpu.VMEM((KB, dc), jnp.float32),
            pltpu.VMEM_SHARED((NP, dc), jnp.float32),
            pltpu.SemaphoreType.DMA,
            pltpu.SemaphoreType.DMA,
            pltpu.SemaphoreType.DMA,
            pltpu.SemaphoreType.DMA,
        ],
    )
    def agg_kernel(hs_a, hs_b, src_h, dst_h, agg_a, agg_b,
                   sidx, didx, buf0, buf1, acc, sg0, sg1, ss0, ss1):
        c = lax.axis_index("c")
        s = lax.axis_index("s")
        row0 = s * RPT

        def work(hs_x, agg_x):
            pltpu.sync_copy(hs_x.at[pl.ds(row0, RPT)], acc.at[pl.ds(row0, RPT)])
            plsc.subcore_barrier()

            def sec_body(t, carry):
                pltpu.sync_copy(src_h.at[s].at[pl.ds(t * SEC, SEC)], sidx)
                pltpu.sync_copy(dst_h.at[s].at[pl.ds(t * SEC, SEC)], didx)
                pltpu.async_copy(hs_x.at[sidx.at[0]], buf0, sg0)
                pltpu.async_copy(hs_x.at[sidx.at[1]], buf1, sg1)

                def pair(j2, carry2):
                    j = j2 * 2
                    pltpu.make_async_copy(hs_x.at[sidx.at[j]], buf0, sg0).wait()
                    pltpu.async_copy(buf0, acc.at[didx.at[j]], ss0, add=True)
                    pltpu.make_async_copy(hs_x.at[sidx.at[j + 1]], buf1, sg1).wait()
                    pltpu.async_copy(buf1, acc.at[didx.at[j + 1]], ss1, add=True)

                    @pl.when(j2 < SEC // 2 - 1)
                    def _():
                        pltpu.make_async_copy(
                            buf0, acc.at[didx.at[j]], ss0
                        ).wait()
                        pltpu.async_copy(hs_x.at[sidx.at[j + 2]], buf0, sg0)
                        pltpu.make_async_copy(
                            buf1, acc.at[didx.at[j + 1]], ss1
                        ).wait()
                        pltpu.async_copy(hs_x.at[sidx.at[j + 3]], buf1, sg1)

                    @pl.when(j2 == SEC // 2 - 1)
                    def _():
                        pltpu.make_async_copy(
                            buf0, acc.at[didx.at[j]], ss0
                        ).wait()
                        pltpu.make_async_copy(
                            buf1, acc.at[didx.at[j + 1]], ss1
                        ).wait()

                    return carry2

                return lax.fori_loop(0, SEC // 2, pair, carry)

            lax.fori_loop(0, NB // SEC, sec_body, 0)
            plsc.subcore_barrier()
            pltpu.sync_copy(acc.at[pl.ds(row0, RPT)], agg_x.at[pl.ds(row0, RPT)])

        @pl.when(c == 0)
        def _():
            work(hs_a, agg_a)

        @pl.when(c == 1)
        def _():
            work(hs_b, agg_b)

    return agg_kernel


_agg128 = _make_agg_kernel(D_HID // 2)


@functools.partial(
    pl.kernel,
    out_type=(
        jax.ShapeDtypeStruct((NP, D_OUT), jnp.float32),
        jax.ShapeDtypeStruct((NP, D_OUT), jnp.float32),
    ),
    mesh=_mesh,
    scratch_types=[
        pltpu.VMEM((SEC, KB), jnp.int32),
        pltpu.VMEM((SEC, KB), jnp.int32),
        pltpu.VMEM((KB, D_OUT), jnp.float32),
        pltpu.VMEM((KB, D_OUT), jnp.float32),
        pltpu.VMEM_SHARED((NP, D_OUT), jnp.float32),
        pltpu.SemaphoreType.DMA,
        pltpu.SemaphoreType.DMA,
        pltpu.SemaphoreType.DMA,
        pltpu.SemaphoreType.DMA,
    ],
)
def _agg2_kernel(hs2, src_h, dst_h, p0, p1, sidx, didx, buf0, buf1, acc,
                 sg0, sg1, ss0, ss1):
    c = lax.axis_index("c")
    s = lax.axis_index("s")
    row0 = s * RPT
    half = NB // 2

    pltpu.sync_copy(hs2.at[pl.ds(row0, RPT)], acc.at[pl.ds(row0, RPT)])
    plsc.subcore_barrier()

    def sec_body(t, carry):
        base = c * half + t * SEC
        pltpu.sync_copy(src_h.at[s].at[pl.ds(base, SEC)], sidx)
        pltpu.sync_copy(dst_h.at[s].at[pl.ds(base, SEC)], didx)
        pltpu.async_copy(hs2.at[sidx.at[0]], buf0, sg0)
        pltpu.async_copy(hs2.at[sidx.at[1]], buf1, sg1)

        def pair(j2, carry2):
            j = j2 * 2
            pltpu.make_async_copy(hs2.at[sidx.at[j]], buf0, sg0).wait()
            pltpu.async_copy(buf0, acc.at[didx.at[j]], ss0, add=True)
            pltpu.make_async_copy(hs2.at[sidx.at[j + 1]], buf1, sg1).wait()
            pltpu.async_copy(buf1, acc.at[didx.at[j + 1]], ss1, add=True)

            @pl.when(j2 < SEC // 2 - 1)
            def _():
                pltpu.make_async_copy(buf0, acc.at[didx.at[j]], ss0).wait()
                pltpu.async_copy(hs2.at[sidx.at[j + 2]], buf0, sg0)
                pltpu.make_async_copy(buf1, acc.at[didx.at[j + 1]], ss1).wait()
                pltpu.async_copy(hs2.at[sidx.at[j + 3]], buf1, sg1)

            @pl.when(j2 == SEC // 2 - 1)
            def _():
                pltpu.make_async_copy(buf0, acc.at[didx.at[j]], ss0).wait()
                pltpu.make_async_copy(buf1, acc.at[didx.at[j + 1]], ss1).wait()

            return carry2

        return lax.fori_loop(0, SEC // 2, pair, carry)

    lax.fori_loop(0, half // SEC, sec_body, 0)
    plsc.subcore_barrier()

    @pl.when(c == 0)
    def _():
        pltpu.sync_copy(acc.at[pl.ds(row0, RPT)], p0.at[pl.ds(row0, RPT)])

    @pl.when(c == 1)
    def _():
        pltpu.sync_copy(acc.at[pl.ds(row0, RPT)], p1.at[pl.ds(row0, RPT)])


def _dinv_block(deg_ref):
    return lax.rsqrt(deg_ref[...] + 1.0)


def _b_body(degp_ref, x_ref, w1_ref, hsa_ref, hsb_ref):
    dinv = _dinv_block(degp_ref)
    h = jnp.dot(x_ref[...], w1_ref[...], preferred_element_type=jnp.float32)
    hs = h * dinv
    hsa_ref[...] = hs[:, : D_HID // 2]
    hsb_ref[...] = hs[:, D_HID // 2 :]


def _d_body(degp_ref, a1a_ref, a1b_ref, b1_ref, w2_ref, h1_ref, hs2_ref):
    dinv = _dinv_block(degp_ref)
    agg = jnp.concatenate([a1a_ref[...], a1b_ref[...]], axis=1)
    h1 = jnp.maximum(agg * dinv + b1_ref[...], 0.0)
    h1_ref[...] = h1
    hs2 = jnp.dot(h1, w2_ref[...], preferred_element_type=jnp.float32) * dinv
    hs2_ref[...] = hs2


def _f_body(degp_ref, p0_ref, p1_ref, hs2_ref, b2_ref, h1_ref, batch_ref,
            h2_ref, xpool_ref, psum, cnt):
    i = pl.program_id(0)
    dinv = _dinv_block(degp_ref)
    agg2 = p0_ref[...] + p1_ref[...] - hs2_ref[...]
    h2 = jnp.maximum(agg2 * dinv + b2_ref[...], 0.0)
    h2_ref[...] = h2
    bt = batch_ref[0]
    gids = lax.broadcasted_iota(jnp.int32, (G, RB), 0)
    oh = (gids == bt).astype(jnp.float32)
    cat = jnp.concatenate([h1_ref[...], h2], axis=1)
    ps = jnp.dot(oh, cat, preferred_element_type=jnp.float32)
    cn = jnp.sum(oh, axis=1, keepdims=True)

    @pl.when(i == 0)
    def _():
        psum[...] = ps
        cnt[...] = cn

    @pl.when(i > 0)
    def _():
        psum[...] += ps
        cnt[...] += cn

    xpool_ref[...] = psum[...] / jnp.maximum(cnt[...], 1.0)


def kernel(x, edge_index, batch, W1, b1, W2, b2):
    f32 = jnp.float32
    src = edge_index[0]
    dst = edge_index[1]

    pad = EPT - E // NS
    src3 = jnp.pad(src.reshape(NS, E // NS), ((0, 0), (0, pad))).reshape(NS, NB, KB)
    dst3 = jnp.pad(
        dst.reshape(NS, E // NS), ((0, 0), (0, pad)), constant_values=N
    ).reshape(NS, NB, KB)

    xp = jnp.pad(x, ((0, NP - N), (0, 0)))
    batch3 = jnp.pad(batch.astype(jnp.int32), (0, NP - N), constant_values=G).reshape(
        GRID, 1, RB
    )
    ones_c = jnp.ones((KB, _DEG_W), f32)
    zeros_c = jnp.zeros((NP, _DEG_W), f32)

    degp2 = _deg_kernel(dst3, ones_c, zeros_c)
    degp = (degp2[0, :, :1] + degp2[1, :, :1])

    dc1 = D_HID // 2
    dc2 = D_OUT // 2

    grid = (GRID,)
    degp_spec = pl.BlockSpec((RB, 1), lambda i: (i, 0))
    row_spec = lambda w: pl.BlockSpec((RB, w), lambda i: (i, 0))
    full_spec = lambda r, c: pl.BlockSpec((r, c), lambda i: (0, 0))

    hs1a, hs1b = pl.pallas_call(
        _b_body,
        grid=grid,
        in_specs=[degp_spec, row_spec(D_IN), full_spec(D_IN, D_HID)],
        out_specs=[row_spec(dc1), row_spec(dc1)],
        out_shape=[
            jax.ShapeDtypeStruct((NP, dc1), f32),
            jax.ShapeDtypeStruct((NP, dc1), f32),
        ],
    )(degp, xp, W1)

    agg1a, agg1b = _agg128(hs1a, hs1b, src3, dst3)

    h1, hs2 = pl.pallas_call(
        _d_body,
        grid=grid,
        in_specs=[
            degp_spec,
            row_spec(dc1),
            row_spec(dc1),
            full_spec(1, D_HID),
            full_spec(D_HID, D_OUT),
        ],
        out_specs=[row_spec(D_HID), row_spec(D_OUT)],
        out_shape=[
            jax.ShapeDtypeStruct((NP, D_HID), f32),
            jax.ShapeDtypeStruct((NP, D_OUT), f32),
        ],
    )(degp, agg1a, agg1b, b1.reshape(1, D_HID), W2)

    p0, p1 = _agg2_kernel(hs2, src3, dst3)

    h2, xpool = pl.pallas_call(
        _f_body,
        grid=grid,
        in_specs=[
            degp_spec,
            row_spec(D_OUT),
            row_spec(D_OUT),
            row_spec(D_OUT),
            full_spec(1, D_OUT),
            row_spec(D_HID),
            pl.BlockSpec((1, 1, RB), lambda i: (i, 0, 0)),
        ],
        out_specs=[row_spec(D_OUT), pl.BlockSpec((G, D_HID + D_OUT), lambda i: (0, 0))],
        out_shape=[
            jax.ShapeDtypeStruct((NP, D_OUT), f32),
            jax.ShapeDtypeStruct((G, D_HID + D_OUT), f32),
        ],
        scratch_shapes=[
            pltpu.VMEM((G, D_HID + D_OUT), f32),
            pltpu.VMEM((G, 1), f32),
        ],
    )(degp, p0, p1, hs2, b2.reshape(1, D_OUT), h1, batch3)

    xcat = jnp.concatenate([h1[:N], h2[:N]], axis=1)
    return (xpool, xcat)

# --- scband reference (transcript-rebuilt; emitter-appended) ---
"""Pipeline reference for scband-encoder-42090679501272 (READ-ONLY COPY).

The authoritative reference and input builder live on the scoring server;
editing this copy changes nothing except your own understanding.
"""

import jax, jax.numpy as jnp
import numpy as np

N = 10000
E = 320000
G = 64
D_IN = 128
D_HID = 256  # 2 * out_channels
D_OUT = 128


def setup_inputs(seed: int = 0) -> dict:
    key = jax.random.key(seed)
    k1, k2, k3, k4, k5 = jax.random.split(key, 5)
    x = jax.random.normal(k1, (N, D_IN), dtype=jnp.float32)
    edge_index = jax.random.randint(k2, (2, E), 0, N, dtype=jnp.int32)
    batch = jnp.sort(jax.random.randint(k3, (N,), 0, G, dtype=jnp.int32))
    W1 = jax.random.normal(k4, (D_IN, D_HID), dtype=jnp.float32) * (1.0 / np.sqrt(D_IN))
    b1 = jnp.zeros((D_HID,), dtype=jnp.float32)
    W2 = jax.random.normal(k5, (D_HID, D_OUT), dtype=jnp.float32) * (1.0 / np.sqrt(D_HID))
    b2 = jnp.zeros((D_OUT,), dtype=jnp.float32)
    return {"x": x, "edge_index": edge_index, "batch": batch, "W1": W1, "b1": b1, "W2": W2, "b2": b2}


def gcn_conv(x, edge_index, W, b):
    # PyG GCNConv: linear, add self-loops, symmetric normalization, scatter-add, bias
    src = edge_index[0]
    dst = edge_index[1]
    loop = jnp.arange(N, dtype=src.dtype)
    src = jnp.concatenate([src, loop])
    dst = jnp.concatenate([dst, loop])
    deg = jax.ops.segment_sum(jnp.ones_like(dst, dtype=jnp.float32), dst, num_segments=N)
    dinv = jnp.where(deg > 0, deg ** -0.5, 0.0)
    norm = dinv[src] * dinv[dst]
    h = x @ W
    out = jax.ops.segment_sum(h[src] * norm[:, None], dst, num_segments=N)
    return out + b


def global_mean_pool(x, batch):
    s = jax.ops.segment_sum(x, batch, num_segments=G)
    cnt = jax.ops.segment_sum(jnp.ones((x.shape[0],), dtype=x.dtype), batch, num_segments=G)
    return s / jnp.maximum(cnt, 1.0)[:, None]


def reference(x, edge_index, batch, W1, b1, W2, b2):
    h1 = jax.nn.relu(gcn_conv(x, edge_index, W1, b1))
    h2 = jax.nn.relu(gcn_conv(h1, edge_index, W2, b2))
    xpool = jnp.concatenate([global_mean_pool(h1, batch), global_mean_pool(h2, batch)], axis=1)
    xcat = jnp.concatenate([h1, h2], axis=1)
    return (xpool, xcat)

if __name__ == "__main__":
    import jax
    _d = setup_inputs()
    print(jax.jit(kernel)(*tuple(_d.values())))

</pallas_src>

<mosaic_0001>
#map = affine_map<(d0, d1) -> (0, 0)>
#map1 = affine_map<(d0, d1) -> (0, 0, 0)>
module attributes {stable_mosaic.version = 14 : i64} {
  func.func @agg_kernel(%arg0: i32, %arg1: i32, %arg2: memref<10240x128xf32, #tpu.memory_space<hbm>>, %arg3: memref<10240x128xf32, #tpu.memory_space<hbm>>, %arg4: memref<16x160x128xi32, #tpu.memory_space<hbm>>, %arg5: memref<16x160x128xi32, #tpu.memory_space<hbm>>, %arg6: memref<10240x128xf32, #tpu.memory_space<hbm>>, %arg7: memref<10240x128xf32, #tpu.memory_space<hbm>>, %arg8: memref<16x128xi32, #tpu.memory_space<vmem>>, %arg9: memref<16x128xi32, #tpu.memory_space<vmem>>, %arg10: memref<128x128xf32, #tpu.memory_space<vmem>>, %arg11: memref<128x128xf32, #tpu.memory_space<vmem>>, %arg12: memref<10240x128xf32, #tpu.memory_space<vmem_shared>>, %arg13: memref<!tpu.dma_semaphore, #tpu.memory_space<semaphore_mem>>, %arg14: memref<!tpu.dma_semaphore, #tpu.memory_space<semaphore_mem>>, %arg15: memref<!tpu.dma_semaphore, #tpu.memory_space<semaphore_mem>>, %arg16: memref<!tpu.dma_semaphore, #tpu.memory_space<semaphore_mem>>) attributes {dimension_semantics = [#tpu.dimension_semantics<core_parallel>, #tpu.dimension_semantics<subcore_parallel>], iteration_bounds = array<i64: 2, 16>, scalar_prefetch = 0 : i64, scratch_operands = 9 : i64, tpu.core_type = #tpu.core_type<sc_vector_subcore>, window_params = [{transform_indices = #map}, {transform_indices = #map}, {transform_indices = #map1}, {transform_indices = #map1}, {transform_indices = #map}, {transform_indices = #map}]} {
    %mul3A = arith.constant 640 : i32
    %mul3A_0 = arith.muli %arg1, %mul3A : i32
    %eq3A = arith.constant 0 : i32
    %eq3A_1 = arith.cmpi eq, %arg0, %eq3A : i32
    %convert_element_type3A = arith.extui %eq3A_1 : i1 to i32
    %cond3A = arith.constant 0 : i32
    %cond3A_2 = arith.cmpi ne, %convert_element_type3A, %cond3A : i32
    scf.if %cond3A_2 {
      "tpu.region"() ({
        %run_scoped3A = tpu.sem_alloc : memref<!tpu.dma_semaphore, #tpu.memory_space<semaphore_mem>>
        %dma_start3A = arith.constant 0 : i32
        %dma_start3A_14 = tpu.memref_slice %arg12[%mul3A_0, %dma_start3A] : memref<10240x128xf32, #tpu.memory_space<vmem_shared>> -> memref<640x128xf32, #tpu.memory_space<vmem_shared>>
        %dma_start3A_15 = arith.constant 0 : i32
        %dma_start3A_16 = tpu.memref_slice %arg2[%mul3A_0, %dma_start3A_15] : memref<10240x128xf32, #tpu.memory_space<hbm>> -> memref<640x128xf32, #tpu.memory_space<hbm>>
        tpu.enqueue_dma source(%dma_start3A_16 : memref<640x128xf32, #tpu.memory_space<hbm>>) target(%dma_start3A_14 : memref<640x128xf32, #tpu.memory_space<vmem_shared>>) target_semaphore(%run_scoped3A : memref<!tpu.dma_semaphore, #tpu.memory_space<semaphore_mem>>)
        %dma_wait3A = arith.constant 0 : i32
        %dma_wait3A_17 = tpu.memref_slice %arg12[%mul3A_0, %dma_wait3A] : memref<10240x128xf32, #tpu.memory_space<vmem_shared>> -> memref<640x128xf32, #tpu.memory_space<vmem_shared>>
        %dma_wait3A_18 = arith.constant 0 : i32
        %dma_wait3A_19 = tpu.memref_slice %arg2[%mul3A_0, %dma_wait3A_18] : memref<10240x128xf32, #tpu.memory_space<hbm>> -> memref<640x128xf32, #tpu.memory_space<hbm>>
        tpu.wait_dma2 semaphore(%run_scoped3A : memref<!tpu.dma_semaphore, #tpu.memory_space<semaphore_mem>>) src(%dma_wait3A_19 : memref<640x128xf32, #tpu.memory_space<hbm>>) dst(%dma_wait3A_17 : memref<640x128xf32, #tpu.memory_space<vmem_shared>>)
        tpu.yield
      }) : () -> ()
      %barrier3A = arith.constant 0 : index
      tpu.barrier barrier_id(%barrier3A)
      %scan3A = arith.constant 0 : i32
      %scan3A_8 = arith.constant 0 : i32
      %scan3A_9 = arith.constant 10 : i32
      %scan3A_10 = arith.addi %scan3A_8, %scan3A_9 : i32
      %scan3A_11 = arith.constant 1 : i32
      scf.for %scan3A_14 = %scan3A_8 to %scan3A_10 step %scan3A_11  : i32 {
        %mul3A_15 = arith.constant 16 : i32
        %mul3A_16 = arith.muli %scan3A_14, %mul3A_15 : i32
        "tpu.region"() ({
          %run_scoped3A = tpu.sem_alloc : memref<!tpu.dma_semaphore, #tpu.memory_space<semaphore_mem>>
          %dma_start3A_37 = arith.constant 0 : i32
          %dma_start3A_38 = arith.constant 0 : i32
          %dma_start3A_39 = tpu.memref_slice %arg4[%arg1, %dma_start3A_37, %dma_start3A_38] : memref<16x160x128xi32, #tpu.memory_space<hbm>> -> memref<1x160x128xi32, #tpu.memory_space<hbm>>
          %dma_start3A_40 = tpu.memref_squeeze %dma_start3A_39 : memref<1x160x128xi32, #tpu.memory_space<hbm>> -> memref<160x128xi32, #tpu.memory_space<hbm>>
          %dma_start3A_41 = arith.constant 0 : i32
          %dma_start3A_42 = tpu.memref_slice %dma_start3A_40[%mul3A_16, %dma_start3A_41] : memref<160x128xi32, #tpu.memory_space<hbm>> -> memref<16x128xi32, #tpu.memory_space<hbm>>
          %dma_start3A_43 = arith.constant 0 : i32
          %dma_start3A_44 = arith.constant 0 : i32
          %dma_start3A_45 = tpu.memref_slice %arg4[%arg1, %dma_start3A_43, %dma_start3A_44] : memref<16x160x128xi32, #tpu.memory_space<hbm>> -> memref<1x160x128xi32, #tpu.memory_space<hbm>>
          %dma_start3A_46 = tpu.memref_squeeze %dma_start3A_45 : memref<1x160x128xi32, #tpu.memory_space<hbm>> -> memref<160x128xi32, #tpu.memory_space<hbm>>
          %dma_start3A_47 = arith.constant 0 : i32
          %dma_start3A_48 = tpu.memref_slice %dma_start3A_46[%mul3A_16, %dma_start3A_47] : memref<160x128xi32, #tpu.memory_space<hbm>> -> memref<16x128xi32, #tpu.memory_space<hbm>>
          tpu.enqueue_dma source(%dma_start3A_48 : memref<16x128xi32, #tpu.memory_space<hbm>>) target(%arg8 : memref<16x128xi32, #tpu.memory_space<vmem>>) target_semaphore(%run_scoped3A : memref<!tpu.dma_semaphore, #tpu.memory_space<semaphore_mem>>)
          %dma_wait3A = arith.constant 0 : i32
          %dma_wait3A_49 = arith.constant 0 : i32
          %dma_wait3A_50 = tpu.memref_slice %arg4[%arg1, %dma_wait3A, %dma_wait3A_49] : memref<16x160x128xi32, #tpu.memory_space<hbm>> -> memref<1x160x128xi32, #tpu.memory_space<hbm>>
          %dma_wait3A_51 = tpu.memref_squeeze %dma_wait3A_50 : memref<1x160x128xi32, #tpu.memory_space<hbm>> -> memref<160x128xi32, #tpu.memory_space<hbm>>
          %dma_wait3A_52 = arith.constant 0 : i32
          %dma_wait3A_53 = tpu.memref_slice %dma_wait3A_51[%mul3A_16, %dma_wait3A_52] : memref<160x128xi32, #tpu.memory_space<hbm>> -> memref<16x128xi32, #tpu.memory_space<hbm>>
          %dma_wait3A_54 = arith.constant 0 : i32
          %dma_wait3A_55 = arith.constant 0 : i32
          %dma_wait3A_56 = tpu.memref_slice %arg4[%arg1, %dma_wait3A_54, %dma_wait3A_55] : memref<16x160x128xi32, #tpu.memory_space<hbm>> -> memref<1x160x128xi32, #tpu.memory_space<hbm>>
          %dma_wait3A_57 = tpu.memref_squeeze %dma_wait3A_56 : memref<1x160x128xi32, #tpu.memory_space<hbm>> -> memref<160x128xi32, #tpu.memory_space<hbm>>
          %dma_wait3A_58 = arith.constant 0 : i32
          %dma_wait3A_59 = tpu.memref_slice %dma_wait3A_57[%mul3A_16, %dma_wait3A_58] : memref<160x128xi32, #tpu.memory_space<hbm>> -> memref<16x128xi32, #tpu.memory_space<hbm>>
          tpu.wait_dma2 semaphore(%run_scoped3A : memref<!tpu.dma_semaphore, #tpu.memory_space<semaphore_mem>>) src(%dma_wait3A_59 : memref<16x128xi32, #tpu.memory_space<hbm>>) dst(%arg8 : memref<16x128xi32, #tpu.memory_space<vmem>>)
          tpu.yield
        }) : () -> ()
        %mul3A_17 = arith.constant 16 : i32
        %mul3A_18 = arith.muli %scan3A_14, %mul3A_17 : i32
        "tpu.region"() ({
          %run_scoped3A = tpu.sem_alloc : memref<!tpu.dma_semaphore, #tpu.memory_space<semaphore_mem>>
          %dma_start3A_37 = arith.constant 0 : i32
          %dma_start3A_38 = arith.constant 0 : i32
          %dma_start3A_39 = tpu.memref_slice %arg5[%arg1, %dma_start3A_37, %dma_start3A_38] : memref<16x160x128xi32, #tpu.memory_space<hbm>> -> memref<1x160x128xi32, #tpu.memory_space<hbm>>
          %dma_start3A_40 = tpu.memref_squeeze %dma_start3A_39 : memref<1x160x128xi32, #tpu.memory_space<hbm>> -> memref<160x128xi32, #tpu.memory_space<hbm>>
          %dma_start3A_41 = arith.constant 0 : i32
          %dma_start3A_42 = tpu.memref_slice %dma_start3A_40[%mul3A_18, %dma_start3A_41] : memref<160x128xi32, #tpu.memory_space<hbm>> -> memref<16x128xi32, #tpu.memory_space<hbm>>
          %dma_start3A_43 = arith.constant 0 : i32
          %dma_start3A_44 = arith.constant 0 : i32
          %dma_start3A_45 = tpu.memref_slice %arg5[%arg1, %dma_start3A_43, %dma_start3A_44] : memref<16x160x128xi32, #tpu.memory_space<hbm>> -> memref<1x160x128xi32, #tpu.memory_space<hbm>>
          %dma_start3A_46 = tpu.memref_squeeze %dma_start3A_45 : memref<1x160x128xi32, #tpu.memory_space<hbm>> -> memref<160x128xi32, #tpu.memory_space<hbm>>
          %dma_start3A_47 = arith.constant 0 : i32
          %dma_start3A_48 = tpu.memref_slice %dma_start3A_46[%mul3A_18, %dma_start3A_47] : memref<160x128xi32, #tpu.memory_space<hbm>> -> memref<16x128xi32, #tpu.memory_space<hbm>>
          tpu.enqueue_dma source(%dma_start3A_48 : memref<16x128xi32, #tpu.memory_space<hbm>>) target(%arg9 : memref<16x128xi32, #tpu.memory_space<vmem>>) target_semaphore(%run_scoped3A : memref<!tpu.dma_semaphore, #tpu.memory_space<semaphore_mem>>)
          %dma_wait3A = arith.constant 0 : i32
          %dma_wait3A_49 = arith.constant 0 : i32
          %dma_wait3A_50 = tpu.memref_slice %arg5[%arg1, %dma_wait3A, %dma_wait3A_49] : memref<16x160x128xi32, #tpu.memory_space<hbm>> -> memref<1x160x128xi32, #tpu.memory_space<hbm>>
          %dma_wait3A_51 = tpu.memref_squeeze %dma_wait3A_50 : memref<1x160x128xi32, #tpu.memory_space<hbm>> -> memref<160x128xi32, #tpu.memory_space<hbm>>
          %dma_wait3A_52 = arith.constant 0 : i32
          %dma_wait3A_53 = tpu.memref_slice %dma_wait3A_51[%mul3A_18, %dma_wait3A_52] : memref<160x128xi32, #tpu.memory_space<hbm>> -> memref<16x128xi32, #tpu.memory_space<hbm>>
          %dma_wait3A_54 = arith.constant 0 : i32
          %dma_wait3A_55 = arith.constant 0 : i32
          %dma_wait3A_56 = tpu.memref_slice %arg5[%arg1, %dma_wait3A_54, %dma_wait3A_55] : memref<16x160x128xi32, #tpu.memory_space<hbm>> -> memref<1x160x128xi32, #tpu.memory_space<hbm>>
          %dma_wait3A_57 = tpu.memref_squeeze %dma_wait3A_56 : memref<1x160x128xi32, #tpu.memory_space<hbm>> -> memref<160x128xi32, #tpu.memory_space<hbm>>
          %dma_wait3A_58 = arith.constant 0 : i32
          %dma_wait3A_59 = tpu.memref_slice %dma_wait3A_57[%mul3A_18, %dma_wait3A_58] : memref<160x128xi32, #tpu.memory_space<hbm>> -> memref<16x128xi32, #tpu.memory_space<hbm>>
          tpu.wait_dma2 semaphore(%run_scoped3A : memref<!tpu.dma_semaphore, #tpu.memory_space<semaphore_mem>>) src(%dma_wait3A_59 : memref<16x128xi32, #tpu.memory_space<hbm>>) dst(%arg9 : memref<16x128xi32, #tpu.memory_space<vmem>>)
          tpu.yield
        }) : () -> ()
        %dma_start3A = arith.constant 0 : i32
        %dma_start3A_19 = arith.constant 0 : i32
        %dma_start3A_20 = tpu.memref_slice %arg8[%dma_start3A, %dma_start3A_19] : memref<16x128xi32, #tpu.memory_space<vmem>> -> memref<1x128xi32, #tpu.memory_space<vmem>>
        %dma_start3A_21 = tpu.memref_squeeze %dma_start3A_20 : memref<1x128xi32, #tpu.memory_space<vmem>> -> memref<128xi32, #tpu.memory_space<vmem>>
        %dma_start3A_22 = arith.constant 0 : i32
        %dma_start3A_23 = arith.constant 0 : i32
        %dma_start3A_24 = tpu.memref_slice %arg2[%dma_start3A_22, %dma_start3A_23] : memref<10240x128xf32, #tpu.memory_space<hbm>> -> memref<10240x128xf32, #tpu.memory_space<hbm>>
        tpu.enqueue_indirect_dma source(%dma_start3A_24 : memref<10240x128xf32, #tpu.memory_space<hbm>>) target(%arg10 : memref<128x128xf32, #tpu.memory_space<vmem>>) offsets(%dma_start3A_21 : memref<128xi32, #tpu.memory_space<vmem>>) semaphore(%arg13 : memref<!tpu.dma_semaphore, #tpu.memory_space<semaphore_mem>>)
        %dma_start3A_25 = arith.constant 1 : i32
        %dma_start3A_26 = arith.constant 0 : i32
        %dma_start3A_27 = tpu.memref_slice %arg8[%dma_start3A_25, %dma_start3A_26] : memref<16x128xi32, #tpu.memory_space<vmem>> -> memref<1x128xi32, #tpu.memory_space<vmem>>
        %dma_start3A_28 = tpu.memref_squeeze %dma_start3A_27 : memref<1x128xi32, #tpu.memory_space<vmem>> -> memref<128xi32, #tpu.memory_space<vmem>>
        %dma_start3A_29 = arith.constant 0 : i32
        %dma_start3A_30 = arith.constant 0 : i32
        %dma_start3A_31 = tpu.memref_slice %arg2[%dma_start3A_29, %dma_start3A_30] : memref<10240x128xf32, #tpu.memory_space<hbm>> -> memref<10240x128xf32, #tpu.memory_space<hbm>>
        tpu.enqueue_indirect_dma source(%dma_start3A_31 : memref<10240x128xf32, #tpu.memory_space<hbm>>) target(%arg11 : memref<128x128xf32, #tpu.memory_space<vmem>>) offsets(%dma_start3A_28 : memref<128xi32, #tpu.memory_space<vmem>>) semaphore(%arg14 : memref<!tpu.dma_semaphore, #tpu.memory_space<semaphore_mem>>)
        %scan3A_32 = arith.constant 0 : i32
        %scan3A_33 = arith.constant 8 : i32
        %scan3A_34 = arith.addi %scan3A_32, %scan3A_33 : i32
        %scan3A_35 = arith.constant 1 : i32
        scf.for %scan3A_37 = %scan3A_32 to %scan3A_34 step %scan3A_35  : i32 {
          %mul3A_38 = arith.constant 2 : i32
          %mul3A_39 = arith.muli %scan3A_37, %mul3A_38 : i32
          %dma_wait3A = arith.constant 0 : i32
          %dma_wait3A_40 = tpu.memref_slice %arg8[%mul3A_39, %dma_wait3A] : memref<16x128xi32, #tpu.memory_space<vmem>> -> memref<1x128xi32, #tpu.memory_space<vmem>>
          %dma_wait3A_41 = tpu.memref_squeeze %dma_wait3A_40 : memref<1x128xi32, #tpu.memory_space<vmem>> -> memref<128xi32, #tpu.memory_space<vmem>>
          %dma_wait3A_42 = arith.constant 0 : i32
          %dma_wait3A_43 = arith.constant 0 : i32
          %dma_wait3A_44 = tpu.memref_slice %arg2[%dma_wait3A_42, %dma_wait3A_43] : memref<10240x128xf32, #tpu.memory_space<hbm>> -> memref<10240x128xf32, #tpu.memory_space<hbm>>
          tpu.wait_indirect_dma semaphore(%arg13 : memref<!tpu.dma_semaphore, #tpu.memory_space<semaphore_mem>>) src(%dma_wait3A_44 : memref<10240x128xf32, #tpu.memory_space<hbm>>) dst(%arg10 : memref<128x128xf32, #tpu.memory_space<vmem>>)
          %dma_start3A_45 = arith.constant 0 : i32
          %dma_start3A_46 = tpu.memref_slice %arg9[%mul3A_39, %dma_start3A_45] : memref<16x128xi32, #tpu.memory_space<vmem>> -> memref<1x128xi32, #tpu.memory_space<vmem>>
          %dma_start3A_47 = tpu.memref_squeeze %dma_start3A_46 : memref<1x128xi32, #tpu.memory_space<vmem>> -> memref<128xi32, #tpu.memory_space<vmem>>
          %dma_start3A_48 = arith.constant 0 : i32
          %dma_start3A_49 = arith.constant 0 : i32
          %dma_start3A_50 = tpu.memref_slice %arg12[%dma_start3A_48, %dma_start3A_49] : memref<10240x128xf32, #tpu.memory_space<vmem_shared>> -> memref<10240x128xf32, #tpu.memory_space<vmem_shared>>
          tpu.enqueue_indirect_dma source(%arg10 : memref<128x128xf32, #tpu.memory_space<vmem>>) target(%dma_start3A_50 : memref<10240x128xf32, #tpu.memory_space<vmem_shared>>) offsets(%dma_start3A_47 : memref<128xi32, #tpu.memory_space<vmem>>) semaphore(%arg15 : memref<!tpu.dma_semaphore, #tpu.memory_space<semaphore_mem>>) {add = true}
          %add3A = arith.constant 1 : i32
          %add3A_51 = arith.addi %mul3A_39, %add3A : i32
          %dma_wait3A_52 = arith.constant 0 : i32
          %dma_wait3A_53 = tpu.memref_slice %arg8[%add3A_51, %dma_wait3A_52] : memref<16x128xi32, #tpu.memory_space<vmem>> -> memref<1x128xi32, #tpu.memory_space<vmem>>
          %dma_wait3A_54 = tpu.memref_squeeze %dma_wait3A_53 : memref<1x128xi32, #tpu.memory_space<vmem>> -> memref<128xi32, #tpu.memory_space<vmem>>
          %dma_wait3A_55 = arith.constant 0 : i32
          %dma_wait3A_56 = arith.constant 0 : i32
          %dma_wait3A_57 = tpu.memref_slice %arg2[%dma_wait3A_55, %dma_wait3A_56] : memref<10240x128xf32, #tpu.memory_space<hbm>> -> memref<10240x128xf32, #tpu.memory_space<hbm>>
          tpu.wait_indirect_dma semaphore(%arg14 : memref<!tpu.dma_semaphore, #tpu.memory_space<semaphore_mem>>) src(%dma_wait3A_57 : memref<10240x128xf32, #tpu.memory_space<hbm>>) dst(%arg11 : memref<128x128xf32, #tpu.memory_space<vmem>>)
          %add3A_58 = arith.constant 1 : i32
          %add3A_59 = arith.addi %mul3A_39, %add3A_58 : i32
          %dma_start3A_60 = arith.constant 0 : i32
          %dma_start3A_61 = tpu.memref_slice %arg9[%add3A_59, %dma_start3A_60] : memref<16x128xi32, #tpu.memory_space<vmem>> -> memref<1x128xi32, #tpu.memory_space<vmem>>
          %dma_start3A_62 = tpu.memref_squeeze %dma_start3A_61 : memref<1x128xi32, #tpu.memory_space<vmem>> -> memref<128xi32, #tpu.memory_space<vmem>>
          %dma_start3A_63 = arith.constant 0 : i32
          %dma_start3A_64 = arith.constant 0 : i32
          %dma_start3A_65 = tpu.memref_slice %arg12[%dma_start3A_63, %dma_start3A_64] : memref<10240x128xf32, #tpu.memory_space<vmem_shared>> -> memref<10240x128xf32, #tpu.memory_space<vmem_shared>>
          tpu.enqueue_indirect_dma source(%arg11 : memref<128x128xf32, #tpu.memory_space<vmem>>) target(%dma_start3A_65 : memref<10240x128xf32, #tpu.memory_space<vmem_shared>>) offsets(%dma_start3A_62 : memref<128xi32, #tpu.memory_space<vmem>>) semaphore(%arg16 : memref<!tpu.dma_semaphore, #tpu.memory_space<semaphore_mem>>) {add = true}
          %lt3A = arith.constant 7 : i32
          %lt3A_66 = arith.cmpi slt, %scan3A_37, %lt3A : i32
          %convert_element_type3A_67 = arith.extui %lt3A_66 : i1 to i32
          %cond3A_68 = arith.constant 0 : i32
          %cond3A_69 = arith.cmpi ne, %convert_element_type3A_67, %cond3A_68 : i32
          scf.if %cond3A_69 {
            %dma_wait3A_75 = arith.constant 0 : i32
            %dma_wait3A_76 = tpu.memref_slice %arg9[%mul3A_39, %dma_wait3A_75] : memref<16x128xi32, #tpu.memory_space<vmem>> -> memref<1x128xi32, #tpu.memory_space<vmem>>
            %dma_wait3A_77 = tpu.memref_squeeze %dma_wait3A_76 : memref<1x128xi32, #tpu.memory_space<vmem>> -> memref<128xi32, #tpu.memory_space<vmem>>
            %dma_wait3A_78 = arith.constant 0 : i32
            %dma_wait3A_79 = arith.constant 0 : i32
            %dma_wait3A_80 = tpu.memref_slice %arg12[%dma_wait3A_78, %dma_wait3A_79] : memref<10240x128xf32, #tpu.memory_space<vmem_shared>> -> memref<10240x128xf32, #tpu.memory_space<vmem_shared>>
            tpu.wait_indirect_dma semaphore(%arg15 : memref<!tpu.dma_semaphore, #tpu.memory_space<semaphore_mem>>) src(%arg10 : memref<128x128xf32, #tpu.memory_space<vmem>>) dst(%dma_wait3A_80 : memref<10240x128xf32, #tpu.memory_space<vmem_shared>>)
            %add3A_81 = arith.constant 2 : i32
            %add3A_82 = arith.addi %mul3A_39, %add3A_81 : i32
            %dma_start3A_83 = arith.constant 0 : i32
            %dma_start3A_84 = tpu.memref_slice %arg8[%add3A_82, %dma_start3A_83] : memref<16x128xi32, #tpu.memory_space<vmem>> -> memref<1x128xi32, #tpu.memory_space<vmem>>
            %dma_start3A_85 = tpu.memref_squeeze %dma_start3A_84 : memref<1x128xi32, #tpu.memory_space<vmem>> -> memref<128xi32, #tpu.memory_space<vmem>>
            %dma_start3A_86 = arith.constant 0 : i32
            %dma_start3A_87 = arith.constant 0 : i32
            %dma_start3A_88 = tpu.memref_slice %arg2[%dma_start3A_86, %dma_start3A_87] : memref<10240x128xf32, #tpu.memory_space<hbm>> -> memref<10240x128xf32, #tpu.memory_space<hbm>>
            tpu.enqueue_indirect_dma source(%dma_start3A_88 : memref<10240x128xf32, #tpu.memory_space<hbm>>) target(%arg10 : memref<128x128xf32, #tpu.memory_space<vmem>>) offsets(%dma_start3A_85 : memref<128xi32, #tpu.memory_space<vmem>>) semaphore(%arg13 : memref<!tpu.dma_semaphore, #tpu.memory_space<semaphore_mem>>)
            %add3A_89 = arith.constant 1 : i32
            %add3A_90 = arith.addi %mul3A_39, %add3A_89 : i32
            %dma_wait3A_91 = arith.constant 0 : i32
            %dma_wait3A_92 = tpu.memref_slice %arg9[%add3A_90, %dma_wait3A_91] : memref<16x128xi32, #tpu.memory_space<vmem>> -> memref<1x128xi32, #tpu.memory_space<vmem>>
            %dma_wait3A_93 = tpu.memref_squeeze %dma_wait3A_92 : memref<1x128xi32, #tpu.memory_space<vmem>> -> memref<128xi32, #tpu.memory_space<vmem>>
            %dma_wait3A_94 = arith.constant 0 : i32
            %dma_wait3A_95 = arith.constant 0 : i32
            %dma_wait3A_96 = tpu.memref_slice %arg12[%dma_wait3A_94, %dma_wait3A_95] : memref<10240x128xf32, #tpu.memory_space<vmem_shared>> -> memref<10240x128xf32, #tpu.memory_space<vmem_shared>>
            tpu.wait_indirect_dma semaphore(%arg16 : memref<!tpu.dma_semaphore, #tpu.memory_space<semaphore_mem>>) src(%arg11 : memref<128x128xf32, #tpu.memory_space<vmem>>) dst(%dma_wait3A_96 : memref<10240x128xf32, #tpu.memory_space<vmem_shared>>)
            %add3A_97 = arith.constant 3 : i32
            %add3A_98 = arith.addi %mul3A_39, %add3A_97 : i32
            %dma_start3A_99 = arith.constant 0 : i32
            %dma_start3A_100 = tpu.memref_slice %arg8[%add3A_98, %dma_start3A_99] : memref<16x128xi32, #tpu.memory_space<vmem>> -> memref<1x128xi32, #tpu.memory_space<vmem>>
            %dma_start3A_101 = tpu.memref_squeeze %dma_start3A_100 : memref<1x128xi32, #tpu.memory_space<vmem>> -> memref<128xi32, #tpu.memory_space<vmem>>
            %dma_start3A_102 = arith.constant 0 : i32
            %dma_start3A_103 = arith.constant 0 : i32
            %dma_start3A_104 = tpu.memref_slice %arg2[%dma_start3A_102, %dma_start3A_103] : memref<10240x128xf32, #tpu.memory_space<hbm>> -> memref<10240x128xf32, #tpu.memory_space<hbm>>
            tpu.enqueue_indirect_dma source(%dma_start3A_104 : memref<10240x128xf32, #tpu.memory_space<hbm>>) target(%arg11 : memref<128x128xf32, #tpu.memory_space<vmem>>) offsets(%dma_start3A_101 : memref<128xi32, #tpu.memory_space<vmem>>) semaphore(%arg14 : memref<!tpu.dma_semaphore, #tpu.memory_space<semaphore_mem>>)
          } else {
          }
          %eq3A_70 = arith.constant 7 : i32
          %eq3A_71 = arith.cmpi eq, %scan3A_37, %eq3A_70 : i32
          %convert_element_type3A_72 = arith.extui %eq3A_71 : i1 to i32
          %cond3A_73 = arith.constant 0 : i32
          %cond3A_74 = arith.cmpi ne, %convert_element_type3A_72, %cond3A_73 : i32
          scf.if %cond3A_74 {
            %dma_wait3A_75 = arith.constant 0 : i32
            %dma_wait3A_76 = tpu.memref_slice %arg9[%mul3A_39, %dma_wait3A_75] : memref<16x128xi32, #tpu.memory_space<vmem>> -> memref<1x128xi32, #tpu.memory_space<vmem>>
            %dma_wait3A_77 = tpu.memref_squeeze %dma_wait3A_76 : memref<1x128xi32, #tpu.memory_space<vmem>> -> memref<128xi32, #tpu.memory_space<vmem>>
            %dma_wait3A_78 = arith.constant 0 : i32
            %dma_wait3A_79 = arith.constant 0 : i32
            %dma_wait3A_80 = tpu.memref_slice %arg12[%dma_wait3A_78, %dma_wait3A_79] : memref<10240x128xf32, #tpu.memory_space<vmem_shared>> -> memref<10240x128xf32, #tpu.memory_space<vmem_shared>>
            tpu.wait_indirect_dma semaphore(%arg15 : memref<!tpu.dma_semaphore, #tpu.memory_space<semaphore_mem>>) src(%arg10 : memref<128x128xf32, #tpu.memory_space<vmem>>) dst(%dma_wait3A_80 : memref<10240x128xf32, #tpu.memory_space<vmem_shared>>)
            %add3A_81 = arith.constant 1 : i32
            %add3A_82 = arith.addi %mul3A_39, %add3A_81 : i32
            %dma_wait3A_83 = arith.constant 0 : i32
            %dma_wait3A_84 = tpu.memref_slice %arg9[%add3A_82, %dma_wait3A_83] : memref<16x128xi32, #tpu.memory_space<vmem>> -> memref<1x128xi32, #tpu.memory_space<vmem>>
            %dma_wait3A_85 = tpu.memref_squeeze %dma_wait3A_84 : memref<1x128xi32, #tpu.memory_space<vmem>> -> memref<128xi32, #tpu.memory_space<vmem>>
            %dma_wait3A_86 = arith.constant 0 : i32
            %dma_wait3A_87 = arith.constant 0 : i32
            %dma_wait3A_88 = tpu.memref_slice %arg12[%dma_wait3A_86, %dma_wait3A_87] : memref<10240x128xf32, #tpu.memory_space<vmem_shared>> -> memref<10240x128xf32, #tpu.memory_space<vmem_shared>>
            tpu.wait_indirect_dma semaphore(%arg16 : memref<!tpu.dma_semaphore, #tpu.memory_space<semaphore_mem>>) src(%arg11 : memref<128x128xf32, #tpu.memory_space<vmem>>) dst(%dma_wait3A_88 : memref<10240x128xf32, #tpu.memory_space<vmem_shared>>)
          } else {
          }
        }
        %scan3A_36 = arith.constant 8 : i32
      }
      %scan3A_12 = arith.constant 10 : i32
      %barrier3A_13 = arith.constant 0 : index
      tpu.barrier barrier_id(%barrier3A_13)
      "tpu.region"() ({
        %run_scoped3A = tpu.sem_alloc : memref<!tpu.dma_semaphore, #tpu.memory_space<semaphore_mem>>
        %dma_start3A = arith.constant 0 : i32
        %dma_start3A_14 = tpu.memref_slice %arg6[%mul3A_0, %dma_start3A] : memref<10240x128xf32, #tpu.memory_space<hbm>> -> memref<640x128xf32, #tpu.memory_space<hbm>>
        %dma_start3A_15 = arith.constant 0 : i32
        %dma_start3A_16 = tpu.memref_slice %arg12[%mul3A_0, %dma_start3A_15] : memref<10240x128xf32, #tpu.memory_space<vmem_shared>> -> memref<640x128xf32, #tpu.memory_space<vmem_shared>>
        tpu.enqueue_dma source(%dma_start3A_16 : memref<640x128xf32, #tpu.memory_space<vmem_shared>>) target(%dma_start3A_14 : memref<640x128xf32, #tpu.memory_space<hbm>>) target_semaphore(%run_scoped3A : memref<!tpu.dma_semaphore, #tpu.memory_space<semaphore_mem>>)
        %dma_wait3A = arith.constant 0 : i32
        %dma_wait3A_17 = tpu.memref_slice %arg6[%mul3A_0, %dma_wait3A] : memref<10240x128xf32, #tpu.memory_space<hbm>> -> memref<640x128xf32, #tpu.memory_space<hbm>>
        %dma_wait3A_18 = arith.constant 0 : i32
        %dma_wait3A_19 = tpu.memref_slice %arg12[%mul3A_0, %dma_wait3A_18] : memref<10240x128xf32, #tpu.memory_space<vmem_shared>> -> memref<640x128xf32, #tpu.memory_space<vmem_shared>>
        tpu.wait_dma2 semaphore(%run_scoped3A : memref<!tpu.dma_semaphore, #tpu.memory_space<semaphore_mem>>) src(%dma_wait3A_19 : memref<640x128xf32, #tpu.memory_space<vmem_shared>>) dst(%dma_wait3A_17 : memref<640x128xf32, #tpu.memory_space<hbm>>)
        tpu.yield
      }) : () -> ()
    } else {
    }
    %eq3A_3 = arith.constant 1 : i32
    %eq3A_4 = arith.cmpi eq, %arg0, %eq3A_3 : i32
    %convert_element_type3A_5 = arith.extui %eq3A_4 : i1 to i32
    %cond3A_6 = arith.constant 0 : i32
    %cond3A_7 = arith.cmpi ne, %convert_element_type3A_5, %cond3A_6 : i32
    scf.if %cond3A_7 {
      "tpu.region"() ({
        %run_scoped3A = tpu.sem_alloc : memref<!tpu.dma_semaphore, #tpu.memory_space<semaphore_mem>>
        %dma_start3A = arith.constant 0 : i32
        %dma_start3A_14 = tpu.memref_slice %arg12[%mul3A_0, %dma_start3A] : memref<10240x128xf32, #tpu.memory_space<vmem_shared>> -> memref<640x128xf32, #tpu.memory_space<vmem_shared>>
        %dma_start3A_15 = arith.constant 0 : i32
        %dma_start3A_16 = tpu.memref_slice %arg3[%mul3A_0, %dma_start3A_15] : memref<10240x128xf32, #tpu.memory_space<hbm>> -> memref<640x128xf32, #tpu.memory_space<hbm>>
        tpu.enqueue_dma source(%dma_start3A_16 : memref<640x128xf32, #tpu.memory_space<hbm>>) target(%dma_start3A_14 : memref<640x128xf32, #tpu.memory_space<vmem_shared>>) target_semaphore(%run_scoped3A : memref<!tpu.dma_semaphore, #tpu.memory_space<semaphore_mem>>)
        %dma_wait3A = arith.constant 0 : i32
        %dma_wait3A_17 = tpu.memref_slice %arg12[%mul3A_0, %dma_wait3A] : memref<10240x128xf32, #tpu.memory_space<vmem_shared>> -> memref<640x128xf32, #tpu.memory_space<vmem_shared>>
        %dma_wait3A_18 = arith.constant 0 : i32
        %dma_wait3A_19 = tpu.memref_slice %arg3[%mul3A_0, %dma_wait3A_18] : memref<10240x128xf32, #tpu.memory_space<hbm>> -> memref<640x128xf32, #tpu.memory_space<hbm>>
        tpu.wait_dma2 semaphore(%run_scoped3A : memref<!tpu.dma_semaphore, #tpu.memory_space<semaphore_mem>>) src(%dma_wait3A_19 : memref<640x128xf32, #tpu.memory_space<hbm>>) dst(%dma_wait3A_17 : memref<640x128xf32, #tpu.memory_space<vmem_shared>>)
        tpu.yield
      }) : () -> ()
      %barrier3A = arith.constant 0 : index
      tpu.barrier barrier_id(%barrier3A)
      %scan3A = arith.constant 0 : i32
      %scan3A_8 = arith.constant 0 : i32
      %scan3A_9 = arith.constant 10 : i32
      %scan3A_10 = arith.addi %scan3A_8, %scan3A_9 : i32
      %scan3A_11 = arith.constant 1 : i32
      scf.for %scan3A_14 = %scan3A_8 to %scan3A_10 step %scan3A_11  : i32 {
        %mul3A_15 = arith.constant 16 : i32
        %mul3A_16 = arith.muli %scan3A_14, %mul3A_15 : i32
        "tpu.region"() ({
          %run_scoped3A = tpu.sem_alloc : memref<!tpu.dma_semaphore, #tpu.memory_space<semaphore_mem>>
          %dma_start3A_37 = arith.constant 0 : i32
          %dma_start3A_38 = arith.constant 0 : i32
          %dma_start3A_39 = tpu.memref_slice %arg4[%arg1, %dma_start3A_37, %dma_start3A_38] : memref<16x160x128xi32, #tpu.memory_space<hbm>> -> memref<1x160x128xi32, #tpu.memory_space<hbm>>
          %dma_start3A_40 = tpu.memref_squeeze %dma_start3A_39 : memref<1x160x128xi32, #tpu.memory_space<hbm>> -> memref<160x128xi32, #tpu.memory_space<hbm>>
          %dma_start3A_41 = arith.constant 0 : i32
          %dma_start3A_42 = tpu.memref_slice %dma_start3A_40[%mul3A_16, %dma_start3A_41] : memref<160x128xi32, #tpu.memory_space<hbm>> -> memref<16x128xi32, #tpu.memory_space<hbm>>
          %dma_start3A_43 = arith.constant 0 : i32
          %dma_start3A_44 = arith.constant 0 : i32
          %dma_start3A_45 = tpu.memref_slice %arg4[%arg1, %dma_start3A_43, %dma_start3A_44] : memref<16x160x128xi32, #tpu.memory_space<hbm>> -> memref<1x160x128xi32, #tpu.memory_space<hbm>>
          %dma_start3A_46 = tpu.memref_squeeze %dma_start3A_45 : memref<1x160x128xi32, #tpu.memory_space<hbm>> -> memref<160x128xi32, #tpu.memory_space<hbm>>
          %dma_start3A_47 = arith.constant 0 : i32
          %dma_start3A_48 = tpu.memref_slice %dma_start3A_46[%mul3A_16, %dma_start3A_47] : memref<160x128xi32, #tpu.memory_space<hbm>> -> memref<16x128xi32, #tpu.memory_space<hbm>>
          tpu.enqueue_dma source(%dma_start3A_48 : memref<16x128xi32, #tpu.memory_space<hbm>>) target(%arg8 : memref<16x128xi32, #tpu.memory_space<vmem>>) target_semaphore(%run_scoped3A : memref<!tpu.dma_semaphore, #tpu.memory_space<semaphore_mem>>)
          %dma_wait3A = arith.constant 0 : i32
          %dma_wait3A_49 = arith.constant 0 : i32
          %dma_wait3A_50 = tpu.memref_slice %arg4[%arg1, %dma_wait3A, %dma_wait3A_49] : memref<16x160x128xi32, #tpu.memory_space<hbm>> -> memref<1x160x128xi32, #tpu.memory_space<hbm>>
          %dma_wait3A_51 = tpu.memref_squeeze %dma_wait3A_50 : memref<1x160x128xi32, #tpu.memory_space<hbm>> -> memref<160x128xi32, #tpu.memory_space<hbm>>
          %dma_wait3A_52 = arith.constant 0 : i32
          %dma_wait3A_53 = tpu.memref_slice %dma_wait3A_51[%mul3A_16, %dma_wait3A_52] : memref<160x128xi32, #tpu.memory_space<hbm>> -> memref<16x128xi32, #tpu.memory_space<hbm>>
          %dma_wait3A_54 = arith.constant 0 : i32
          %dma_wait3A_55 = arith.constant 0 : i32
          %dma_wait3A_56 = tpu.memref_slice %arg4[%arg1, %dma_wait3A_54, %dma_wait3A_55] : memref<16x160x128xi32, #tpu.memory_space<hbm>> -> memref<1x160x128xi32, #tpu.memory_space<hbm>>
          %dma_wait3A_57 = tpu.memref_squeeze %dma_wait3A_56 : memref<1x160x128xi32, #tpu.memory_space<hbm>> -> memref<160x128xi32, #tpu.memory_space<hbm>>
          %dma_wait3A_58 = arith.constant 0 : i32
          %dma_wait3A_59 = tpu.memref_slice %dma_wait3A_57[%mul3A_16, %dma_wait3A_58] : memref<160x128xi32, #tpu.memory_space<hbm>> -> memref<16x128xi32, #tpu.memory_space<hbm>>
          tpu.wait_dma2 semaphore(%run_scoped3A : memref<!tpu.dma_semaphore, #tpu.memory_space<semaphore_mem>>) src(%dma_wait3A_59 : memref<16x128xi32, #tpu.memory_space<hbm>>) dst(%arg8 : memref<16x128xi32, #tpu.memory_space<vmem>>)
          tpu.yield
        }) : () -> ()
        %mul3A_17 = arith.constant 16 : i32
        %mul3A_18 = arith.muli %scan3A_14, %mul3A_17 : i32
        "tpu.region"() ({
          %run_scoped3A = tpu.sem_alloc : memref<!tpu.dma_semaphore, #tpu.memory_space<semaphore_mem>>
          %dma_start3A_37 = arith.constant 0 : i32
          %dma_start3A_38 = arith.constant 0 : i32
          %dma_start3A_39 = tpu.memref_slice %arg5[%arg1, %dma_start3A_37, %dma_start3A_38] : memref<16x160x128xi32, #tpu.memory_space<hbm>> -> memref<1x160x128xi32, #tpu.memory_space<hbm>>
          %dma_start3A_40 = tpu.memref_squeeze %dma_start3A_39 : memref<1x160x128xi32, #tpu.memory_space<hbm>> -> memref<160x128xi32, #tpu.memory_space<hbm>>
          %dma_start3A_41 = arith.constant 0 : i32
          %dma_start3A_42 = tpu.memref_slice %dma_start3A_40[%mul3A_18, %dma_start3A_41] : memref<160x128xi32, #tpu.memory_space<hbm>> -> memref<16x128xi32, #tpu.memory_space<hbm>>
          %dma_start3A_43 = arith.constant 0 : i32
          %dma_start3A_44 = arith.constant 0 : i32
          %dma_start3A_45 = tpu.memref_slice %arg5[%arg1, %dma_start3A_43, %dma_start3A_44] : memref<16x160x128xi32, #tpu.memory_space<hbm>> -> memref<1x160x128xi32, #tpu.memory_space<hbm>>
          %dma_start3A_46 = tpu.memref_squeeze %dma_start3A_45 : memref<1x160x128xi32, #tpu.memory_space<hbm>> -> memref<160x128xi32, #tpu.memory_space<hbm>>
          %dma_start3A_47 = arith.constant 0 : i32
          %dma_start3A_48 = tpu.memref_slice %dma_start3A_46[%mul3A_18, %dma_start3A_47] : memref<160x128xi32, #tpu.memory_space<hbm>> -> memref<16x128xi32, #tpu.memory_space<hbm>>
          tpu.enqueue_dma source(%dma_start3A_48 : memref<16x128xi32, #tpu.memory_space<hbm>>) target(%arg9 : memref<16x128xi32, #tpu.memory_space<vmem>>) target_semaphore(%run_scoped3A : memref<!tpu.dma_semaphore, #tpu.memory_space<semaphore_mem>>)
          %dma_wait3A = arith.constant 0 : i32
          %dma_wait3A_49 = arith.constant 0 : i32
          %dma_wait3A_50 = tpu.memref_slice %arg5[%arg1, %dma_wait3A, %dma_wait3A_49] : memref<16x160x128xi32, #tpu.memory_space<hbm>> -> memref<1x160x128xi32, #tpu.memory_space<hbm>>
          %dma_wait3A_51 = tpu.memref_squeeze %dma_wait3A_50 : memref<1x160x128xi32, #tpu.memory_space<hbm>> -> memref<160x128xi32, #tpu.memory_space<hbm>>
          %dma_wait3A_52 = arith.constant 0 : i32
          %dma_wait3A_53 = tpu.memref_slice %dma_wait3A_51[%mul3A_18, %dma_wait3A_52] : memref<160x128xi32, #tpu.memory_space<hbm>> -> memref<16x128xi32, #tpu.memory_space<hbm>>
          %dma_wait3A_54 = arith.constant 0 : i32
          %dma_wait3A_55 = arith.constant 0 : i32
          %dma_wait3A_56 = tpu.memref_slice %arg5[%arg1, %dma_wait3A_54, %dma_wait3A_55] : memref<16x160x128xi32, #tpu.memory_space<hbm>> -> memref<1x160x128xi32, #tpu.memory_space<hbm>>
          %dma_wait3A_57 = tpu.memref_squeeze %dma_wait3A_56 : memref<1x160x128xi32, #tpu.memory_space<hbm>> -> memref<160x128xi32, #tpu.memory_space<hbm>>
          %dma_wait3A_58 = arith.constant 0 : i32
          %dma_wait3A_59 = tpu.memref_slice %dma_wait3A_57[%mul3A_18, %dma_wait3A_58] : memref<160x128xi32, #tpu.memory_space<hbm>> -> memref<16x128xi32, #tpu.memory_space<hbm>>
          tpu.wait_dma2 semaphore(%run_scoped3A : memref<!tpu.dma_semaphore, #tpu.memory_space<semaphore_mem>>) src(%dma_wait3A_59 : memref<16x128xi32, #tpu.memory_space<hbm>>) dst(%arg9 : memref<16x128xi32, #tpu.memory_space<vmem>>)
          tpu.yield
        }) : () -> ()
        %dma_start3A = arith.constant 0 : i32
        %dma_start3A_19 = arith.constant 0 : i32
        %dma_start3A_20 = tpu.memref_slice %arg8[%dma_start3A, %dma_start3A_19] : memref<16x128xi32, #tpu.memory_space<vmem>> -> memref<1x128xi32, #tpu.memory_space<vmem>>
        %dma_start3A_21 = tpu.memref_squeeze %dma_start3A_20 : memref<1x128xi32, #tpu.memory_space<vmem>> -> memref<128xi32, #tpu.memory_space<vmem>>
        %dma_start3A_22 = arith.constant 0 : i32
        %dma_start3A_23 = arith.constant 0 : i32
        %dma_start3A_24 = tpu.memref_slice %arg3[%dma_start3A_22, %dma_start3A_23] : memref<10240x128xf32, #tpu.memory_space<hbm>> -> memref<10240x128xf32, #tpu.memory_space<hbm>>
        tpu.enqueue_indirect_dma source(%dma_start3A_24 : memref<10240x128xf32, #tpu.memory_space<hbm>>) target(%arg10 : memref<128x128xf32, #tpu.memory_space<vmem>>) offsets(%dma_start3A_21 : memref<128xi32, #tpu.memory_space<vmem>>) semaphore(%arg13 : memref<!tpu.dma_semaphore, #tpu.memory_space<semaphore_mem>>)
        %dma_start3A_25 = arith.constant 1 : i32
        %dma_start3A_26 = arith.constant 0 : i32
        %dma_start3A_27 = tpu.memref_slice %arg8[%dma_start3A_25, %dma_start3A_26] : memref<16x128xi32, #tpu.memory_space<vmem>> -> memref<1x128xi32, #tpu.memory_space<vmem>>
        %dma_start3A_28 = tpu.memref_squeeze %dma_start3A_27 : memref<1x128xi32, #tpu.memory_space<vmem>> -> memref<128xi32, #tpu.memory_space<vmem>>
        %dma_start3A_29 = arith.constant 0 : i32
        %dma_start3A_30 = arith.constant 0 : i32
        %dma_start3A_31 = tpu.memref_slice %arg3[%dma_start3A_29, %dma_start3A_30] : memref<10240x128xf32, #tpu.memory_space<hbm>> -> memref<10240x128xf32, #tpu.memory_space<hbm>>
        tpu.enqueue_indirect_dma source(%dma_start3A_31 : memref<10240x128xf32, #tpu.memory_space<hbm>>) target(%arg11 : memref<128x128xf32, #tpu.memory_space<vmem>>) offsets(%dma_start3A_28 : memref<128xi32, #tpu.memory_space<vmem>>) semaphore(%arg14 : memref<!tpu.dma_semaphore, #tpu.memory_space<semaphore_mem>>)
        %scan3A_32 = arith.constant 0 : i32
        %scan3A_33 = arith.constant 8 : i32
        %scan3A_34 = arith.addi %scan3A_32, %scan3A_33 : i32
        %scan3A_35 = arith.constant 1 : i32
        scf.for %scan3A_37 = %scan3A_32 to %scan3A_34 step %scan3A_35  : i32 {
          %mul3A_38 = arith.constant 2 : i32
          %mul3A_39 = arith.muli %scan3A_37, %mul3A_38 : i32
          %dma_wait3A = arith.constant 0 : i32
          %dma_wait3A_40 = tpu.memref_slice %arg8[%mul3A_39, %dma_wait3A] : memref<16x128xi32, #tpu.memory_space<vmem>> -> memref<1x128xi32, #tpu.memory_space<vmem>>
          %dma_wait3A_41 = tpu.memref_squeeze %dma_wait3A_40 : memref<1x128xi32, #tpu.memory_space<vmem>> -> memref<128xi32, #tpu.memory_space<vmem>>
          %dma_wait3A_42 = arith.constant 0 : i32
          %dma_wait3A_43 = arith.constant 0 : i32
          %dma_wait3A_44 = tpu.memref_slice %arg3[%dma_wait3A_42, %dma_wait3A_43] : memref<10240x128xf32, #tpu.memory_space<hbm>> -> memref<10240x128xf32, #tpu.memory_space<hbm>>
          tpu.wait_indirect_dma semaphore(%arg13 : memref<!tpu.dma_semaphore, #tpu.memory_space<semaphore_mem>>) src(%dma_wait3A_44 : memref<10240x128xf32, #tpu.memory_space<hbm>>) dst(%arg10 : memref<128x128xf32, #tpu.memory_space<vmem>>)
          %dma_start3A_45 = arith.constant 0 : i32
          %dma_start3A_46 = tpu.memref_slice %arg9[%mul3A_39, %dma_start3A_45] : memref<16x128xi32, #tpu.memory_space<vmem>> -> memref<1x128xi32, #tpu.memory_space<vmem>>
          %dma_start3A_47 = tpu.memref_squeeze %dma_start3A_46 : memref<1x128xi32, #tpu.memory_space<vmem>> -> memref<128xi32, #tpu.memory_space<vmem>>
          %dma_start3A_48 = arith.constant 0 : i32
          %dma_start3A_49 = arith.constant 0 : i32
          %dma_start3A_50 = tpu.memref_slice %arg12[%dma_start3A_48, %dma_start3A_49] : memref<10240x128xf32, #tpu.memory_space<vmem_shared>> -> memref<10240x128xf32, #tpu.memory_space<vmem_shared>>
          tpu.enqueue_indirect_dma source(%arg10 : memref<128x128xf32, #tpu.memory_space<vmem>>) target(%dma_start3A_50 : memref<10240x128xf32, #tpu.memory_space<vmem_shared>>) offsets(%dma_start3A_47 : memref<128xi32, #tpu.memory_space<vmem>>) semaphore(%arg15 : memref<!tpu.dma_semaphore, #tpu.memory_space<semaphore_mem>>) {add = true}
          %add3A = arith.constant 1 : i32
          %add3A_51 = arith.addi %mul3A_39, %add3A : i32
          %dma_wait3A_52 = arith.constant 0 : i32
          %dma_wait3A_53 = tpu.memref_slice %arg8[%add3A_51, %dma_wait3A_52] : memref<16x128xi32, #tpu.memory_space<vmem>> -> memref<1x128xi32, #tpu.memory_space<vmem>>
          %dma_wait3A_54 = tpu.memref_squeeze %dma_wait3A_53 : memref<1x128xi32, #tpu.memory_space<vmem>> -> memref<128xi32, #tpu.memory_space<vmem>>
          %dma_wait3A_55 = arith.constant 0 : i32
          %dma_wait3A_56 = arith.constant 0 : i32
          %dma_wait3A_57 = tpu.memref_slice %arg3[%dma_wait3A_55, %dma_wait3A_56] : memref<10240x128xf32, #tpu.memory_space<hbm>> -> memref<10240x128xf32, #tpu.memory_space<hbm>>
          tpu.wait_indirect_dma semaphore(%arg14 : memref<!tpu.dma_semaphore, #tpu.memory_space<semaphore_mem>>) src(%dma_wait3A_57 : memref<10240x128xf32, #tpu.memory_space<hbm>>) dst(%arg11 : memref<128x128xf32, #tpu.memory_space<vmem>>)
          %add3A_58 = arith.constant 1 : i32
          %add3A_59 = arith.addi %mul3A_39, %add3A_58 : i32
          %dma_start3A_60 = arith.constant 0 : i32
          %dma_start3A_61 = tpu.memref_slice %arg9[%add3A_59, %dma_start3A_60] : memref<16x128xi32, #tpu.memory_space<vmem>> -> memref<1x128xi32, #tpu.memory_space<vmem>>
          %dma_start3A_62 = tpu.memref_squeeze %dma_start3A_61 : memref<1x128xi32, #tpu.memory_space<vmem>> -> memref<128xi32, #tpu.memory_space<vmem>>
          %dma_start3A_63 = arith.constant 0 : i32
          %dma_start3A_64 = arith.constant 0 : i32
          %dma_start3A_65 = tpu.memref_slice %arg12[%dma_start3A_63, %dma_start3A_64] : memref<10240x128xf32, #tpu.memory_space<vmem_shared>> -> memref<10240x128xf32, #tpu.memory_space<vmem_shared>>
          tpu.enqueue_indirect_dma source(%arg11 : memref<128x128xf32, #tpu.memory_space<vmem>>) target(%dma_start3A_65 : memref<10240x128xf32, #tpu.memory_space<vmem_shared>>) offsets(%dma_start3A_62 : memref<128xi32, #tpu.memory_space<vmem>>) semaphore(%arg16 : memref<!tpu.dma_semaphore, #tpu.memory_space<semaphore_mem>>) {add = true}
          %lt3A = arith.constant 7 : i32
          %lt3A_66 = arith.cmpi slt, %scan3A_37, %lt3A : i32
          %convert_element_type3A_67 = arith.extui %lt3A_66 : i1 to i32
          %cond3A_68 = arith.constant 0 : i32
          %cond3A_69 = arith.cmpi ne, %convert_element_type3A_67, %cond3A_68 : i32
          scf.if %cond3A_69 {
            %dma_wait3A_75 = arith.constant 0 : i32
            %dma_wait3A_76 = tpu.memref_slice %arg9[%mul3A_39, %dma_wait3A_75] : memref<16x128xi32, #tpu.memory_space<vmem>> -> memref<1x128xi32, #tpu.memory_space<vmem>>
            %dma_wait3A_77 = tpu.memref_squeeze %dma_wait3A_76 : memref<1x128xi32, #tpu.memory_space<vmem>> -> memref<128xi32, #tpu.memory_space<vmem>>
            %dma_wait3A_78 = arith.constant 0 : i32
            %dma_wait3A_79 = arith.constant 0 : i32
            %dma_wait3A_80 = tpu.memref_slice %arg12[%dma_wait3A_78, %dma_wait3A_79] : memref<10240x128xf32, #tpu.memory_space<vmem_shared>> -> memref<10240x128xf32, #tpu.memory_space<vmem_shared>>
            tpu.wait_indirect_dma semaphore(%arg15 : memref<!tpu.dma_semaphore, #tpu.memory_space<semaphore_mem>>) src(%arg10 : memref<128x128xf32, #tpu.memory_space<vmem>>) dst(%dma_wait3A_80 : memref<10240x128xf32, #tpu.memory_space<vmem_shared>>)
            %add3A_81 = arith.constant 2 : i32
            %add3A_82 = arith.addi %mul3A_39, %add3A_81 : i32
            %dma_start3A_83 = arith.constant 0 : i32
            %dma_start3A_84 = tpu.memref_slice %arg8[%add3A_82, %dma_start3A_83] : memref<16x128xi32, #tpu.memory_space<vmem>> -> memref<1x128xi32, #tpu.memory_space<vmem>>
            %dma_start3A_85 = tpu.memref_squeeze %dma_start3A_84 : memref<1x128xi32, #tpu.memory_space<vmem>> -> memref<128xi32, #tpu.memory_space<vmem>>
            %dma_start3A_86 = arith.constant 0 : i32
            %dma_start3A_87 = arith.constant 0 : i32
            %dma_start3A_88 = tpu.memref_slice %arg3[%dma_start3A_86, %dma_start3A_87] : memref<10240x128xf32, #tpu.memory_space<hbm>> -> memref<10240x128xf32, #tpu.memory_space<hbm>>
            tpu.enqueue_indirect_dma source(%dma_start3A_88 : memref<10240x128xf32, #tpu.memory_space<hbm>>) target(%arg10 : memref<128x128xf32, #tpu.memory_space<vmem>>) offsets(%dma_start3A_85 : memref<128xi32, #tpu.memory_space<vmem>>) semaphore(%arg13 : memref<!tpu.dma_semaphore, #tpu.memory_space<semaphore_mem>>)
            %add3A_89 = arith.constant 1 : i32
            %add3A_90 = arith.addi %mul3A_39, %add3A_89 : i32
            %dma_wait3A_91 = arith.constant 0 : i32
            %dma_wait3A_92 = tpu.memref_slice %arg9[%add3A_90, %dma_wait3A_91] : memref<16x128xi32, #tpu.memory_space<vmem>> -> memref<1x128xi32, #tpu.memory_space<vmem>>
            %dma_wait3A_93 = tpu.memref_squeeze %dma_wait3A_92 : memref<1x128xi32, #tpu.memory_space<vmem>> -> memref<128xi32, #tpu.memory_space<vmem>>
            %dma_wait3A_94 = arith.constant 0 : i32
            %dma_wait3A_95 = arith.constant 0 : i32
            %dma_wait3A_96 = tpu.memref_slice %arg12[%dma_wait3A_94, %dma_wait3A_95] : memref<10240x128xf32, #tpu.memory_space<vmem_shared>> -> memref<10240x128xf32, #tpu.memory_space<vmem_shared>>
            tpu.wait_indirect_dma semaphore(%arg16 : memref<!tpu.dma_semaphore, #tpu.memory_space<semaphore_mem>>) src(%arg11 : memref<128x128xf32, #tpu.memory_space<vmem>>) dst(%dma_wait3A_96 : memref<10240x128xf32, #tpu.memory_space<vmem_shared>>)
            %add3A_97 = arith.constant 3 : i32
            %add3A_98 = arith.addi %mul3A_39, %add3A_97 : i32
            %dma_start3A_99 = arith.constant 0 : i32
            %dma_start3A_100 = tpu.memref_slice %arg8[%add3A_98, %dma_start3A_99] : memref<16x128xi32, #tpu.memory_space<vmem>> -> memref<1x128xi32, #tpu.memory_space<vmem>>
            %dma_start3A_101 = tpu.memref_squeeze %dma_start3A_100 : memref<1x128xi32, #tpu.memory_space<vmem>> -> memref<128xi32, #tpu.memory_space<vmem>>
            %dma_start3A_102 = arith.constant 0 : i32
            %dma_start3A_103 = arith.constant 0 : i32
            %dma_start3A_104 = tpu.memref_slice %arg3[%dma_start3A_102, %dma_start3A_103] : memref<10240x128xf32, #tpu.memory_space<hbm>> -> memref<10240x128xf32, #tpu.memory_space<hbm>>
            tpu.enqueue_indirect_dma source(%dma_start3A_104 : memref<10240x128xf32, #tpu.memory_space<hbm>>) target(%arg11 : memref<128x128xf32, #tpu.memory_space<vmem>>) offsets(%dma_start3A_101 : memref<128xi32, #tpu.memory_space<vmem>>) semaphore(%arg14 : memref<!tpu.dma_semaphore, #tpu.memory_space<semaphore_mem>>)
          } else {
          }
          %eq3A_70 = arith.constant 7 : i32
          %eq3A_71 = arith.cmpi eq, %scan3A_37, %eq3A_70 : i32
          %convert_element_type3A_72 = arith.extui %eq3A_71 : i1 to i32
          %cond3A_73 = arith.constant 0 : i32
          %cond3A_74 = arith.cmpi ne, %convert_element_type3A_72, %cond3A_73 : i32
          scf.if %cond3A_74 {
            %dma_wait3A_75 = arith.constant 0 : i32
            %dma_wait3A_76 = tpu.memref_slice %arg9[%mul3A_39, %dma_wait3A_75] : memref<16x128xi32, #tpu.memory_space<vmem>> -> memref<1x128xi32, #tpu.memory_space<vmem>>
            %dma_wait3A_77 = tpu.memref_squeeze %dma_wait3A_76 : memref<1x128xi32, #tpu.memory_space<vmem>> -> memref<128xi32, #tpu.memory_space<vmem>>
            %dma_wait3A_78 = arith.constant 0 : i32
            %dma_wait3A_79 = arith.constant 0 : i32
            %dma_wait3A_80 = tpu.memref_slice %arg12[%dma_wait3A_78, %dma_wait3A_79] : memref<10240x128xf32, #tpu.memory_space<vmem_shared>> -> memref<10240x128xf32, #tpu.memory_space<vmem_shared>>
            tpu.wait_indirect_dma semaphore(%arg15 : memref<!tpu.dma_semaphore, #tpu.memory_space<semaphore_mem>>) src(%arg10 : memref<128x128xf32, #tpu.memory_space<vmem>>) dst(%dma_wait3A_80 : memref<10240x128xf32, #tpu.memory_space<vmem_shared>>)
            %add3A_81 = arith.constant 1 : i32
            %add3A_82 = arith.addi %mul3A_39, %add3A_81 : i32
            %dma_wait3A_83 = arith.constant 0 : i32
            %dma_wait3A_84 = tpu.memref_slice %arg9[%add3A_82, %dma_wait3A_83] : memref<16x128xi32, #tpu.memory_space<vmem>> -> memref<1x128xi32, #tpu.memory_space<vmem>>
            %dma_wait3A_85 = tpu.memref_squeeze %dma_wait3A_84 : memref<1x128xi32, #tpu.memory_space<vmem>> -> memref<128xi32, #tpu.memory_space<vmem>>
            %dma_wait3A_86 = arith.constant 0 : i32
            %dma_wait3A_87 = arith.constant 0 : i32
            %dma_wait3A_88 = tpu.memref_slice %arg12[%dma_wait3A_86, %dma_wait3A_87] : memref<10240x128xf32, #tpu.memory_space<vmem_shared>> -> memref<10240x128xf32, #tpu.memory_space<vmem_shared>>
            tpu.wait_indirect_dma semaphore(%arg16 : memref<!tpu.dma_semaphore, #tpu.memory_space<semaphore_mem>>) src(%arg11 : memref<128x128xf32, #tpu.memory_space<vmem>>) dst(%dma_wait3A_88 : memref<10240x128xf32, #tpu.memory_space<vmem_shared>>)
          } else {
          }
        }
        %scan3A_36 = arith.constant 8 : i32
      }
      %scan3A_12 = arith.constant 10 : i32
      %barrier3A_13 = arith.constant 0 : index
      tpu.barrier barrier_id(%barrier3A_13)
      "tpu.region"() ({
        %run_scoped3A = tpu.sem_alloc : memref<!tpu.dma_semaphore, #tpu.memory_space<semaphore_mem>>
        %dma_start3A = arith.constant 0 : i32
        %dma_start3A_14 = tpu.memref_slice %arg7[%mul3A_0, %dma_start3A] : memref<10240x128xf32, #tpu.memory_space<hbm>> -> memref<640x128xf32, #tpu.memory_space<hbm>>
        %dma_start3A_15 = arith.constant 0 : i32
        %dma_start3A_16 = tpu.memref_slice %arg12[%mul3A_0, %dma_start3A_15] : memref<10240x128xf32, #tpu.memory_space<vmem_shared>> -> memref<640x128xf32, #tpu.memory_space<vmem_shared>>
        tpu.enqueue_dma source(%dma_start3A_16 : memref<640x128xf32, #tpu.memory_space<vmem_shared>>) target(%dma_start3A_14 : memref<640x128xf32, #tpu.memory_space<hbm>>) target_semaphore(%run_scoped3A : memref<!tpu.dma_semaphore, #tpu.memory_space<semaphore_mem>>)
        %dma_wait3A = arith.constant 0 : i32
        %dma_wait3A_17 = tpu.memref_slice %arg7[%mul3A_0, %dma_wait3A] : memref<10240x128xf32, #tpu.memory_space<hbm>> -> memref<640x128xf32, #tpu.memory_space<hbm>>
        %dma_wait3A_18 = arith.constant 0 : i32
        %dma_wait3A_19 = tpu.memref_slice %arg12[%mul3A_0, %dma_wait3A_18] : memref<10240x128xf32, #tpu.memory_space<vmem_shared>> -> memref<640x128xf32, #tpu.memory_space<vmem_shared>>
        tpu.wait_dma2 semaphore(%run_scoped3A : memref<!tpu.dma_semaphore, #tpu.memory_space<semaphore_mem>>) src(%dma_wait3A_19 : memref<640x128xf32, #tpu.memory_space<vmem_shared>>) dst(%dma_wait3A_17 : memref<640x128xf32, #tpu.memory_space<hbm>>)
        tpu.yield
      }) : () -> ()
    } else {
    }
    return
  }
}

#map = affine_map<(d0, d1) -> (0, 0, 0)>
#map1 = affine_map<(d0, d1) -> (0, 0)>
module attributes {stable_mosaic.version = 14 : i64} {
  func.func @_deg_kernel(%arg0: i32, %arg1: i32, %arg2: memref<16x160x128xi32, #tpu.memory_space<hbm>>, %arg3: memref<128x128xf32, #tpu.memory_space<hbm>>, %arg4: memref<10240x128xf32, #tpu.memory_space<hbm>>, %arg5: memref<2x10240x128xf32, #tpu.memory_space<hbm>>, %arg6: memref<16x128xi32, #tpu.memory_space<vmem>>, %arg7: memref<128x128xf32, #tpu.memory_space<vmem>>, %arg8: memref<10240x128xf32, #tpu.memory_space<vmem_shared>>) attributes {dimension_semantics = [#tpu.dimension_semantics<core_parallel>, #tpu.dimension_semantics<subcore_parallel>], iteration_bounds = array<i64: 2, 16>, scalar_prefetch = 0 : i64, scratch_operands = 3 : i64, tpu.core_type = #tpu.core_type<sc_vector_subcore>, window_params = [{transform_indices = #map}, {transform_indices = #map1}, {transform_indices = #map1}, {transform_indices = #map}]} {
    %mul3A = arith.constant 640 : i32
    %mul3A_0 = arith.muli %arg1, %mul3A : i32
    "tpu.region"() ({
      %run_scoped3A = tpu.sem_alloc : memref<!tpu.dma_semaphore, #tpu.memory_space<semaphore_mem>>
      tpu.enqueue_dma source(%arg3 : memref<128x128xf32, #tpu.memory_space<hbm>>) target(%arg7 : memref<128x128xf32, #tpu.memory_space<vmem>>) target_semaphore(%run_scoped3A : memref<!tpu.dma_semaphore, #tpu.memory_space<semaphore_mem>>)
      tpu.wait_dma2 semaphore(%run_scoped3A : memref<!tpu.dma_semaphore, #tpu.memory_space<semaphore_mem>>) src(%arg3 : memref<128x128xf32, #tpu.memory_space<hbm>>) dst(%arg7 : memref<128x128xf32, #tpu.memory_space<vmem>>)
      tpu.yield
    }) : () -> ()
    "tpu.region"() ({
      %run_scoped3A = tpu.sem_alloc : memref<!tpu.dma_semaphore, #tpu.memory_space<semaphore_mem>>
      %dma_start3A = arith.constant 0 : i32
      %dma_start3A_7 = tpu.memref_slice %arg8[%mul3A_0, %dma_start3A] : memref<10240x128xf32, #tpu.memory_space<vmem_shared>> -> memref<640x128xf32, #tpu.memory_space<vmem_shared>>
      %dma_start3A_8 = arith.constant 0 : i32
      %dma_start3A_9 = tpu.memref_slice %arg4[%mul3A_0, %dma_start3A_8] : memref<10240x128xf32, #tpu.memory_space<hbm>> -> memref<640x128xf32, #tpu.memory_space<hbm>>
      tpu.enqueue_dma source(%dma_start3A_9 : memref<640x128xf32, #tpu.memory_space<hbm>>) target(%dma_start3A_7 : memref<640x128xf32, #tpu.memory_space<vmem_shared>>) target_semaphore(%run_scoped3A : memref<!tpu.dma_semaphore, #tpu.memory_space<semaphore_mem>>)
      %dma_wait3A = arith.constant 0 : i32
      %dma_wait3A_10 = tpu.memref_slice %arg8[%mul3A_0, %dma_wait3A] : memref<10240x128xf32, #tpu.memory_space<vmem_shared>> -> memref<640x128xf32, #tpu.memory_space<vmem_shared>>
      %dma_wait3A_11 = arith.constant 0 : i32
      %dma_wait3A_12 = tpu.memref_slice %arg4[%mul3A_0, %dma_wait3A_11] : memref<10240x128xf32, #tpu.memory_space<hbm>> -> memref<640x128xf32, #tpu.memory_space<hbm>>
      tpu.wait_dma2 semaphore(%run_scoped3A : memref<!tpu.dma_semaphore, #tpu.memory_space<semaphore_mem>>) src(%dma_wait3A_12 : memref<640x128xf32, #tpu.memory_space<hbm>>) dst(%dma_wait3A_10 : memref<640x128xf32, #tpu.memory_space<vmem_shared>>)
      tpu.yield
    }) : () -> ()
    %barrier3A = arith.constant 0 : index
    tpu.barrier barrier_id(%barrier3A)
    %scan3A = arith.constant 0 : i32
    %scan3A_1 = arith.constant 0 : i32
    %scan3A_2 = arith.constant 5 : i32
    %scan3A_3 = arith.addi %scan3A_1, %scan3A_2 : i32
    %scan3A_4 = arith.constant 1 : i32
    scf.for %scan3A_7 = %scan3A_1 to %scan3A_3 step %scan3A_4  : i32 {
      %mul3A_8 = arith.constant 80 : i32
      %mul3A_9 = arith.muli %arg0, %mul3A_8 : i32
      %mul3A_10 = arith.constant 16 : i32
      %mul3A_11 = arith.muli %scan3A_7, %mul3A_10 : i32
      %add3A = arith.addi %mul3A_9, %mul3A_11 : i32
      "tpu.region"() ({
        %run_scoped3A = tpu.sem_alloc : memref<!tpu.dma_semaphore, #tpu.memory_space<semaphore_mem>>
        %dma_start3A = arith.constant 0 : i32
        %dma_start3A_17 = arith.constant 0 : i32
        %dma_start3A_18 = tpu.memref_slice %arg2[%arg1, %dma_start3A, %dma_start3A_17] : memref<16x160x128xi32, #tpu.memory_space<hbm>> -> memref<1x160x128xi32, #tpu.memory_space<hbm>>
        %dma_start3A_19 = tpu.memref_squeeze %dma_start3A_18 : memref<1x160x128xi32, #tpu.memory_space<hbm>> -> memref<160x128xi32, #tpu.memory_space<hbm>>
        %dma_start3A_20 = arith.constant 0 : i32
        %dma_start3A_21 = tpu.memref_slice %dma_start3A_19[%add3A, %dma_start3A_20] : memref<160x128xi32, #tpu.memory_space<hbm>> -> memref<16x128xi32, #tpu.memory_space<hbm>>
        %dma_start3A_22 = arith.constant 0 : i32
        %dma_start3A_23 = arith.constant 0 : i32
        %dma_start3A_24 = tpu.memref_slice %arg2[%arg1, %dma_start3A_22, %dma_start3A_23] : memref<16x160x128xi32, #tpu.memory_space<hbm>> -> memref<1x160x128xi32, #tpu.memory_space<hbm>>
        %dma_start3A_25 = tpu.memref_squeeze %dma_start3A_24 : memref<1x160x128xi32, #tpu.memory_space<hbm>> -> memref<160x128xi32, #tpu.memory_space<hbm>>
        %dma_start3A_26 = arith.constant 0 : i32
        %dma_start3A_27 = tpu.memref_slice %dma_start3A_25[%add3A, %dma_start3A_26] : memref<160x128xi32, #tpu.memory_space<hbm>> -> memref<16x128xi32, #tpu.memory_space<hbm>>
        tpu.enqueue_dma source(%dma_start3A_27 : memref<16x128xi32, #tpu.memory_space<hbm>>) target(%arg6 : memref<16x128xi32, #tpu.memory_space<vmem>>) target_semaphore(%run_scoped3A : memref<!tpu.dma_semaphore, #tpu.memory_space<semaphore_mem>>)
        %dma_wait3A = arith.constant 0 : i32
        %dma_wait3A_28 = arith.constant 0 : i32
        %dma_wait3A_29 = tpu.memref_slice %arg2[%arg1, %dma_wait3A, %dma_wait3A_28] : memref<16x160x128xi32, #tpu.memory_space<hbm>> -> memref<1x160x128xi32, #tpu.memory_space<hbm>>
        %dma_wait3A_30 = tpu.memref_squeeze %dma_wait3A_29 : memref<1x160x128xi32, #tpu.memory_space<hbm>> -> memref<160x128xi32, #tpu.memory_space<hbm>>
        %dma_wait3A_31 = arith.constant 0 : i32
        %dma_wait3A_32 = tpu.memref_slice %dma_wait3A_30[%add3A, %dma_wait3A_31] : memref<160x128xi32, #tpu.memory_space<hbm>> -> memref<16x128xi32, #tpu.memory_space<hbm>>
        %dma_wait3A_33 = arith.constant 0 : i32
        %dma_wait3A_34 = arith.constant 0 : i32
        %dma_wait3A_35 = tpu.memref_slice %arg2[%arg1, %dma_wait3A_33, %dma_wait3A_34] : memref<16x160x128xi32, #tpu.memory_space<hbm>> -> memref<1x160x128xi32, #tpu.memory_space<hbm>>
        %dma_wait3A_36 = tpu.memref_squeeze %dma_wait3A_35 : memref<1x160x128xi32, #tpu.memory_space<hbm>> -> memref<160x128xi32, #tpu.memory_space<hbm>>
        %dma_wait3A_37 = arith.constant 0 : i32
        %dma_wait3A_38 = tpu.memref_slice %dma_wait3A_36[%add3A, %dma_wait3A_37] : memref<160x128xi32, #tpu.memory_space<hbm>> -> memref<16x128xi32, #tpu.memory_space<hbm>>
        tpu.wait_dma2 semaphore(%run_scoped3A : memref<!tpu.dma_semaphore, #tpu.memory_space<semaphore_mem>>) src(%dma_wait3A_38 : memref<16x128xi32, #tpu.memory_space<hbm>>) dst(%arg6 : memref<16x128xi32, #tpu.memory_space<vmem>>)
        tpu.yield
      }) : () -> ()
      %scan3A_12 = arith.constant 0 : i32
      %scan3A_13 = arith.constant 16 : i32
      %scan3A_14 = arith.addi %scan3A_12, %scan3A_13 : i32
      %scan3A_15 = arith.constant 1 : i32
      scf.for %scan3A_17 = %scan3A_12 to %scan3A_14 step %scan3A_15  : i32 {
        "tpu.region"() ({
          %run_scoped3A = tpu.sem_alloc : memref<!tpu.dma_semaphore, #tpu.memory_space<semaphore_mem>>
          %dma_start3A = arith.constant 0 : i32
          %dma_start3A_18 = tpu.memref_slice %arg6[%scan3A_17, %dma_start3A] : memref<16x128xi32, #tpu.memory_space<vmem>> -> memref<1x128xi32, #tpu.memory_space<vmem>>
          %dma_start3A_19 = tpu.memref_squeeze %dma_start3A_18 : memref<1x128xi32, #tpu.memory_space<vmem>> -> memref<128xi32, #tpu.memory_space<vmem>>
          %dma_start3A_20 = arith.constant 0 : i32
          %dma_start3A_21 = arith.constant 0 : i32
          %dma_start3A_22 = tpu.memref_slice %arg8[%dma_start3A_20, %dma_start3A_21] : memref<10240x128xf32, #tpu.memory_space<vmem_shared>> -> memref<10240x128xf32, #tpu.memory_space<vmem_shared>>
          tpu.enqueue_indirect_dma source(%arg7 : memref<128x128xf32, #tpu.memory_space<vmem>>) target(%dma_start3A_22 : memref<10240x128xf32, #tpu.memory_space<vmem_shared>>) offsets(%dma_start3A_19 : memref<128xi32, #tpu.memory_space<vmem>>) semaphore(%run_scoped3A : memref<!tpu.dma_semaphore, #tpu.memory_space<semaphore_mem>>) {add = true}
          %dma_wait3A = arith.constant 0 : i32
          %dma_wait3A_23 = tpu.memref_slice %arg6[%scan3A_17, %dma_wait3A] : memref<16x128xi32, #tpu.memory_space<vmem>> -> memref<1x128xi32, #tpu.memory_space<vmem>>
          %dma_wait3A_24 = tpu.memref_squeeze %dma_wait3A_23 : memref<1x128xi32, #tpu.memory_space<vmem>> -> memref<128xi32, #tpu.memory_space<vmem>>
          %dma_wait3A_25 = arith.constant 0 : i32
          %dma_wait3A_26 = arith.constant 0 : i32
          %dma_wait3A_27 = tpu.memref_slice %arg8[%dma_wait3A_25, %dma_wait3A_26] : memref<10240x128xf32, #tpu.memory_space<vmem_shared>> -> memref<10240x128xf32, #tpu.memory_space<vmem_shared>>
          tpu.wait_indirect_dma semaphore(%run_scoped3A : memref<!tpu.dma_semaphore, #tpu.memory_space<semaphore_mem>>) src(%arg7 : memref<128x128xf32, #tpu.memory_space<vmem>>) dst(%dma_wait3A_27 : memref<10240x128xf32, #tpu.memory_space<vmem_shared>>)
          tpu.yield
        }) : () -> ()
      }
      %scan3A_16 = arith.constant 16 : i32
    }
    %scan3A_5 = arith.constant 5 : i32
    %barrier3A_6 = arith.constant 0 : index
    tpu.barrier barrier_id(%barrier3A_6)
    "tpu.region"() ({
      %run_scoped3A = tpu.sem_alloc : memref<!tpu.dma_semaphore, #tpu.memory_space<semaphore_mem>>
      %dma_start3A = arith.constant 0 : i32
      %dma_start3A_7 = arith.constant 0 : i32
      %dma_start3A_8 = tpu.memref_slice %arg5[%arg0, %dma_start3A, %dma_start3A_7] : memref<2x10240x128xf32, #tpu.memory_space<hbm>> -> memref<1x10240x128xf32, #tpu.memory_space<hbm>>
      %dma_start3A_9 = tpu.memref_squeeze %dma_start3A_8 : memref<1x10240x128xf32, #tpu.memory_space<hbm>> -> memref<10240x128xf32, #tpu.memory_space<hbm>>
      %dma_start3A_10 = arith.constant 0 : i32
      %dma_start3A_11 = tpu.memref_slice %dma_start3A_9[%mul3A_0, %dma_start3A_10] : memref<10240x128xf32, #tpu.memory_space<hbm>> -> memref<640x128xf32, #tpu.memory_space<hbm>>
      %dma_start3A_12 = arith.constant 0 : i32
      %dma_start3A_13 = tpu.memref_slice %arg8[%mul3A_0, %dma_start3A_12] : memref<10240x128xf32, #tpu.memory_space<vmem_shared>> -> memref<640x128xf32, #tpu.memory_space<vmem_shared>>
      tpu.enqueue_dma source(%dma_start3A_13 : memref<640x128xf32, #tpu.memory_space<vmem_shared>>) target(%dma_start3A_11 : memref<640x128xf32, #tpu.memory_space<hbm>>) target_semaphore(%run_scoped3A : memref<!tpu.dma_semaphore, #tpu.memory_space<semaphore_mem>>)
      %dma_wait3A = arith.constant 0 : i32
      %dma_wait3A_14 = arith.constant 0 : i32
      %dma_wait3A_15 = tpu.memref_slice %arg5[%arg0, %dma_wait3A, %dma_wait3A_14] : memref<2x10240x128xf32, #tpu.memory_space<hbm>> -> memref<1x10240x128xf32, #tpu.memory_space<hbm>>
      %dma_wait3A_16 = tpu.memref_squeeze %dma_wait3A_15 : memref<1x10240x128xf32, #tpu.memory_space<hbm>> -> memref<10240x128xf32, #tpu.memory_space<hbm>>
      %dma_wait3A_17 = arith.constant 0 : i32
      %dma_wait3A_18 = tpu.memref_slice %dma_wait3A_16[%mul3A_0, %dma_wait3A_17] : memref<10240x128xf32, #tpu.memory_space<hbm>> -> memref<640x128xf32, #tpu.memory_space<hbm>>
      %dma_wait3A_19 = arith.constant 0 : i32
      %dma_wait3A_20 = tpu.memref_slice %arg8[%mul3A_0, %dma_wait3A_19] : memref<10240x128xf32, #tpu.memory_space<vmem_shared>> -> memref<640x128xf32, #tpu.memory_space<vmem_shared>>
      tpu.wait_dma2 semaphore(%run_scoped3A : memref<!tpu.dma_semaphore, #tpu.memory_space<semaphore_mem>>) src(%dma_wait3A_20 : memref<640x128xf32, #tpu.memory_space<vmem_shared>>) dst(%dma_wait3A_18 : memref<640x128xf32, #tpu.memory_space<hbm>>)
      tpu.yield
    }) : () -> ()
    return
  }
}

#map = affine_map<(d0, d1) -> (0, 0)>
#map1 = affine_map<(d0, d1) -> (0, 0, 0)>
module attributes {stable_mosaic.version = 14 : i64} {
  func.func @_agg2_kernel(%arg0: i32, %arg1: i32, %arg2: memref<10240x128xf32, #tpu.memory_space<hbm>>, %arg3: memref<16x160x128xi32, #tpu.memory_space<hbm>>, %arg4: memref<16x160x128xi32, #tpu.memory_space<hbm>>, %arg5: memref<10240x128xf32, #tpu.memory_space<hbm>>, %arg6: memref<10240x128xf32, #tpu.memory_space<hbm>>, %arg7: memref<16x128xi32, #tpu.memory_space<vmem>>, %arg8: memref<16x128xi32, #tpu.memory_space<vmem>>, %arg9: memref<128x128xf32, #tpu.memory_space<vmem>>, %arg10: memref<128x128xf32, #tpu.memory_space<vmem>>, %arg11: memref<10240x128xf32, #tpu.memory_space<vmem_shared>>, %arg12: memref<!tpu.dma_semaphore, #tpu.memory_space<semaphore_mem>>, %arg13: memref<!tpu.dma_semaphore, #tpu.memory_space<semaphore_mem>>, %arg14: memref<!tpu.dma_semaphore, #tpu.memory_space<semaphore_mem>>, %arg15: memref<!tpu.dma_semaphore, #tpu.memory_space<semaphore_mem>>) attributes {dimension_semantics = [#tpu.dimension_semantics<core_parallel>, #tpu.dimension_semantics<subcore_parallel>], iteration_bounds = array<i64: 2, 16>, scalar_prefetch = 0 : i64, scratch_operands = 9 : i64, tpu.core_type = #tpu.core_type<sc_vector_subcore>, window_params = [{transform_indices = #map}, {transform_indices = #map1}, {transform_indices = #map1}, {transform_indices = #map}, {transform_indices = #map}]} {
    %mul3A = arith.constant 640 : i32
    %mul3A_0 = arith.muli %arg1, %mul3A : i32
    "tpu.region"() ({
      %run_scoped3A = tpu.sem_alloc : memref<!tpu.dma_semaphore, #tpu.memory_space<semaphore_mem>>
      %dma_start3A = arith.constant 0 : i32
      %dma_start3A_14 = tpu.memref_slice %arg11[%mul3A_0, %dma_start3A] : memref<10240x128xf32, #tpu.memory_space<vmem_shared>> -> memref<640x128xf32, #tpu.memory_space<vmem_shared>>
      %dma_start3A_15 = arith.constant 0 : i32
      %dma_start3A_16 = tpu.memref_slice %arg2[%mul3A_0, %dma_start3A_15] : memref<10240x128xf32, #tpu.memory_space<hbm>> -> memref<640x128xf32, #tpu.memory_space<hbm>>
      tpu.enqueue_dma source(%dma_start3A_16 : memref<640x128xf32, #tpu.memory_space<hbm>>) target(%dma_start3A_14 : memref<640x128xf32, #tpu.memory_space<vmem_shared>>) target_semaphore(%run_scoped3A : memref<!tpu.dma_semaphore, #tpu.memory_space<semaphore_mem>>)
      %dma_wait3A = arith.constant 0 : i32
      %dma_wait3A_17 = tpu.memref_slice %arg11[%mul3A_0, %dma_wait3A] : memref<10240x128xf32, #tpu.memory_space<vmem_shared>> -> memref<640x128xf32, #tpu.memory_space<vmem_shared>>
      %dma_wait3A_18 = arith.constant 0 : i32
      %dma_wait3A_19 = tpu.memref_slice %arg2[%mul3A_0, %dma_wait3A_18] : memref<10240x128xf32, #tpu.memory_space<hbm>> -> memref<640x128xf32, #tpu.memory_space<hbm>>
      tpu.wait_dma2 semaphore(%run_scoped3A : memref<!tpu.dma_semaphore, #tpu.memory_space<semaphore_mem>>) src(%dma_wait3A_19 : memref<640x128xf32, #tpu.memory_space<hbm>>) dst(%dma_wait3A_17 : memref<640x128xf32, #tpu.memory_space<vmem_shared>>)
      tpu.yield
    }) : () -> ()
    %barrier3A = arith.constant 0 : index
    tpu.barrier barrier_id(%barrier3A)
    %scan3A = arith.constant 0 : i32
    %scan3A_1 = arith.constant 0 : i32
    %scan3A_2 = arith.constant 5 : i32
    %scan3A_3 = arith.addi %scan3A_1, %scan3A_2 : i32
    %scan3A_4 = arith.constant 1 : i32
    scf.for %scan3A_14 = %scan3A_1 to %scan3A_3 step %scan3A_4  : i32 {
      %mul3A_15 = arith.constant 80 : i32
      %mul3A_16 = arith.muli %arg0, %mul3A_15 : i32
      %mul3A_17 = arith.constant 16 : i32
      %mul3A_18 = arith.muli %scan3A_14, %mul3A_17 : i32
      %add3A = arith.addi %mul3A_16, %mul3A_18 : i32
      "tpu.region"() ({
        %run_scoped3A = tpu.sem_alloc : memref<!tpu.dma_semaphore, #tpu.memory_space<semaphore_mem>>
        %dma_start3A_37 = arith.constant 0 : i32
        %dma_start3A_38 = arith.constant 0 : i32
        %dma_start3A_39 = tpu.memref_slice %arg3[%arg1, %dma_start3A_37, %dma_start3A_38] : memref<16x160x128xi32, #tpu.memory_space<hbm>> -> memref<1x160x128xi32, #tpu.memory_space<hbm>>
        %dma_start3A_40 = tpu.memref_squeeze %dma_start3A_39 : memref<1x160x128xi32, #tpu.memory_space<hbm>> -> memref<160x128xi32, #tpu.memory_space<hbm>>
        %dma_start3A_41 = arith.constant 0 : i32
        %dma_start3A_42 = tpu.memref_slice %dma_start3A_40[%add3A, %dma_start3A_41] : memref<160x128xi32, #tpu.memory_space<hbm>> -> memref<16x128xi32, #tpu.memory_space<hbm>>
        %dma_start3A_43 = arith.constant 0 : i32
        %dma_start3A_44 = arith.constant 0 : i32
        %dma_start3A_45 = tpu.memref_slice %arg3[%arg1, %dma_start3A_43, %dma_start3A_44] : memref<16x160x128xi32, #tpu.memory_space<hbm>> -> memref<1x160x128xi32, #tpu.memory_space<hbm>>
        %dma_start3A_46 = tpu.memref_squeeze %dma_start3A_45 : memref<1x160x128xi32, #tpu.memory_space<hbm>> -> memref<160x128xi32, #tpu.memory_space<hbm>>
        %dma_start3A_47 = arith.constant 0 : i32
        %dma_start3A_48 = tpu.memref_slice %dma_start3A_46[%add3A, %dma_start3A_47] : memref<160x128xi32, #tpu.memory_space<hbm>> -> memref<16x128xi32, #tpu.memory_space<hbm>>
        tpu.enqueue_dma source(%dma_start3A_48 : memref<16x128xi32, #tpu.memory_space<hbm>>) target(%arg7 : memref<16x128xi32, #tpu.memory_space<vmem>>) target_semaphore(%run_scoped3A : memref<!tpu.dma_semaphore, #tpu.memory_space<semaphore_mem>>)
        %dma_wait3A = arith.constant 0 : i32
        %dma_wait3A_49 = arith.constant 0 : i32
        %dma_wait3A_50 = tpu.memref_slice %arg3[%arg1, %dma_wait3A, %dma_wait3A_49] : memref<16x160x128xi32, #tpu.memory_space<hbm>> -> memref<1x160x128xi32, #tpu.memory_space<hbm>>
        %dma_wait3A_51 = tpu.memref_squeeze %dma_wait3A_50 : memref<1x160x128xi32, #tpu.memory_space<hbm>> -> memref<160x128xi32, #tpu.memory_space<hbm>>
        %dma_wait3A_52 = arith.constant 0 : i32
        %dma_wait3A_53 = tpu.memref_slice %dma_wait3A_51[%add3A, %dma_wait3A_52] : memref<160x128xi32, #tpu.memory_space<hbm>> -> memref<16x128xi32, #tpu.memory_space<hbm>>
        %dma_wait3A_54 = arith.constant 0 : i32
        %dma_wait3A_55 = arith.constant 0 : i32
        %dma_wait3A_56 = tpu.memref_slice %arg3[%arg1, %dma_wait3A_54, %dma_wait3A_55] : memref<16x160x128xi32, #tpu.memory_space<hbm>> -> memref<1x160x128xi32, #tpu.memory_space<hbm>>
        %dma_wait3A_57 = tpu.memref_squeeze %dma_wait3A_56 : memref<1x160x128xi32, #tpu.memory_space<hbm>> -> memref<160x128xi32, #tpu.memory_space<hbm>>
        %dma_wait3A_58 = arith.constant 0 : i32
        %dma_wait3A_59 = tpu.memref_slice %dma_wait3A_57[%add3A, %dma_wait3A_58] : memref<160x128xi32, #tpu.memory_space<hbm>> -> memref<16x128xi32, #tpu.memory_space<hbm>>
        tpu.wait_dma2 semaphore(%run_scoped3A : memref<!tpu.dma_semaphore, #tpu.memory_space<semaphore_mem>>) src(%dma_wait3A_59 : memref<16x128xi32, #tpu.memory_space<hbm>>) dst(%arg7 : memref<16x128xi32, #tpu.memory_space<vmem>>)
        tpu.yield
      }) : () -> ()
      "tpu.region"() ({
        %run_scoped3A = tpu.sem_alloc : memref<!tpu.dma_semaphore, #tpu.memory_space<semaphore_mem>>
        %dma_start3A_37 = arith.constant 0 : i32
        %dma_start3A_38 = arith.constant 0 : i32
        %dma_start3A_39 = tpu.memref_slice %arg4[%arg1, %dma_start3A_37, %dma_start3A_38] : memref<16x160x128xi32, #tpu.memory_space<hbm>> -> memref<1x160x128xi32, #tpu.memory_space<hbm>>
        %dma_start3A_40 = tpu.memref_squeeze %dma_start3A_39 : memref<1x160x128xi32, #tpu.memory_space<hbm>> -> memref<160x128xi32, #tpu.memory_space<hbm>>
        %dma_start3A_41 = arith.constant 0 : i32
        %dma_start3A_42 = tpu.memref_slice %dma_start3A_40[%add3A, %dma_start3A_41] : memref<160x128xi32, #tpu.memory_space<hbm>> -> memref<16x128xi32, #tpu.memory_space<hbm>>
        %dma_start3A_43 = arith.constant 0 : i32
        %dma_start3A_44 = arith.constant 0 : i32
        %dma_start3A_45 = tpu.memref_slice %arg4[%arg1, %dma_start3A_43, %dma_start3A_44] : memref<16x160x128xi32, #tpu.memory_space<hbm>> -> memref<1x160x128xi32, #tpu.memory_space<hbm>>
        %dma_start3A_46 = tpu.memref_squeeze %dma_start3A_45 : memref<1x160x128xi32, #tpu.memory_space<hbm>> -> memref<160x128xi32, #tpu.memory_space<hbm>>
        %dma_start3A_47 = arith.constant 0 : i32
        %dma_start3A_48 = tpu.memref_slice %dma_start3A_46[%add3A, %dma_start3A_47] : memref<160x128xi32, #tpu.memory_space<hbm>> -> memref<16x128xi32, #tpu.memory_space<hbm>>
        tpu.enqueue_dma source(%dma_start3A_48 : memref<16x128xi32, #tpu.memory_space<hbm>>) target(%arg8 : memref<16x128xi32, #tpu.memory_space<vmem>>) target_semaphore(%run_scoped3A : memref<!tpu.dma_semaphore, #tpu.memory_space<semaphore_mem>>)
        %dma_wait3A = arith.constant 0 : i32
        %dma_wait3A_49 = arith.constant 0 : i32
        %dma_wait3A_50 = tpu.memref_slice %arg4[%arg1, %dma_wait3A, %dma_wait3A_49] : memref<16x160x128xi32, #tpu.memory_space<hbm>> -> memref<1x160x128xi32, #tpu.memory_space<hbm>>
        %dma_wait3A_51 = tpu.memref_squeeze %dma_wait3A_50 : memref<1x160x128xi32, #tpu.memory_space<hbm>> -> memref<160x128xi32, #tpu.memory_space<hbm>>
        %dma_wait3A_52 = arith.constant 0 : i32
        %dma_wait3A_53 = tpu.memref_slice %dma_wait3A_51[%add3A, %dma_wait3A_52] : memref<160x128xi32, #tpu.memory_space<hbm>> -> memref<16x128xi32, #tpu.memory_space<hbm>>
        %dma_wait3A_54 = arith.constant 0 : i32
        %dma_wait3A_55 = arith.constant 0 : i32
        %dma_wait3A_56 = tpu.memref_slice %arg4[%arg1, %dma_wait3A_54, %dma_wait3A_55] : memref<16x160x128xi32, #tpu.memory_space<hbm>> -> memref<1x160x128xi32, #tpu.memory_space<hbm>>
        %dma_wait3A_57 = tpu.memref_squeeze %dma_wait3A_56 : memref<1x160x128xi32, #tpu.memory_space<hbm>> -> memref<160x128xi32, #tpu.memory_space<hbm>>
        %dma_wait3A_58 = arith.constant 0 : i32
        %dma_wait3A_59 = tpu.memref_slice %dma_wait3A_57[%add3A, %dma_wait3A_58] : memref<160x128xi32, #tpu.memory_space<hbm>> -> memref<16x128xi32, #tpu.memory_space<hbm>>
        tpu.wait_dma2 semaphore(%run_scoped3A : memref<!tpu.dma_semaphore, #tpu.memory_space<semaphore_mem>>) src(%dma_wait3A_59 : memref<16x128xi32, #tpu.memory_space<hbm>>) dst(%arg8 : memref<16x128xi32, #tpu.memory_space<vmem>>)
        tpu.yield
      }) : () -> ()
      %dma_start3A = arith.constant 0 : i32
      %dma_start3A_19 = arith.constant 0 : i32
      %dma_start3A_20 = tpu.memref_slice %arg7[%dma_start3A, %dma_start3A_19] : memref<16x128xi32, #tpu.memory_space<vmem>> -> memref<1x128xi32, #tpu.memory_space<vmem>>
      %dma_start3A_21 = tpu.memref_squeeze %dma_start3A_20 : memref<1x128xi32, #tpu.memory_space<vmem>> -> memref<128xi32, #tpu.memory_space<vmem>>
      %dma_start3A_22 = arith.constant 0 : i32
      %dma_start3A_23 = arith.constant 0 : i32
      %dma_start3A_24 = tpu.memref_slice %arg2[%dma_start3A_22, %dma_start3A_23] : memref<10240x128xf32, #tpu.memory_space<hbm>> -> memref<10240x128xf32, #tpu.memory_space<hbm>>
      tpu.enqueue_indirect_dma source(%dma_start3A_24 : memref<10240x128xf32, #tpu.memory_space<hbm>>) target(%arg9 : memref<128x128xf32, #tpu.memory_space<vmem>>) offsets(%dma_start3A_21 : memref<128xi32, #tpu.memory_space<vmem>>) semaphore(%arg12 : memref<!tpu.dma_semaphore, #tpu.memory_space<semaphore_mem>>)
      %dma_start3A_25 = arith.constant 1 : i32
      %dma_start3A_26 = arith.constant 0 : i32
      %dma_start3A_27 = tpu.memref_slice %arg7[%dma_start3A_25, %dma_start3A_26] : memref<16x128xi32, #tpu.memory_space<vmem>> -> memref<1x128xi32, #tpu.memory_space<vmem>>
      %dma_start3A_28 = tpu.memref_squeeze %dma_start3A_27 : memref<1x128xi32, #tpu.memory_space<vmem>> -> memref<128xi32, #tpu.memory_space<vmem>>
      %dma_start3A_29 = arith.constant 0 : i32
      %dma_start3A_30 = arith.constant 0 : i32
      %dma_start3A_31 = tpu.memref_slice %arg2[%dma_start3A_29, %dma_start3A_30] : memref<10240x128xf32, #tpu.memory_space<hbm>> -> memref<10240x128xf32, #tpu.memory_space<hbm>>
      tpu.enqueue_indirect_dma source(%dma_start3A_31 : memref<10240x128xf32, #tpu.memory_space<hbm>>) target(%arg10 : memref<128x128xf32, #tpu.memory_space<vmem>>) offsets(%dma_start3A_28 : memref<128xi32, #tpu.memory_space<vmem>>) semaphore(%arg13 : memref<!tpu.dma_semaphore, #tpu.memory_space<semaphore_mem>>)
      %scan3A_32 = arith.constant 0 : i32
      %scan3A_33 = arith.constant 8 : i32
      %scan3A_34 = arith.addi %scan3A_32, %scan3A_33 : i32
      %scan3A_35 = arith.constant 1 : i32
      scf.for %scan3A_37 = %scan3A_32 to %scan3A_34 step %scan3A_35  : i32 {
        %mul3A_38 = arith.constant 2 : i32
        %mul3A_39 = arith.muli %scan3A_37, %mul3A_38 : i32
        %dma_wait3A = arith.constant 0 : i32
        %dma_wait3A_40 = tpu.memref_slice %arg7[%mul3A_39, %dma_wait3A] : memref<16x128xi32, #tpu.memory_space<vmem>> -> memref<1x128xi32, #tpu.memory_space<vmem>>
        %dma_wait3A_41 = tpu.memref_squeeze %dma_wait3A_40 : memref<1x128xi32, #tpu.memory_space<vmem>> -> memref<128xi32, #tpu.memory_space<vmem>>
        %dma_wait3A_42 = arith.constant 0 : i32
        %dma_wait3A_43 = arith.constant 0 : i32
        %dma_wait3A_44 = tpu.memref_slice %arg2[%dma_wait3A_42, %dma_wait3A_43] : memref<10240x128xf32, #tpu.memory_space<hbm>> -> memref<10240x128xf32, #tpu.memory_space<hbm>>
        tpu.wait_indirect_dma semaphore(%arg12 : memref<!tpu.dma_semaphore, #tpu.memory_space<semaphore_mem>>) src(%dma_wait3A_44 : memref<10240x128xf32, #tpu.memory_space<hbm>>) dst(%arg9 : memref<128x128xf32, #tpu.memory_space<vmem>>)
        %dma_start3A_45 = arith.constant 0 : i32
        %dma_start3A_46 = tpu.memref_slice %arg8[%mul3A_39, %dma_start3A_45] : memref<16x128xi32, #tpu.memory_space<vmem>> -> memref<1x128xi32, #tpu.memory_space<vmem>>
        %dma_start3A_47 = tpu.memref_squeeze %dma_start3A_46 : memref<1x128xi32, #tpu.memory_space<vmem>> -> memref<128xi32, #tpu.memory_space<vmem>>
        %dma_start3A_48 = arith.constant 0 : i32
        %dma_start3A_49 = arith.constant 0 : i32
        %dma_start3A_50 = tpu.memref_slice %arg11[%dma_start3A_48, %dma_start3A_49] : memref<10240x128xf32, #tpu.memory_space<vmem_shared>> -> memref<10240x128xf32, #tpu.memory_space<vmem_shared>>
        tpu.enqueue_indirect_dma source(%arg9 : memref<128x128xf32, #tpu.memory_space<vmem>>) target(%dma_start3A_50 : memref<10240x128xf32, #tpu.memory_space<vmem_shared>>) offsets(%dma_start3A_47 : memref<128xi32, #tpu.memory_space<vmem>>) semaphore(%arg14 : memref<!tpu.dma_semaphore, #tpu.memory_space<semaphore_mem>>) {add = true}
        %add3A_51 = arith.constant 1 : i32
        %add3A_52 = arith.addi %mul3A_39, %add3A_51 : i32
        %dma_wait3A_53 = arith.constant 0 : i32
        %dma_wait3A_54 = tpu.memref_slice %arg7[%add3A_52, %dma_wait3A_53] : memref<16x128xi32, #tpu.memory_space<vmem>> -> memref<1x128xi32, #tpu.memory_space<vmem>>
        %dma_wait3A_55 = tpu.memref_squeeze %dma_wait3A_54 : memref<1x128xi32, #tpu.memory_space<vmem>> -> memref<128xi32, #tpu.memory_space<vmem>>
        %dma_wait3A_56 = arith.constant 0 : i32
        %dma_wait3A_57 = arith.constant 0 : i32
        %dma_wait3A_58 = tpu.memref_slice %arg2[%dma_wait3A_56, %dma_wait3A_57] : memref<10240x128xf32, #tpu.memory_space<hbm>> -> memref<10240x128xf32, #tpu.memory_space<hbm>>
        tpu.wait_indirect_dma semaphore(%arg13 : memref<!tpu.dma_semaphore, #tpu.memory_space<semaphore_mem>>) src(%dma_wait3A_58 : memref<10240x128xf32, #tpu.memory_space<hbm>>) dst(%arg10 : memref<128x128xf32, #tpu.memory_space<vmem>>)
        %add3A_59 = arith.constant 1 : i32
        %add3A_60 = arith.addi %mul3A_39, %add3A_59 : i32
        %dma_start3A_61 = arith.constant 0 : i32
        %dma_start3A_62 = tpu.memref_slice %arg8[%add3A_60, %dma_start3A_61] : memref<16x128xi32, #tpu.memory_space<vmem>> -> memref<1x128xi32, #tpu.memory_space<vmem>>
        %dma_start3A_63 = tpu.memref_squeeze %dma_start3A_62 : memref<1x128xi32, #tpu.memory_space<vmem>> -> memref<128xi32, #tpu.memory_space<vmem>>
        %dma_start3A_64 = arith.constant 0 : i32
        %dma_start3A_65 = arith.constant 0 : i32
        %dma_start3A_66 = tpu.memref_slice %arg11[%dma_start3A_64, %dma_start3A_65] : memref<10240x128xf32, #tpu.memory_space<vmem_shared>> -> memref<10240x128xf32, #tpu.memory_space<vmem_shared>>
        tpu.enqueue_indirect_dma source(%arg10 : memref<128x128xf32, #tpu.memory_space<vmem>>) target(%dma_start3A_66 : memref<10240x128xf32, #tpu.memory_space<vmem_shared>>) offsets(%dma_start3A_63 : memref<128xi32, #tpu.memory_space<vmem>>) semaphore(%arg15 : memref<!tpu.dma_semaphore, #tpu.memory_space<semaphore_mem>>) {add = true}
        %lt3A = arith.constant 7 : i32
        %lt3A_67 = arith.cmpi slt, %scan3A_37, %lt3A : i32
        %convert_element_type3A_68 = arith.extui %lt3A_67 : i1 to i32
        %cond3A_69 = arith.constant 0 : i32
        %cond3A_70 = arith.cmpi ne, %convert_element_type3A_68, %cond3A_69 : i32
        scf.if %cond3A_70 {
          %dma_wait3A_76 = arith.constant 0 : i32
          %dma_wait3A_77 = tpu.memref_slice %arg8[%mul3A_39, %dma_wait3A_76] : memref<16x128xi32, #tpu.memory_space<vmem>> -> memref<1x128xi32, #tpu.memory_space<vmem>>
          %dma_wait3A_78 = tpu.memref_squeeze %dma_wait3A_77 : memref<1x128xi32, #tpu.memory_space<vmem>> -> memref<128xi32, #tpu.memory_space<vmem>>
          %dma_wait3A_79 = arith.constant 0 : i32
          %dma_wait3A_80 = arith.constant 0 : i32
          %dma_wait3A_81 = tpu.memref_slice %arg11[%dma_wait3A_79, %dma_wait3A_80] : memref<10240x128xf32, #tpu.memory_space<vmem_shared>> -> memref<10240x128xf32, #tpu.memory_space<vmem_shared>>
          tpu.wait_indirect_dma semaphore(%arg14 : memref<!tpu.dma_semaphore, #tpu.memory_space<semaphore_mem>>) src(%arg9 : memref<128x128xf32, #tpu.memory_space<vmem>>) dst(%dma_wait3A_81 : memref<10240x128xf32, #tpu.memory_space<vmem_shared>>)
          %add3A_82 = arith.constant 2 : i32
          %add3A_83 = arith.addi %mul3A_39, %add3A_82 : i32
          %dma_start3A_84 = arith.constant 0 : i32
          %dma_start3A_85 = tpu.memref_slice %arg7[%add3A_83, %dma_start3A_84] : memref<16x128xi32, #tpu.memory_space<vmem>> -> memref<1x128xi32, #tpu.memory_space<vmem>>
          %dma_start3A_86 = tpu.memref_squeeze %dma_start3A_85 : memref<1x128xi32, #tpu.memory_space<vmem>> -> memref<128xi32, #tpu.memory_space<vmem>>
          %dma_start3A_87 = arith.constant 0 : i32
          %dma_start3A_88 = arith.constant 0 : i32
          %dma_start3A_89 = tpu.memref_slice %arg2[%dma_start3A_87, %dma_start3A_88] : memref<10240x128xf32, #tpu.memory_space<hbm>> -> memref<10240x128xf32, #tpu.memory_space<hbm>>
          tpu.enqueue_indirect_dma source(%dma_start3A_89 : memref<10240x128xf32, #tpu.memory_space<hbm>>) target(%arg9 : memref<128x128xf32, #tpu.memory_space<vmem>>) offsets(%dma_start3A_86 : memref<128xi32, #tpu.memory_space<vmem>>) semaphore(%arg12 : memref<!tpu.dma_semaphore, #tpu.memory_space<semaphore_mem>>)
          %add3A_90 = arith.constant 1 : i32
          %add3A_91 = arith.addi %mul3A_39, %add3A_90 : i32
          %dma_wait3A_92 = arith.constant 0 : i32
          %dma_wait3A_93 = tpu.memref_slice %arg8[%add3A_91, %dma_wait3A_92] : memref<16x128xi32, #tpu.memory_space<vmem>> -> memref<1x128xi32, #tpu.memory_space<vmem>>
          %dma_wait3A_94 = tpu.memref_squeeze %dma_wait3A_93 : memref<1x128xi32, #tpu.memory_space<vmem>> -> memref<128xi32, #tpu.memory_space<vmem>>
          %dma_wait3A_95 = arith.constant 0 : i32
          %dma_wait3A_96 = arith.constant 0 : i32
          %dma_wait3A_97 = tpu.memref_slice %arg11[%dma_wait3A_95, %dma_wait3A_96] : memref<10240x128xf32, #tpu.memory_space<vmem_shared>> -> memref<10240x128xf32, #tpu.memory_space<vmem_shared>>
          tpu.wait_indirect_dma semaphore(%arg15 : memref<!tpu.dma_semaphore, #tpu.memory_space<semaphore_mem>>) src(%arg10 : memref<128x128xf32, #tpu.memory_space<vmem>>) dst(%dma_wait3A_97 : memref<10240x128xf32, #tpu.memory_space<vmem_shared>>)
          %add3A_98 = arith.constant 3 : i32
          %add3A_99 = arith.addi %mul3A_39, %add3A_98 : i32
          %dma_start3A_100 = arith.constant 0 : i32
          %dma_start3A_101 = tpu.memref_slice %arg7[%add3A_99, %dma_start3A_100] : memref<16x128xi32, #tpu.memory_space<vmem>> -> memref<1x128xi32, #tpu.memory_space<vmem>>
          %dma_start3A_102 = tpu.memref_squeeze %dma_start3A_101 : memref<1x128xi32, #tpu.memory_space<vmem>> -> memref<128xi32, #tpu.memory_space<vmem>>
          %dma_start3A_103 = arith.constant 0 : i32
          %dma_start3A_104 = arith.constant 0 : i32
          %dma_start3A_105 = tpu.memref_slice %arg2[%dma_start3A_103, %dma_start3A_104] : memref<10240x128xf32, #tpu.memory_space<hbm>> -> memref<10240x128xf32, #tpu.memory_space<hbm>>
          tpu.enqueue_indirect_dma source(%dma_start3A_105 : memref<10240x128xf32, #tpu.memory_space<hbm>>) target(%arg10 : memref<128x128xf32, #tpu.memory_space<vmem>>) offsets(%dma_start3A_102 : memref<128xi32, #tpu.memory_space<vmem>>) semaphore(%arg13 : memref<!tpu.dma_semaphore, #tpu.memory_space<semaphore_mem>>)
        } else {
        }
        %eq3A_71 = arith.constant 7 : i32
        %eq3A_72 = arith.cmpi eq, %scan3A_37, %eq3A_71 : i32
        %convert_element_type3A_73 = arith.extui %eq3A_72 : i1 to i32
        %cond3A_74 = arith.constant 0 : i32
        %cond3A_75 = arith.cmpi ne, %convert_element_type3A_73, %cond3A_74 : i32
        scf.if %cond3A_75 {
          %dma_wait3A_76 = arith.constant 0 : i32
          %dma_wait3A_77 = tpu.memref_slice %arg8[%mul3A_39, %dma_wait3A_76] : memref<16x128xi32, #tpu.memory_space<vmem>> -> memref<1x128xi32, #tpu.memory_space<vmem>>
          %dma_wait3A_78 = tpu.memref_squeeze %dma_wait3A_77 : memref<1x128xi32, #tpu.memory_space<vmem>> -> memref<128xi32, #tpu.memory_space<vmem>>
          %dma_wait3A_79 = arith.constant 0 : i32
          %dma_wait3A_80 = arith.constant 0 : i32
          %dma_wait3A_81 = tpu.memref_slice %arg11[%dma_wait3A_79, %dma_wait3A_80] : memref<10240x128xf32, #tpu.memory_space<vmem_shared>> -> memref<10240x128xf32, #tpu.memory_space<vmem_shared>>
          tpu.wait_indirect_dma semaphore(%arg14 : memref<!tpu.dma_semaphore, #tpu.memory_space<semaphore_mem>>) src(%arg9 : memref<128x128xf32, #tpu.memory_space<vmem>>) dst(%dma_wait3A_81 : memref<10240x128xf32, #tpu.memory_space<vmem_shared>>)
          %add3A_82 = arith.constant 1 : i32
          %add3A_83 = arith.addi %mul3A_39, %add3A_82 : i32
          %dma_wait3A_84 = arith.constant 0 : i32
          %dma_wait3A_85 = tpu.memref_slice %arg8[%add3A_83, %dma_wait3A_84] : memref<16x128xi32, #tpu.memory_space<vmem>> -> memref<1x128xi32, #tpu.memory_space<vmem>>
          %dma_wait3A_86 = tpu.memref_squeeze %dma_wait3A_85 : memref<1x128xi32, #tpu.memory_space<vmem>> -> memref<128xi32, #tpu.memory_space<vmem>>
          %dma_wait3A_87 = arith.constant 0 : i32
          %dma_wait3A_88 = arith.constant 0 : i32
          %dma_wait3A_89 = tpu.memref_slice %arg11[%dma_wait3A_87, %dma_wait3A_88] : memref<10240x128xf32, #tpu.memory_space<vmem_shared>> -> memref<10240x128xf32, #tpu.memory_space<vmem_shared>>
          tpu.wait_indirect_dma semaphore(%arg15 : memref<!tpu.dma_semaphore, #tpu.memory_space<semaphore_mem>>) src(%arg10 : memref<128x128xf32, #tpu.memory_space<vmem>>) dst(%dma_wait3A_89 : memref<10240x128xf32, #tpu.memory_space<vmem_shared>>)
        } else {
        }
      }
      %scan3A_36 = arith.constant 8 : i32
    }
    %scan3A_5 = arith.constant 5 : i32
    %barrier3A_6 = arith.constant 0 : index
    tpu.barrier barrier_id(%barrier3A_6)
    %eq3A = arith.constant 0 : i32
    %eq3A_7 = arith.cmpi eq, %arg0, %eq3A : i32
    %convert_element_type3A = arith.extui %eq3A_7 : i1 to i32
    %cond3A = arith.constant 0 : i32
    %cond3A_8 = arith.cmpi ne, %convert_element_type3A, %cond3A : i32
    scf.if %cond3A_8 {
      "tpu.region"() ({
        %run_scoped3A = tpu.sem_alloc : memref<!tpu.dma_semaphore, #tpu.memory_space<semaphore_mem>>
        %dma_start3A = arith.constant 0 : i32
        %dma_start3A_14 = tpu.memref_slice %arg5[%mul3A_0, %dma_start3A] : memref<10240x128xf32, #tpu.memory_space<hbm>> -> memref<640x128xf32, #tpu.memory_space<hbm>>
        %dma_start3A_15 = arith.constant 0 : i32
        %dma_start3A_16 = tpu.memref_slice %arg11[%mul3A_0, %dma_start3A_15] : memref<10240x128xf32, #tpu.memory_space<vmem_shared>> -> memref<640x128xf32, #tpu.memory_space<vmem_shared>>
        tpu.enqueue_dma source(%dma_start3A_16 : memref<640x128xf32, #tpu.memory_space<vmem_shared>>) target(%dma_start3A_14 : memref<640x128xf32, #tpu.memory_space<hbm>>) target_semaphore(%run_scoped3A : memref<!tpu.dma_semaphore, #tpu.memory_space<semaphore_mem>>)
        %dma_wait3A = arith.constant 0 : i32
        %dma_wait3A_17 = tpu.memref_slice %arg5[%mul3A_0, %dma_wait3A] : memref<10240x128xf32, #tpu.memory_space<hbm>> -> memref<640x128xf32, #tpu.memory_space<hbm>>
        %dma_wait3A_18 = arith.constant 0 : i32
        %dma_wait3A_19 = tpu.memref_slice %arg11[%mul3A_0, %dma_wait3A_18] : memref<10240x128xf32, #tpu.memory_space<vmem_shared>> -> memref<640x128xf32, #tpu.memory_space<vmem_shared>>
        tpu.wait_dma2 semaphore(%run_scoped3A : memref<!tpu.dma_semaphore, #tpu.memory_space<semaphore_mem>>) src(%dma_wait3A_19 : memref<640x128xf32, #tpu.memory_space<vmem_shared>>) dst(%dma_wait3A_17 : memref<640x128xf32, #tpu.memory_space<hbm>>)
        tpu.yield
      }) : () -> ()
    } else {
    }
    %eq3A_9 = arith.constant 1 : i32
    %eq3A_10 = arith.cmpi eq, %arg0, %eq3A_9 : i32
    %convert_element_type3A_11 = arith.extui %eq3A_10 : i1 to i32
    %cond3A_12 = arith.constant 0 : i32
    %cond3A_13 = arith.cmpi ne, %convert_element_type3A_11, %cond3A_12 : i32
    scf.if %cond3A_13 {
      "tpu.region"() ({
        %run_scoped3A = tpu.sem_alloc : memref<!tpu.dma_semaphore, #tpu.memory_space<semaphore_mem>>
        %dma_start3A = arith.constant 0 : i32
        %dma_start3A_14 = tpu.memref_slice %arg6[%mul3A_0, %dma_start3A] : memref<10240x128xf32, #tpu.memory_space<hbm>> -> memref<640x128xf32, #tpu.memory_space<hbm>>
        %dma_start3A_15 = arith.constant 0 : i32
        %dma_start3A_16 = tpu.memref_slice %arg11[%mul3A_0, %dma_start3A_15] : memref<10240x128xf32, #tpu.memory_space<vmem_shared>> -> memref<640x128xf32, #tpu.memory_space<vmem_shared>>
        tpu.enqueue_dma source(%dma_start3A_16 : memref<640x128xf32, #tpu.memory_space<vmem_shared>>) target(%dma_start3A_14 : memref<640x128xf32, #tpu.memory_space<hbm>>) target_semaphore(%run_scoped3A : memref<!tpu.dma_semaphore, #tpu.memory_space<semaphore_mem>>)
        %dma_wait3A = arith.constant 0 : i32
        %dma_wait3A_17 = tpu.memref_slice %arg6[%mul3A_0, %dma_wait3A] : memref<10240x128xf32, #tpu.memory_space<hbm>> -> memref<640x128xf32, #tpu.memory_space<hbm>>
        %dma_wait3A_18 = arith.constant 0 : i32
        %dma_wait3A_19 = tpu.memref_slice %arg11[%mul3A_0, %dma_wait3A_18] : memref<10240x128xf32, #tpu.memory_space<vmem_shared>> -> memref<640x128xf32, #tpu.memory_space<vmem_shared>>
        tpu.wait_dma2 semaphore(%run_scoped3A : memref<!tpu.dma_semaphore, #tpu.memory_space<semaphore_mem>>) src(%dma_wait3A_19 : memref<640x128xf32, #tpu.memory_space<vmem_shared>>) dst(%dma_wait3A_17 : memref<640x128xf32, #tpu.memory_space<hbm>>)
        tpu.yield
      }) : () -> ()
    } else {
    }
    return
  }
}

module attributes {stable_mosaic.version = 14 : i64} {
  func.func @_b_body(%arg0: i32, %arg1: memref<512x1xf32, #tpu.memory_space<vmem>>, %arg2: memref<512x128xf32, #tpu.memory_space<vmem>>, %arg3: memref<128x256xf32, #tpu.memory_space<vmem>>, %arg4: memref<512x128xf32, #tpu.memory_space<vmem>>, %arg5: memref<512x128xf32, #tpu.memory_space<vmem>>) attributes {dimension_semantics = [#tpu.dimension_semantics<arbitrary>], iteration_bounds = array<i64: 20>, scalar_prefetch = 0 : i64, scratch_operands = 0 : i64, tpu.core_type = #tpu.core_type<tc>, window_params = [{transform_indices = @transform_0, window_bounds = array<i64: 512, 1>}, {transform_indices = @transform_1, window_bounds = array<i64: 512, 128>}, {pipeline_mode = #tpu.pipeline_mode<synchronous>, transform_indices = @transform_2, window_bounds = array<i64: 128, 256>}, {transform_indices = @transform_3, window_bounds = array<i64: 512, 128>}, {transform_indices = @transform_4, window_bounds = array<i64: 512, 128>}]} {
    %get3A = arith.constant 0 : index
    %get3A_0 = arith.constant 0 : index
    %get3A_1 = vector.load %arg1[%get3A, %get3A_0] : memref<512x1xf32, #tpu.memory_space<vmem>>, vector<512x1xf32>
    %add3A = arith.constant 1.000000e+00 : f32
    %add3A_2 = vector.broadcast %add3A : f32 to vector<512x1xf32>
    %add3A_3 = arith.addf %get3A_1, %add3A_2 : vector<512x1xf32>
    %rsqrt3A = math.rsqrt %add3A_3 : vector<512x1xf32>
    %get3A_4 = arith.constant 0 : index
    %get3A_5 = arith.constant 0 : index
    %get3A_6 = vector.load %arg2[%get3A_4, %get3A_5] : memref<512x128xf32, #tpu.memory_space<vmem>>, vector<512x128xf32>
    %get3A_7 = arith.constant 0 : index
    %get3A_8 = arith.constant 0 : index
    %get3A_9 = vector.load %arg3[%get3A_7, %get3A_8] : memref<128x256xf32, #tpu.memory_space<vmem>>, vector<128x256xf32>
    %dot_general3A = arith.constant dense<0.000000e+00> : vector<512x256xf32>
    %dot_general3A_10 = tpu.matmul %get3A_6, %get3A_9, %dot_general3A {dimension_numbers = #tpu.dot_dimension_numbers<[1], [0], [0], [1], [0, 0, 1, 1], [], []>, transpose_lhs_hint = false} : vector<512x128xf32>, vector<128x256xf32>, vector<512x256xf32> -> vector<512x256xf32>
    %mul3A = vector.broadcast %rsqrt3A : vector<512x1xf32> to vector<512x256xf32>
    %mul3A_11 = arith.mulf %dot_general3A_10, %mul3A : vector<512x256xf32>
    %slice3A = vector.extract_strided_slice %mul3A_11 {offsets = [0, 0], sizes = [512, 128], strides = [1, 1]} : vector<512x256xf32> to vector<512x128xf32>
    %swap3A = arith.constant 0 : index
    %swap3A_12 = arith.constant 0 : index
    %swap3A_13 = vector.load %arg4[%swap3A, %swap3A_12] : memref<512x128xf32, #tpu.memory_space<vmem>>, vector<512x128xf32>
    tpu.vector_store %arg4[%swap3A, %swap3A_12], %slice3A {strides = array<i32>} : memref<512x128xf32, #tpu.memory_space<vmem>>, vector<512x128xf32>,
    %slice3A_14 = vector.extract_strided_slice %mul3A_11 {offsets = [0, 128], sizes = [512, 128], strides = [1, 1]} : vector<512x256xf32> to vector<512x128xf32>
    %swap3A_15 = arith.constant 0 : index
    %swap3A_16 = arith.constant 0 : index
    %swap3A_17 = vector.load %arg5[%swap3A_15, %swap3A_16] : memref<512x128xf32, #tpu.memory_space<vmem>>, vector<512x128xf32>
    tpu.vector_store %arg5[%swap3A_15, %swap3A_16], %slice3A_14 {strides = array<i32>} : memref<512x128xf32, #tpu.memory_space<vmem>>, vector<512x128xf32>,
    return
  }
  func.func @transform_0(%arg0: i32) -> (i32, i32) {
    %c0_i32 = arith.constant 0 : i32
    %c0_i32_0 = arith.constant 0 : i32
    return %arg0, %c0_i32 : i32, i32
  }
  func.func @transform_1(%arg0: i32) -> (i32, i32) {
    %c0_i32 = arith.constant 0 : i32
    %c0_i32_0 = arith.constant 0 : i32
    return %arg0, %c0_i32 : i32, i32
  }
  func.func @transform_2(%arg0: i32) -> (i32, i32) {
    %c0_i32 = arith.constant 0 : i32
    %c0_i32_0 = arith.constant 0 : i32
    %c0_i32_1 = arith.constant 0 : i32
    return %c0_i32, %c0_i32_0 : i32, i32
  }
  func.func @transform_3(%arg0: i32) -> (i32, i32) {
    %c0_i32 = arith.constant 0 : i32
    %c0_i32_0 = arith.constant 0 : i32
    return %arg0, %c0_i32 : i32, i32
  }
  func.func @transform_4(%arg0: i32) -> (i32, i32) {
    %c0_i32 = arith.constant 0 : i32
    %c0_i32_0 = arith.constant 0 : i32
    return %arg0, %c0_i32 : i32, i32
  }
}

module attributes {stable_mosaic.version = 14 : i64} {
  func.func @_d_body(%arg0: i32, %arg1: memref<512x1xf32, #tpu.memory_space<vmem>>, %arg2: memref<512x128xf32, #tpu.memory_space<vmem>>, %arg3: memref<512x128xf32, #tpu.memory_space<vmem>>, %arg4: memref<1x256xf32, #tpu.memory_space<vmem>>, %arg5: memref<256x128xf32, #tpu.memory_space<vmem>>, %arg6: memref<512x256xf32, #tpu.memory_space<vmem>>, %arg7: memref<512x128xf32, #tpu.memory_space<vmem>>) attributes {dimension_semantics = [#tpu.dimension_semantics<arbitrary>], iteration_bounds = array<i64: 20>, scalar_prefetch = 0 : i64, scratch_operands = 0 : i64, tpu.core_type = #tpu.core_type<tc>, window_params = [{transform_indices = @transform_0, window_bounds = array<i64: 512, 1>}, {transform_indices = @transform_1, window_bounds = array<i64: 512, 128>}, {transform_indices = @transform_2, window_bounds = array<i64: 512, 128>}, {pipeline_mode = #tpu.pipeline_mode<synchronous>, transform_indices = @transform_3, window_bounds = array<i64: 1, 256>}, {pipeline_mode = #tpu.pipeline_mode<synchronous>, transform_indices = @transform_4, window_bounds = array<i64: 256, 128>}, {transform_indices = @transform_5, window_bounds = array<i64: 512, 256>}, {transform_indices = @transform_6, window_bounds = array<i64: 512, 128>}]} {
    %get3A = arith.constant 0 : index
    %get3A_0 = arith.constant 0 : index
    %get3A_1 = vector.load %arg1[%get3A, %get3A_0] : memref<512x1xf32, #tpu.memory_space<vmem>>, vector<512x1xf32>
    %add3A = arith.constant 1.000000e+00 : f32
    %add3A_2 = vector.broadcast %add3A : f32 to vector<512x1xf32>
    %add3A_3 = arith.addf %get3A_1, %add3A_2 : vector<512x1xf32>
    %rsqrt3A = math.rsqrt %add3A_3 : vector<512x1xf32>
    %get3A_4 = arith.constant 0 : index
    %get3A_5 = arith.constant 0 : index
    %get3A_6 = vector.load %arg2[%get3A_4, %get3A_5] : memref<512x128xf32, #tpu.memory_space<vmem>>, vector<512x128xf32>
    %get3A_7 = arith.constant 0 : index
    %get3A_8 = arith.constant 0 : index
    %get3A_9 = vector.load %arg3[%get3A_7, %get3A_8] : memref<512x128xf32, #tpu.memory_space<vmem>>, vector<512x128xf32>
    %concatenate3A = tpu.concatenate %get3A_6, %get3A_9 in 1 : vector<512x128xf32>, vector<512x128xf32> -> vector<512x256xf32>
    %mul3A = vector.broadcast %rsqrt3A : vector<512x1xf32> to vector<512x256xf32>
    %mul3A_10 = arith.mulf %concatenate3A, %mul3A : vector<512x256xf32>
    %get3A_11 = arith.constant 0 : index
    %get3A_12 = arith.constant 0 : index
    %get3A_13 = vector.load %arg4[%get3A_11, %get3A_12] : memref<1x256xf32, #tpu.memory_space<vmem>>, vector<1x256xf32>
    %add3A_14 = vector.broadcast %get3A_13 : vector<1x256xf32> to vector<512x256xf32>
    %add3A_15 = arith.addf %mul3A_10, %add3A_14 : vector<512x256xf32>
    %max3A = arith.constant 0.000000e+00 : f32
    %max3A_16 = vector.broadcast %max3A : f32 to vector<512x256xf32>
    %max3A_17 = arith.maximumf %add3A_15, %max3A_16 : vector<512x256xf32>
    %swap3A = arith.constant 0 : index
    %swap3A_18 = arith.constant 0 : index
    %swap3A_19 = vector.load %arg6[%swap3A, %swap3A_18] : memref<512x256xf32, #tpu.memory_space<vmem>>, vector<512x256xf32>
    tpu.vector_store %arg6[%swap3A, %swap3A_18], %max3A_17 {strides = array<i32>} : memref<512x256xf32, #tpu.memory_space<vmem>>, vector<512x256xf32>,
    %get3A_20 = arith.constant 0 : index
    %get3A_21 = arith.constant 0 : index
    %get3A_22 = vector.load %arg5[%get3A_20, %get3A_21] : memref<256x128xf32, #tpu.memory_space<vmem>>, vector<256x128xf32>
    %dot_general3A = arith.constant dense<0.000000e+00> : vector<512x128xf32>
    %dot_general3A_23 = tpu.matmul %max3A_17, %get3A_22, %dot_general3A {dimension_numbers = #tpu.dot_dimension_numbers<[1], [0], [0], [1], [0, 0, 1, 1], [], []>, transpose_lhs_hint = false} : vector<512x256xf32>, vector<256x128xf32>, vector<512x128xf32> -> vector<512x128xf32>
    %mul3A_24 = vector.broadcast %rsqrt3A : vector<512x1xf32> to vector<512x128xf32>
    %mul3A_25 = arith.mulf %dot_general3A_23, %mul3A_24 : vector<512x128xf32>
    %swap3A_26 = arith.constant 0 : index
    %swap3A_27 = arith.constant 0 : index
    %swap3A_28 = vector.load %arg7[%swap3A_26, %swap3A_27] : memref<512x128xf32, #tpu.memory_space<vmem>>, vector<512x128xf32>
    tpu.vector_store %arg7[%swap3A_26, %swap3A_27], %mul3A_25 {strides = array<i32>} : memref<512x128xf32, #tpu.memory_space<vmem>>, vector<512x128xf32>,
    return
  }
  func.func @transform_0(%arg0: i32) -> (i32, i32) {
    %c0_i32 = arith.constant 0 : i32
    %c0_i32_0 = arith.constant 0 : i32
    return %arg0, %c0_i32 : i32, i32
  }
  func.func @transform_1(%arg0: i32) -> (i32, i32) {
    %c0_i32 = arith.constant 0 : i32
    %c0_i32_0 = arith.constant 0 : i32
    return %arg0, %c0_i32 : i32, i32
  }
  func.func @transform_2(%arg0: i32) -> (i32, i32) {
    %c0_i32 = arith.constant 0 : i32
    %c0_i32_0 = arith.constant 0 : i32
    return %arg0, %c0_i32 : i32, i32
  }
  func.func @transform_3(%arg0: i32) -> (i32, i32) {
    %c0_i32 = arith.constant 0 : i32
    %c0_i32_0 = arith.constant 0 : i32
    %c0_i32_1 = arith.constant 0 : i32
    return %c0_i32, %c0_i32_0 : i32, i32
  }
  func.func @transform_4(%arg0: i32) -> (i32, i32) {
    %c0_i32 = arith.constant 0 : i32
    %c0_i32_0 = arith.constant 0 : i32
    %c0_i32_1 = arith.constant 0 : i32
    return %c0_i32, %c0_i32_0 : i32, i32
  }
  func.func @transform_5(%arg0: i32) -> (i32, i32) {
    %c0_i32 = arith.constant 0 : i32
    %c0_i32_0 = arith.constant 0 : i32
    return %arg0, %c0_i32 : i32, i32
  }
  func.func @transform_6(%arg0: i32) -> (i32, i32) {
    %c0_i32 = arith.constant 0 : i32
    %c0_i32_0 = arith.constant 0 : i32
    return %arg0, %c0_i32 : i32, i32
  }
}

module attributes {stable_mosaic.version = 14 : i64} {
  func.func @_f_body(%arg0: i32, %arg1: memref<512x1xf32, #tpu.memory_space<vmem>>, %arg2: memref<512x128xf32, #tpu.memory_space<vmem>>, %arg3: memref<512x128xf32, #tpu.memory_space<vmem>>, %arg4: memref<512x128xf32, #tpu.memory_space<vmem>>, %arg5: memref<1x128xf32, #tpu.memory_space<vmem>>, %arg6: memref<512x256xf32, #tpu.memory_space<vmem>>, %arg7: memref<1x1x512xi32, #tpu.memory_space<vmem>>, %arg8: memref<512x128xf32, #tpu.memory_space<vmem>>, %arg9: memref<64x384xf32, #tpu.memory_space<vmem>>, %arg10: memref<64x384xf32, #tpu.memory_space<vmem>>, %arg11: memref<64x1xf32, #tpu.memory_space<vmem>>) attributes {dimension_semantics = [#tpu.dimension_semantics<arbitrary>], iteration_bounds = array<i64: 20>, scalar_prefetch = 0 : i64, scratch_operands = 2 : i64, tpu.core_type = #tpu.core_type<tc>, window_params = [{transform_indices = @transform_0, window_bounds = array<i64: 512, 1>}, {transform_indices = @transform_1, window_bounds = array<i64: 512, 128>}, {transform_indices = @transform_2, window_bounds = array<i64: 512, 128>}, {transform_indices = @transform_3, window_bounds = array<i64: 512, 128>}, {pipeline_mode = #tpu.pipeline_mode<synchronous>, transform_indices = @transform_4, window_bounds = array<i64: 1, 128>}, {transform_indices = @transform_5, window_bounds = array<i64: 512, 256>}, {transform_indices = @transform_6, window_bounds = array<i64: 1, 1, 512>}, {transform_indices = @transform_7, window_bounds = array<i64: 512, 128>}, {pipeline_mode = #tpu.pipeline_mode<synchronous>, transform_indices = @transform_8, window_bounds = array<i64: 64, 384>}]} {
    %get3A = arith.constant 0 : index
    %get3A_0 = arith.constant 0 : index
    %get3A_1 = vector.load %arg1[%get3A, %get3A_0] : memref<512x1xf32, #tpu.memory_space<vmem>>, vector<512x1xf32>
    %add3A = arith.constant 1.000000e+00 : f32
    %add3A_2 = vector.broadcast %add3A : f32 to vector<512x1xf32>
    %add3A_3 = arith.addf %get3A_1, %add3A_2 : vector<512x1xf32>
    %rsqrt3A = math.rsqrt %add3A_3 : vector<512x1xf32>
    %get3A_4 = arith.constant 0 : index
    %get3A_5 = arith.constant 0 : index
    %get3A_6 = vector.load %arg2[%get3A_4, %get3A_5] : memref<512x128xf32, #tpu.memory_space<vmem>>, vector<512x128xf32>
    %get3A_7 = arith.constant 0 : index
    %get3A_8 = arith.constant 0 : index
    %get3A_9 = vector.load %arg3[%get3A_7, %get3A_8] : memref<512x128xf32, #tpu.memory_space<vmem>>, vector<512x128xf32>
    %add3A_10 = arith.addf %get3A_6, %get3A_9 : vector<512x128xf32>
    %get3A_11 = arith.constant 0 : index
    %get3A_12 = arith.constant 0 : index
    %get3A_13 = vector.load %arg4[%get3A_11, %get3A_12] : memref<512x128xf32, #tpu.memory_space<vmem>>, vector<512x128xf32>
    %sub3A = arith.subf %add3A_10, %get3A_13 : vector<512x128xf32>
    %mul3A = vector.broadcast %rsqrt3A : vector<512x1xf32> to vector<512x128xf32>
    %mul3A_14 = arith.mulf %sub3A, %mul3A : vector<512x128xf32>
    %get3A_15 = arith.constant 0 : index
    %get3A_16 = arith.constant 0 : index
    %get3A_17 = vector.load %arg5[%get3A_15, %get3A_16] : memref<1x128xf32, #tpu.memory_space<vmem>>, vector<1x128xf32>
    %add3A_18 = vector.broadcast %get3A_17 : vector<1x128xf32> to vector<512x128xf32>
    %add3A_19 = arith.addf %mul3A_14, %add3A_18 : vector<512x128xf32>
    %max3A = arith.constant 0.000000e+00 : f32
    %max3A_20 = vector.broadcast %max3A : f32 to vector<512x128xf32>
    %max3A_21 = arith.maximumf %add3A_19, %max3A_20 : vector<512x128xf32>
    %swap3A = arith.constant 0 : index
    %swap3A_22 = arith.constant 0 : index
    %swap3A_23 = vector.load %arg8[%swap3A, %swap3A_22] : memref<512x128xf32, #tpu.memory_space<vmem>>, vector<512x128xf32>
    tpu.vector_store %arg8[%swap3A, %swap3A_22], %max3A_21 {strides = array<i32>} : memref<512x128xf32, #tpu.memory_space<vmem>>, vector<512x128xf32>,
    %get3A_24 = arith.constant 0 : index
    %get3A_25 = arith.constant 0 : index
    %get3A_26 = arith.constant 0 : index
    %get3A_27 = vector.load %arg7[%get3A_24, %get3A_25, %get3A_26] : memref<1x1x512xi32, #tpu.memory_space<vmem>>, vector<1x1x512xi32>
    %get3A_28 = vector.shape_cast %get3A_27 : vector<1x1x512xi32> to vector<1x512xi32>
    %iota3A = tpu.iota {dimensions = array<i32: 0>} : vector<64x512xi32>
    %eq3A = vector.broadcast %get3A_28 : vector<1x512xi32> to vector<64x512xi32>
    %eq3A_29 = arith.cmpi eq, %iota3A, %eq3A : vector<64x512xi32>
    %convert_element_type3A = arith.extui %eq3A_29 : vector<64x512xi1> to vector<64x512xi32>
    %convert_element_type3A_30 = arith.sitofp %convert_element_type3A : vector<64x512xi32> to vector<64x512xf32>
    %get3A_31 = arith.constant 0 : index
    %get3A_32 = arith.constant 0 : index
    %get3A_33 = vector.load %arg6[%get3A_31, %get3A_32] : memref<512x256xf32, #tpu.memory_space<vmem>>, vector<512x256xf32>
    %concatenate3A = tpu.concatenate %get3A_33, %max3A_21 in 1 : vector<512x256xf32>, vector<512x128xf32> -> vector<512x384xf32>
    %dot_general3A = arith.constant dense<0.000000e+00> : vector<64x384xf32>
    %dot_general3A_34 = tpu.matmul %convert_element_type3A_30, %concatenate3A, %dot_general3A {dimension_numbers = #tpu.dot_dimension_numbers<[1], [0], [0], [1], [0, 0, 1, 1], [], []>, transpose_lhs_hint = false} : vector<64x512xf32>, vector<512x384xf32>, vector<64x384xf32> -> vector<64x384xf32>
    %reduce_sum3A = arith.constant dense<0.000000e+00> : vector<64xf32>
    %reduce_sum3A_35 = vector.multi_reduction <add>, %convert_element_type3A_30, %reduce_sum3A [1] : vector<64x512xf32> to vector<64xf32>
    %broadcast_in_dim3A = vector.shape_cast %reduce_sum3A_35 : vector<64xf32> to vector<64x1xf32>
    %eq3A_36 = arith.constant 0 : i32
    %eq3A_37 = arith.cmpi eq, %arg0, %eq3A_36 : i32
    %convert_element_type3A_38 = arith.extui %eq3A_37 : i1 to i32
    %cond3A = arith.constant 0 : i32
    %cond3A_39 = arith.cmpi ne, %convert_element_type3A_38, %cond3A : i32
    scf.if %cond3A_39 {
      %swap3A_57 = arith.constant 0 : index
      %swap3A_58 = arith.constant 0 : index
      %swap3A_59 = vector.load %arg10[%swap3A_57, %swap3A_58] : memref<64x384xf32, #tpu.memory_space<vmem>>, vector<64x384xf32>
      tpu.vector_store %arg10[%swap3A_57, %swap3A_58], %dot_general3A_34 {strides = array<i32>} : memref<64x384xf32, #tpu.memory_space<vmem>>, vector<64x384xf32>,
      %swap3A_60 = arith.constant 0 : index
      %swap3A_61 = arith.constant 0 : index
      %swap3A_62 = vector.load %arg11[%swap3A_60, %swap3A_61] : memref<64x1xf32, #tpu.memory_space<vmem>>, vector<64x1xf32>
      tpu.vector_store %arg11[%swap3A_60, %swap3A_61], %broadcast_in_dim3A {strides = array<i32>} : memref<64x1xf32, #tpu.memory_space<vmem>>, vector<64x1xf32>,
    } else {
    }
    %gt3A = arith.constant 0 : i32
    %gt3A_40 = arith.cmpi sgt, %arg0, %gt3A : i32
    %convert_element_type3A_41 = arith.extui %gt3A_40 : i1 to i32
    %cond3A_42 = arith.constant 0 : i32
    %cond3A_43 = arith.cmpi ne, %convert_element_type3A_41, %cond3A_42 : i32
    scf.if %cond3A_43 {
      %get3A_57 = arith.constant 0 : index
      %get3A_58 = arith.constant 0 : index
      %get3A_59 = vector.load %arg10[%get3A_57, %get3A_58] : memref<64x384xf32, #tpu.memory_space<vmem>>, vector<64x384xf32>
      %add3A_60 = arith.addf %get3A_59, %dot_general3A_34 : vector<64x384xf32>
      %swap3A_61 = arith.constant 0 : index
      %swap3A_62 = arith.constant 0 : index
      %swap3A_63 = vector.load %arg10[%swap3A_61, %swap3A_62] : memref<64x384xf32, #tpu.memory_space<vmem>>, vector<64x384xf32>
      tpu.vector_store %arg10[%swap3A_61, %swap3A_62], %add3A_60 {strides = array<i32>} : memref<64x384xf32, #tpu.memory_space<vmem>>, vector<64x384xf32>,
      %get3A_64 = arith.constant 0 : index
      %get3A_65 = arith.constant 0 : index
      %get3A_66 = vector.load %arg11[%get3A_64, %get3A_65] : memref<64x1xf32, #tpu.memory_space<vmem>>, vector<64x1xf32>
      %add3A_67 = arith.addf %get3A_66, %broadcast_in_dim3A : vector<64x1xf32>
      %swap3A_68 = arith.constant 0 : index
      %swap3A_69 = arith.constant 0 : index
      %swap3A_70 = vector.load %arg11[%swap3A_68, %swap3A_69] : memref<64x1xf32, #tpu.memory_space<vmem>>, vector<64x1xf32>
      tpu.vector_store %arg11[%swap3A_68, %swap3A_69], %add3A_67 {strides = array<i32>} : memref<64x1xf32, #tpu.memory_space<vmem>>, vector<64x1xf32>,
    } else {
    }
    %get3A_44 = arith.constant 0 : index
    %get3A_45 = arith.constant 0 : index
    %get3A_46 = vector.load %arg10[%get3A_44, %get3A_45] : memref<64x384xf32, #tpu.memory_space<vmem>>, vector<64x384xf32>
    %get3A_47 = arith.constant 0 : index
    %get3A_48 = arith.constant 0 : index
    %get3A_49 = vector.load %arg11[%get3A_47, %get3A_48] : memref<64x1xf32, #tpu.memory_space<vmem>>, vector<64x1xf32>
    %max3A_50 = arith.constant 1.000000e+00 : f32
    %max3A_51 = vector.broadcast %max3A_50 : f32 to vector<64x1xf32>
    %max3A_52 = arith.maximumf %get3A_49, %max3A_51 : vector<64x1xf32>
    %div3A = vector.broadcast %max3A_52 : vector<64x1xf32> to vector<64x384xf32>
    %div3A_53 = arith.divf %get3A_46, %div3A : vector<64x384xf32>
    %swap3A_54 = arith.constant 0 : index
    %swap3A_55 = arith.constant 0 : index
    %swap3A_56 = vector.load %arg9[%swap3A_54, %swap3A_55] : memref<64x384xf32, #tpu.memory_space<vmem>>, vector<64x384xf32>
    tpu.vector_store %arg9[%swap3A_54, %swap3A_55], %div3A_53 {strides = array<i32>} : memref<64x384xf32, #tpu.memory_space<vmem>>, vector<64x384xf32>,
    return
  }
  func.func @transform_0(%arg0: i32) -> (i32, i32) {
    %c0_i32 = arith.constant 0 : i32
    %c0_i32_0 = arith.constant 0 : i32
    return %arg0, %c0_i32 : i32, i32
  }
  func.func @transform_1(%arg0: i32) -> (i32, i32) {
    %c0_i32 = arith.constant 0 : i32
    %c0_i32_0 = arith.constant 0 : i32
    return %arg0, %c0_i32 : i32, i32
  }
  func.func @transform_2(%arg0: i32) -> (i32, i32) {
    %c0_i32 = arith.constant 0 : i32
    %c0_i32_0 = arith.constant 0 : i32
    return %arg0, %c0_i32 : i32, i32
  }
  func.func @transform_3(%arg0: i32) -> (i32, i32) {
    %c0_i32 = arith.constant 0 : i32
    %c0_i32_0 = arith.constant 0 : i32
    return %arg0, %c0_i32 : i32, i32
  }
  func.func @transform_4(%arg0: i32) -> (i32, i32) {
    %c0_i32 = arith.constant 0 : i32
    %c0_i32_0 = arith.constant 0 : i32
    %c0_i32_1 = arith.constant 0 : i32
    return %c0_i32, %c0_i32_0 : i32, i32
  }
  func.func @transform_5(%arg0: i32) -> (i32, i32) {
    %c0_i32 = arith.constant 0 : i32
    %c0_i32_0 = arith.constant 0 : i32
    return %arg0, %c0_i32 : i32, i32
  }
  func.func @transform_6(%arg0: i32) -> (i32, i32, i32) {
    %c0_i32 = arith.constant 0 : i32
    %c0_i32_0 = arith.constant 0 : i32
    %c0_i32_1 = arith.constant 0 : i32
    return %arg0, %c0_i32, %c0_i32_0 : i32, i32, i32
  }
  func.func @transform_7(%arg0: i32) -> (i32, i32) {
    %c0_i32 = arith.constant 0 : i32
    %c0_i32_0 = arith.constant 0 : i32
    return %arg0, %c0_i32 : i32, i32
  }
  func.func @transform_8(%arg0: i32) -> (i32, i32) {
    %c0_i32 = arith.constant 0 : i32
    %c0_i32_0 = arith.constant 0 : i32
    %c0_i32_1 = arith.constant 0 : i32
    return %c0_i32, %c0_i32_0 : i32, i32
  }
}

</mosaic_0001>

<sc_bundles>
// kernel: kernel.11.cloned.1.call-start
scs
__scs_entry_jumppad:
0x0: {  	(pc) =	sbr.rel $0x88, $3  }
0x1: {  	(tag) =	ssettag $0x0;
	lr =	simm.s32 $0x1  }
0x2: {  	[smem:$0x3F9A] =	sst lr;
	_ =	strace $0xD0000000  }
0x3: {  	_ = 	snop  }
0x4: {  	_ = 	snop  }
0x5: {  	_ = 	snop  }
0x6: {  	_ = 	snop  }
0x7: {  	_ = 	snop  }
__scs_overlays_trampoline_lowered:
0x8: {  	[smem:$0x3FA9] =	sst s0  }
0x9: {  	[smem:$0x3FAA] =	sst s1  }
0xa: {  	[smem:$0x3FAB] =	sst s2  }
0xb: {  	[smem:$0x3FAC] =	sst s3  }
0xc: {  	[smem:$0x3FAD] =	sst s4  }
0xd: {  	[smem:$0x3FAE] =	sst s5  }
0xe: {  	[smem:$0x3FAF] =	sst s6  }
0xf: {  	[smem:$0x3FB0] =	sst s7  }
0x10: {  	[smem:$0x3FB1] =	sst s8  }
0x11: {  	[smem:$0x3FB2] =	sst s9;
	s0 =	simm.s32 @!p0 $0x0  }
0x12: {  	s1 =	sld [smem:$0x3F98];
	s0 =	simm.s32 @p0 $0x1  }
0x13: {  	[smem:$0x3FB3] =	sst s0;
	s0 =	simm.s32 @!p1 $0x0  }
0x14: {  	s2 =	sld [smem:$0x3F97];
	s0 =	simm.s32 @p1 $0x1  }
0x15: {  	[smem:$0x3FB4] =	sst s0;
	s0 =	simm.s32 @!p2 $0x0  }
0x16: {  	s3 =	sld [smem:$0x3FDB];
	s0 =	simm.s32 @p2 $0x1  }
0x17: {  	s4 =	simm.s32 $0x1BF5;
	[smem:$0x3FB6] =	sst s0  }
0x18: {  	s0 =	sld [smem:$0x3F99];
	_ =	swait.ge [sflag:s4], $0x0  }
0x19: {  	s7 =	sld [smem:$0x3F9A]  }
0x1a: {  	s8 =	sadd.s32 $0xFFFFE003, lr  }
0x1b: {  	s9 =	sadd.s32 $0xFFFFFEF7, lr;
	s5 =	simm.s32 $0xFFFFFFFF;
	p2 =	slt.u32 s8, $0xFFFFF086  }
0x1c: {  	p1 =	slt.u32 s9, $0xF7A;
	s5 =	simm.s32 @!p2 $0x0  }
0x1d: {  	s5 =	simm.s32 @p1 $0x1;
	p0 =	seq.s32 s7, s2  }
0x1e: {  	s7 =	smul.u32 @!p0 $0xF7A, s2;
	p2 =	seq.s32 @!p0 s5, $0x0  }
0x1f: {  	s9 =	smul.u32 $0xF7A, s1;
	s8 =	simm.s32 @!p0 $0x1BF5;
	p2 =	por !p2, p0  }
0x20: {  	[sflag:s8] =	ssyncset.s32 @!p0 $0xFFFFF086;
	s6 =	sadd.s32 @!p0 s3, s7;
	s7 =	simm.s32 @!p0 $0x108  }
0x21: {  	s3 =	sadd.s32 s3, s9;
	s6 =	sadd.s32 @!p0 $0x88, s6;
	s7 =	simm.s32 @p2 $0x1082  }
0x22: {  	[simem:s7], [sflag:s8] =	dma.local @!p0 [hbm:s6], $0xF7A  }
0x23: {  	s9 =	sor.u32 $0xD0000000, s2;
	s6 =	simm.s32 $0x108;
	_ =	swait.ge @!p0 [sflag:s8], $0x0  }
0x24: {  	s3 =	sadd.s32 $0x88, s3;
	s6 =	simm.s32 @!p1 $0x1082;
	[sflag:s4] =	ssyncset.s32 $0xFFFFF086  }
0x25: {  	[simem:s6], [sflag:s4] =	dma.local [hbm:s3], $0xF7A  }
0x26: {  	[smem:$0x3F9A] =	sst s1;
	(tag) =	ssettag s2;
	_ =	strace s9  }
0x27: {  	s1 =	sld [smem:$0x3FAA]  }
0x28: {  	s2 =	sld [smem:$0x3FAB]  }
0x29: {  	s4 =	sld [smem:$0x3FAD]  }
0x2a: {  	p0 =	seq.s32 s5, $0x0;
	s5 =	sld [smem:$0x3FAE]  }
0x2b: {  	s6 =	sld [smem:$0x3FAF]  }
0x2c: {  	s7 =	sld [smem:$0x3FB0]  }
0x2d: {  	s3 =	simm.s32 $0x108;
	s8 =	sld [smem:$0x3FB1]  }
0x2e: {  	s3 =	simm.s32 @!p0 $0x1082;
	s9 =	sld [smem:$0x3FB2]  }
0x2f: {  	lr =	sadd.s32 s0, s3;
	s0 =	sld [smem:$0x3FA9]  }
0x30: {  	s3 =	sld [smem:$0x3FAC]  }
0x31: {  	[smem:$0x3FB5] =	sst s10  }
0x32: {  	s10 =	sld [smem:$0x3FB3];
	_ =	sdelay $0x3  }
0x33: {  	p0 =	seq.s32 s10, $0x1;
	s10 =	sld [smem:$0x3FB5];
	_ =	sdelay $0x3  }
0x34: {  	[smem:$0x3FB5] =	sst s10  }
0x35: {  	s10 =	sld [smem:$0x3FB4];
	_ =	sdelay $0x3  }
0x36: {  	p1 =	seq.s32 s10, $0x1;
	s10 =	sld [smem:$0x3FB5];
	_ =	sdelay $0x3  }
0x37: {  	[smem:$0x3FB5] =	sst s10  }
0x38: {  	s10 =	sld [smem:$0x3FB6]  }
0x39: {  	_ = 	snop;
	(pc) =	sbr.ind lr, $3  }
0x3a: {  	_ = 	snop  }
0x3b: {  	_ = 	snop  }
0x3c: {  	p2 =	seq.s32 s10, $0x1;
	s10 =	sld [smem:$0x3FB5]  }
0x3d: {  	_ =	shalt  }
0x3e: {  	_ =	shalt  }
0x3f: {  	_ =	shalt  }
0x40: {  	_ =	shalt  }
0x41: {  	_ =	shalt  }
0x42: {  	_ =	shalt  }
0x43: {  	_ =	shalt  }
0x44: {  	_ =	shalt  }
0x45: {  	_ =	shalt  }
0x46: {  	_ =	shalt  }
0x47: {  	_ =	shalt  }
0x48: {  	_ =	shalt  }
0x49: {  	_ =	shalt  }
0x4a: {  	_ =	shalt  }
0x4b: {  	_ =	shalt  }
0x4c: {  	_ =	shalt  }
0x4d: {  	_ =	shalt  }
0x4e: {  	_ =	shalt  }
0x4f: {  	_ =	shalt  }
0x50: {  	_ =	shalt  }
0x51: {  	_ =	shalt  }
0x52: {  	_ =	shalt  }
0x53: {  	_ =	shalt  }
0x54: {  	_ =	shalt  }
0x55: {  	_ =	shalt  }
0x56: {  	_ =	shalt  }
0x57: {  	_ =	shalt  }
0x58: {  	_ =	shalt  }
0x59: {  	_ =	shalt  }
0x5a: {  	_ =	shalt  }
0x5b: {  	_ =	shalt  }
0x5c: {  	_ =	shalt  }
0x5d: {  	_ =	shalt  }
0x5e: {  	_ =	shalt  }
0x5f: {  	_ =	shalt  }
0x60: {  	_ =	shalt  }
0x61: {  	_ =	shalt  }
0x62: {  	_ =	shalt  }
0x63: {  	_ =	shalt  }
0x64: {  	_ =	shalt  }
0x65: {  	_ =	shalt  }
0x66: {  	_ =	shalt  }
0x67: {  	_ =	shalt  }
0x68: {  	_ =	shalt  }
0x69: {  	_ =	shalt  }
0x6a: {  	_ =	shalt  }
0x6b: {  	_ =	shalt  }
0x6c: {  	_ =	shalt  }
0x6d: {  	_ =	shalt  }
0x6e: {  	_ =	shalt  }
0x6f: {  	_ =	shalt  }
0x70: {  	_ =	shalt  }
0x71: {  	_ =	shalt  }
0x72: {  	_ =	shalt  }
0x73: {  	_ =	shalt  }
0x74: {  	_ =	shalt  }
0x75: {  	_ =	shalt  }
0x76: {  	_ =	shalt  }
0x77: {  	_ =	shalt  }
0x78: {  	_ =	shalt  }
0x79: {  	_ =	shalt  }
0x7a: {  	_ =	shalt  }
0x7b: {  	_ =	shalt  }
0x7c: {  	_ =	shalt  }
0x7d: {  	_ =	shalt  }
0x7e: {  	_ =	shalt  }
0x7f: {  	_ =	shalt  }
0x80: {  	_ =	shalt  }
0x81: {  	_ =	shalt  }
0x82: {  	_ =	shalt  }
0x83: {  	_ =	shalt  }
0x84: {  	_ =	shalt  }
0x85: {  	_ =	shalt  }
0x86: {  	_ =	shalt  }
0x87: {  	_ =	shalt  }
.Lfunc_end0:
.L_simem_size_0:
called_computation.1_lowered:
.L_overlay_start_0:
0x88: {  	s2 =	sld [smem:$0x3FD9]  }
0x89: {  	s3 =	sld [smem:$0x3FFE];
	_ =	sdelay $0x1  }
0x8a: {  	s1 =	srdreg.scid  }
0x8b: {  	s0 =	sand.u32 $0x1, s1  }
0x8c: {  	s14 =	sshll.u32 s0, $0xA;
	s2 =	sadd.s32 s3, s2  }
0x8d: {  	s2 =	sadd.s32 s2, s14  }
0x8e: {  	[smem:$0x3FC1] =	sst s2  }
0x8f: {  	_ = 	snop  }
0x90: {  	s2 =	sld [smem:$0x3FD0];
	_ =	sdelay $0x2  }
0x91: {  	s15 =	simm.s32 $0xA;
	s4 =	simm.s32 $0x10  }
0x92: {  	[smem:s4], [sflag:s15] =	dma.local [hbm:s2], $0x1  }
0x93: {  	_ =	swait.eq [sflag:s15], $0x1  }
0x94: {  	[sflag:s15] =	ssyncset.done $0x0  }
0x95: {  	[sflag:s15] =	ssyncadd.s32 $0xFFFFFFFF  }
0x96: {  	s16 =	sld [smem:$0x11];
	(tm) =	ssettm $0x1  }
0x97: {  	s17 =	sld [smem:$0x3FFB];
	_ =	sdelay $0x3  }
0x98: {  	_ =	strace s17  }
0x99: {  	s3 =	sld [smem:$0x3FFC];
	_ =	sdelay $0x3  }
0x9a: {  	_ =	strace s3  }
0x9b: {  	s3 =	sld [smem:$0x3FFD];
	_ =	sdelay $0x3  }
0x9c: {  	_ =	strace s3  }
0x9d: {  	_ =	strace $0x8FFFFFFF  }
0x9e: {  	s18 =	sld [smem:$0x3FDB];
	_ =	sdelay $0x1  }
0x9f: {  	s19 =	simm.s32 $_scs_section_size  }
0xa0: {  	s5 =	simm.s32 $_size__tile_overlayer_lowered;
	s6 =	simm.s32 $_tile_overlayer_lowered  }
0xa1: {  	s22 =	simm.s32 $0x1BFF;
	s21 =	sshll.u32 s6, $0x1;
	s3 =	sadd.s32 s19, s18  }
0xa2: {  	s7 =	simm.s32 $0x0;
	s20 =	sshll.u32 s5, $0x1;
	s5 =	sadd.s32 s21, s3  }
0xa3: {  	[timem:s7], [sflag:s22] =	dma.local [hbm:s5], s20  }
0xa4: {  	_ =	swait.ge [sflag:s22], s20  }
0xa5: {  	s4 =	ssub.s32 $0x0, s20;
	[sflag:s22] =	ssyncset.done $0x0  }
0xa6: {  	[sflag:s22] =	ssyncadd.s32 s4;
	_ =	sdelay $0x1  }
0xa7: {  	s23 =	simm.s32 $0x1B8B  }
0xa8: {  	_ =	swait.ge [sflag:s23], $0x1  }
0xa9: {  	[sflag:s23] =	ssyncset.done $0x0  }
0xaa: {  	s25 =	simm.s32 $0x1B8E;
	s24 =	sld [smem:$0x3FFE];
	[sflag:s23] =	ssyncadd.s32 $0xFFFFFFFF  }
0xab: {  	s26 =	simm.s32 $execute0_lowered;
	[smem:$0x3FD2] =	sst s25  }
0xac: {  	s5 =	sshll.u32 s26, $0x1;
	_ =	strace $0x80000049;
	[dreg:$0x1] =	wrdreg $0xFFFFFFFF  }
0xad: {  	s28 =	simm.s32 $_size_execute0_lowered;
	s3 =	sadd.s32 s3, s5;
	[dreg:$0x0] =	wrdreg $0x0  }
0xae: {  	s5 =	sshll.u32 s28, $0x1;
	[dreg:$0x2] =	wrdreg s3  }
0xaf: {  	[dreg:$0x3] =	wrdreg s5  }
0xb0: {  	[dreg:$0x4] =	wrdreg $0xC0  }
0xb1: {  	_ =	task [dreg:s7], $0x5FFFF  }
0xb2: {  	[dreg:$0x1] =	wrdreg $0xFFFFFFFF  }
0xb3: {  	[dreg:$0x0] =	wrdreg $0x60  }
0xb4: {  	[dreg:$0x2] =	wrdreg s16  }
0xb5: {  	[dreg:$0x3] =	wrdreg s24  }
0xb6: {  	[dreg:$0x4] =	wrdreg $0x90000  }
0xb7: {  	[dreg:$0x5] =	wrdreg $0x9  }
0xb8: {  	_ =	task.clear_ibuf [dreg:s7], $0x6FFFF;
	_ =	strace $0x90000049  }
0xb9: {  	s29 =	simm.s32 $0x9;
	_ =	strace $0x8000004B  }
0xba: {  	_ =	swait.ge [sflag:s29], $0x1  }
0xbb: {  	[sflag:s29] =	ssyncadd.s32 $0xFFFFFFFF  }
0xbc: {  	_ =	strace $0x9000004B  }
0xbd: {  	_ =	sfence  }
0xbe: {  	s30 =	sld [smem:$0x0];
	_ =	sdelay $0x2  }
0xbf: {  	s31 =	sshll.u32 s1, $0xD;
	s1 =	sshrl.u32 s1, $0x2  }
0xc0: {  	s3 =	sand.u32 $0x4000, s31;
	s1 =	sadd.s32 s1, s30  }
0xc1: {  	s0 =	sor.u32 s3, s0;
	s1 =	sshll.u32 s1, $0x11  }
0xc2: {  	s0 =	sor.u32 s1, s0  }
0xc3: {  	s0 =	sadd.s32 $0x8F2B, s0  }
0xc4: {  	[sflag:s0] =	ssyncadd.remote.s32 $0x1  }
0xc5: {  	_ =	sfence.sel $0xFFFF  }
0xc6: {  	[dreg:$0x0] =	wrdreg $0xFFFFFFFF;
	(pc) =	sbr.abs _section_cstart, $3  }
0xc7: {  	[dreg:$0x1] =	wrdreg $0xFFFFFFFF  }
0xc8: {  	_ =	task.clear_ibuf [dreg:s7], $0x2FFFF;
	_ =	strace $0x9FFFFFFF  }
0xc9: {  	(tm) =	ssettm $0x7FFFFFFF  }
tec
execute0_lowered:
.L_overlay_start_1:
0x0: {  	(tag) =	ssettag $0x1  }
0x1: {  	s1 =	rddreg [dreg:$0x0]  }
0x2: {  	s0 =	rddreg [dreg:$0x1]  }
0x3: {  	s3 =	rddreg [dreg:$0x2];
	s4 =	simm.s32 $0x0;
	s9 =	stileid.u32  }
0x4: {  	s6 =	srdreg.scid;
	s17 =	simm.s32 $0x5;
	s18 =	simm.s32 $0x800  }
0x5: {  	s19 =	simm.s32 $0x80;
	s28 =	simm.s32 $0x4;
	s15 =	simm.s32 $0x180  }
0x6: {  	s29 =	simm.s32 $0x900;
	s30 =	simm.s32 $0x980;
	s13 =	simm.s32 $0xB00  }
0x7: {  	s31 =	simm.s32 $0x0;
	[smem:$0x7FF] =	sst s4;
	s2 =	smul.u32 $0xA00, s9  }
0x8: {  	s5 =	sadd.s32 $0xE000, s0;
	s6 =	sand.u32 $0x1, s6;
	s8 =	smul.u32 $0x50000, s9  }
0x9: {  	s7 =	sadd.s32 $0x40000, s0;
	s12 =	smul.u32 $0x2800, s9;
	s25 =	sshll.u32 s9, $0x6  }
0xa: {  	s9 =	simm.s32 $0xA00;
	_ =	strace $0x8000004A;
	[dreg:$0x4] =	wrdreg s7  }
0xb: {  	s20 =	ssub.s32 $0x2, s6;
	p0 =	seq.s32 s6, $0x1;
	[dreg:$0x9] =	wrdreg s25  }
0xc: {  	s26 =	sor.u32 $0x1C05, s25;
	s25 =	simm.s32 $0x3;
	s7 =	simm.s32 $0x380  }
0xd: {  	s2 =	sadd.s32 s2, s0;
	s0 =	sadd.s32 $0x68000, s0;
	s21 =	sshrl.u32 s20, $0x1  }
0xe: {  	s22 =	sshrl.u32 s8, $0x2;
	s23 =	sadd.s32 s1, s12;
	[dreg:$0x6] =	wrdreg s12  }
0xf: {  	s24 =	sadd.s32 s5, s12;
	[dreg:$0xb] =	wrdreg s26;
	s26 =	simm.s32 $0x100  }
0x10: {  	s12 =	simm.s32 $0x300;
	[dreg:$0x5] =	wrdreg s0;
	s0 =	ssub.s32 s20, s21  }
0x11: {  	s6 =	sadd.s32 s22, s3;
	[dreg:$0x7] =	wrdreg s23;
	s10 =	sadd.s32 $0x36000, s2  }
.Ltmp0:
0x12: {  	s11 =	sadd.s32 $0x4000, s2;
	[dreg:$0x8] =	wrdreg s24;
	(pc) =	sbr.rel .LBB2_1-.Ltmp0, $4  }
0x13: {  	s20 =	simm.s32 $0x1000;
	s21 =	simm.s32 $0x5000;
	s22 =	simm.s32 $0x1  }
0x14: {  	s23 =	simm.s32 $0x2;
	s24 =	simm.s32 $0x880;
	s0 =	smax.u32 s0, $0x1  }
0x15: {  	s2 =	simm.s32 $0x280;
	s16 =	sshrl.u32 s6, $0x3;
	[dreg:$0xa] =	wrdreg s0  }
0x16: {  	s6 =	simm.s32 $0xA80;
	s0 =	simm.s32 $0x200;
	[dreg:$0xc] =	wrdreg s16  }
.LBB2_7:
0x17: {  	s8 =	sadd.s32 s15, s10;
	[sflag:s28] =	ssyncadd.s32 $0xFFFFC000  }
0x18: {  	[tilespmem:s4], [sflag:$0x5] =	stream.linear.gather [hbm4b:s8+s4], $0x800, $0x38;
	[tilespmem:$0x1D000] =	vst v63  }
0x19: {  	_ =	swait.ge [sflag:s17], $0x800  }
0x1a: {  	[sflag:s17] =	ssyncset.done $0x0  }
0x1b: {  	s16 =	sadd.s32 s15, s11;
	[sflag:s17] =	ssyncadd.s32 $0xFFFFF800  }
0x1c: {  	[tilespmem:s18], [sflag:$0x5] =	stream.linear.gather [hbm4b:s16+s4], $0x800, $0x38;
	[tilespmem:$0x1D000] =	vst v63  }
0x1d: {  	_ =	swait.ge [sflag:s17], $0x800  }
0x1e: {  	[sflag:s17] =	ssyncset.done $0x0  }
0x1f: {  	[sflag:s17] =	ssyncadd.s32 $0xFFFFF800  }
0x20: {  	[tilespmem:s20], [sflag:$0x1] =	stream.indirect.gather [hbm4b:s5+s19], $0x80, s4, s19, $0xb8;
	[tilespmem:$0x1D000] =	vst v63  }
0x21: {  	_ = 	snop  }
0x22: {  	[tilespmem:s21], [sflag:$0x2] =	stream.indirect.gather [hbm4b:s5+s19], $0x80, s19, s19, $0xb8;
	[tilespmem:$0x1D000] =	vst v63  }
0x23: {  	_ =	swait.ge [sflag:s22], $0x4000  }
0x24: {  	[sflag:s22] =	ssyncset.done $0x0  }
0x25: {  	[sflag:s22] =	ssyncadd.s32 $0xFFFFC000  }
0x26: {  	[spmem:s3] =	stream.indirect.scatter.add.f32 [tilespmem:s20], [sflag:$0x3], $0x80, s18, s19, $0xb8;
	[tilespmem:$0x1D000] =	vst v63  }
0x27: {  	_ =	swait.ge [sflag:s23], $0x4000  }
0x28: {  	[sflag:s23] =	ssyncset.done $0x0  }
0x29: {  	[sflag:s23] =	ssyncadd.s32 $0xFFFFC000  }
0x2a: {  	[spmem:s3] =	stream.indirect.scatter.add.f32 [tilespmem:s21], [sflag:$0x4], $0x80, s24, s19, $0xb8;
	[tilespmem:$0x1D000] =	vst v63  }
0x2b: {  	_ =	swait.ge [sflag:s25], $0x4000  }
0x2c: {  	[sflag:s25] =	ssyncset.done $0x0  }
0x2d: {  	[sflag:s25] =	ssyncadd.s32 $0xFFFFC000  }
0x2e: {  	[tilespmem:s20], [sflag:$0x1] =	stream.indirect.gather [hbm4b:s5+s19], $0x80, s26, s19, $0xb8;
	[tilespmem:$0x1D000] =	vst v63  }
0x2f: {  	_ =	swait.ge [sflag:s28], $0x4000  }
0x30: {  	[sflag:s28] =	ssyncset.done $0x0  }
0x31: {  	s15 =	simm.s32 $0x180;
	[sflag:s28] =	ssyncadd.s32 $0xFFFFC000  }
0x32: {  	[tilespmem:s21], [sflag:$0x2] =	stream.indirect.gather [hbm4b:s5+s19], $0x80, s15, s19, $0xb8;
	[tilespmem:$0x1D000] =	vst v63  }
0x33: {  	_ =	swait.ge [sflag:s22], $0x4000  }
0x34: {  	[sflag:s22] =	ssyncset.done $0x0  }
0x35: {  	s16 =	simm.s32 $0x900;
	[sflag:s22] =	ssyncadd.s32 $0xFFFFC000  }
0x36: {  	[spmem:s3] =	stream.indirect.scatter.add.f32 [tilespmem:s20], [sflag:$0x3], $0x80, s16, s19, $0xb8;
	[tilespmem:$0x1D000] =	vst v63  }
0x37: {  	_ =	swait.ge [sflag:s23], $0x4000  }
0x38: {  	[sflag:s23] =	ssyncset.done $0x0  }
0x39: {  	s15 =	simm.s32 $0x980;
	[sflag:s23] =	ssyncadd.s32 $0xFFFFC000  }
0x3a: {  	[spmem:s3] =	stream.indirect.scatter.add.f32 [tilespmem:s21], [sflag:$0x4], $0x80, s15, s19, $0xb8;
	[tilespmem:$0x1D000] =	vst v63  }
0x3b: {  	_ =	swait.ge [sflag:s25], $0x4000  }
0x3c: {  	[sflag:s25] =	ssyncset.done $0x0  }
0x3d: {  	s16 =	simm.s32 $0x200;
	[sflag:s25] =	ssyncadd.s32 $0xFFFFC000  }
0x3e: {  	[tilespmem:s20], [sflag:$0x1] =	stream.indirect.gather [hbm4b:s5+s19], $0x80, s16, s19, $0xb8;
	[tilespmem:$0x1D000] =	vst v63  }
0x3f: {  	_ =	swait.ge [sflag:s28], $0x4000  }
0x40: {  	[sflag:s28] =	ssyncset.done $0x0  }
0x41: {  	s15 =	simm.s32 $0x280;
	[sflag:s28] =	ssyncadd.s32 $0xFFFFC000  }
0x42: {  	[tilespmem:s21], [sflag:$0x2] =	stream.indirect.gather [hbm4b:s5+s19], $0x80, s15, s19, $0xb8;
	[tilespmem:$0x1D000] =	vst v63  }
0x43: {  	_ =	swait.ge [sflag:s22], $0x4000  }
0x44: {  	[sflag:s22] =	ssyncset.done $0x0  }
0x45: {  	s16 =	simm.s32 $0xA00;
	[sflag:s22] =	ssyncadd.s32 $0xFFFFC000  }
0x46: {  	[spmem:s3] =	stream.indirect.scatter.add.f32 [tilespmem:s20], [sflag:$0x3], $0x80, s16, s19, $0xb8;
	[tilespmem:$0x1D000] =	vst v63  }
0x47: {  	_ =	swait.ge [sflag:s23], $0x4000  }
0x48: {  	[sflag:s23] =	ssyncset.done $0x0  }
0x49: {  	s15 =	simm.s32 $0xA80;
	[sflag:s23] =	ssyncadd.s32 $0xFFFFC000  }
0x4a: {  	[spmem:s3] =	stream.indirect.scatter.add.f32 [tilespmem:s21], [sflag:$0x4], $0x80, s15, s19, $0xb8;
	[tilespmem:$0x1D000] =	vst v63  }
0x4b: {  	_ =	swait.ge [sflag:s25], $0x4000  }
0x4c: {  	[sflag:s25] =	ssyncset.done $0x0  }
0x4d: {  	s16 =	simm.s32 $0x300;
	[sflag:s25] =	ssyncadd.s32 $0xFFFFC000  }
0x4e: {  	[tilespmem:s20], [sflag:$0x1] =	stream.indirect.gather [hbm4b:s5+s19], $0x80, s16, s19, $0xb8;
	[tilespmem:$0x1D000] =	vst v63  }
0x4f: {  	_ =	swait.ge [sflag:s28], $0x4000  }
0x50: {  	[sflag:s28] =	ssyncset.done $0x0  }
0x51: {  	s15 =	simm.s32 $0x380;
	[sflag:s28] =	ssyncadd.s32 $0xFFFFC000  }
0x52: {  	[tilespmem:s21], [sflag:$0x2] =	stream.indirect.gather [hbm4b:s5+s19], $0x80, s15, s19, $0xb8;
	[tilespmem:$0x1D000] =	vst v63  }
0x53: {  	_ =	swait.ge [sflag:s22], $0x4000  }
0x54: {  	[sflag:s22] =	ssyncset.done $0x0  }
0x55: {  	s16 =	simm.s32 $0xB00;
	[sflag:s22] =	ssyncadd.s32 $0xFFFFC000  }
0x56: {  	[spmem:s3] =	stream.indirect.scatter.add.f32 [tilespmem:s20], [sflag:$0x3], $0x80, s16, s19, $0xb8;
	[tilespmem:$0x1D000] =	vst v63  }
0x57: {  	_ =	swait.ge [sflag:s23], $0x4000  }
0x58: {  	[sflag:s23] =	ssyncset.done $0x0  }
0x59: {  	s15 =	simm.s32 $0xB80;
	[sflag:s23] =	ssyncadd.s32 $0xFFFFC000  }
0x5a: {  	[spmem:s3] =	stream.indirect.scatter.add.f32 [tilespmem:s21], [sflag:$0x4], $0x80, s15, s19, $0xb8;
	[tilespmem:$0x1D000] =	vst v63  }
0x5b: {  	_ =	swait.ge [sflag:s25], $0x4000  }
0x5c: {  	[sflag:s25] =	ssyncset.done $0x0  }
0x5d: {  	s16 =	simm.s32 $0x400;
	[sflag:s25] =	ssyncadd.s32 $0xFFFFC000  }
0x5e: {  	[tilespmem:s20], [sflag:$0x1] =	stream.indirect.gather [hbm4b:s5+s19], $0x80, s16, s19, $0xb8;
	[tilespmem:$0x1D000] =	vst v63  }
0x5f: {  	_ =	swait.ge [sflag:s28], $0x4000  }
0x60: {  	[sflag:s28] =	ssyncset.done $0x0  }
0x61: {  	[sflag:s28] =	ssyncadd.s32 $0xFFFFC000  }
0x62: {  	[tilespmem:s21], [sflag:$0x2] =	stream.indirect.gather [hbm4b:s5+s19], $0x80, s14, s19, $0xb8;
	[tilespmem:$0x1D000] =	vst v63  }
0x63: {  	_ =	swait.ge [sflag:s22], $0x4000  }
0x64: {  	[sflag:s22] =	ssyncset.done $0x0  }
0x65: {  	[sflag:s22] =	ssyncadd.s32 $0xFFFFC000  }
0x66: {  	[spmem:s3] =	stream.indirect.scatter.add.f32 [tilespmem:s20], [sflag:$0x3], $0x80, s13, s19, $0xb8;
	[tilespmem:$0x1D000] =	vst v63  }
0x67: {  	_ =	swait.ge [sflag:s23], $0x4000  }
0x68: {  	[sflag:s23] =	ssyncset.done $0x0  }
0x69: {  	[sflag:s23] =	ssyncadd.s32 $0xFFFFC000  }
0x6a: {  	[spmem:s3] =	stream.indirect.scatter.add.f32 [tilespmem:s21], [sflag:$0x4], $0x80, s7, s19, $0xb8;
	[tilespmem:$0x1D000] =	vst v63  }
0x6b: {  	_ =	swait.ge [sflag:s25], $0x4000  }
0x6c: {  	[sflag:s25] =	ssyncset.done $0x0  }
0x6d: {  	[sflag:s25] =	ssyncadd.s32 $0xFFFFC000  }
0x6e: {  	[tilespmem:s20], [sflag:$0x1] =	stream.indirect.gather [hbm4b:s5+s19], $0x80, s12, s19, $0xb8;
	[tilespmem:$0x1D000] =	vst v63  }
0x6f: {  	_ =	swait.ge [sflag:s28], $0x4000  }
0x70: {  	[sflag:s28] =	ssyncset.done $0x0  }
0x71: {  	[sflag:s28] =	ssyncadd.s32 $0xFFFFC000  }
0x72: {  	[tilespmem:s21], [sflag:$0x2] =	stream.indirect.gather [hbm4b:s5+s19], $0x80, s6, s19, $0xb8;
	[tilespmem:$0x1D000] =	vst v63  }
0x73: {  	_ =	swait.ge [sflag:s22], $0x4000  }
0x74: {  	[sflag:s22] =	ssyncset.done $0x0  }
0x75: {  	[sflag:s22] =	ssyncadd.s32 $0xFFFFC000  }
0x76: {  	[spmem:s3] =	stream.indirect.scatter.add.f32 [tilespmem:s20], [sflag:$0x3], $0x80, s9, s19, $0xb8;
	[tilespmem:$0x1D000] =	vst v63  }
0x77: {  	_ =	swait.ge [sflag:s23], $0x4000  }
0x78: {  	[sflag:s23] =	ssyncset.done $0x0  }
0x79: {  	[sflag:s23] =	ssyncadd.s32 $0xFFFFC000  }
0x7a: {  	[spmem:s3] =	stream.indirect.scatter.add.f32 [tilespmem:s21], [sflag:$0x4], $0x80, s2, s19, $0xb8;
	[tilespmem:$0x1D000] =	vst v63  }
0x7b: {  	_ =	swait.ge [sflag:s25], $0x4000  }
0x7c: {  	[sflag:s25] =	ssyncset.done $0x0  }
0x7d: {  	[sflag:s25] =	ssyncadd.s32 $0xFFFFC000  }
0x7e: {  	[tilespmem:s20], [sflag:$0x1] =	stream.indirect.gather [hbm4b:s5+s19], $0x80, s0, s19, $0xb8;
	[tilespmem:$0x1D000] =	vst v63  }
0x7f: {  	_ =	swait.ge [sflag:s28], $0x4000  }
0x80: {  	[sflag:s28] =	ssyncset.done $0x0  }
0x81: {  	[sflag:s28] =	ssyncadd.s32 $0xFFFFC000  }
0x82: {  	[tilespmem:s21], [sflag:$0x2] =	stream.indirect.gather [hbm4b:s5+s19], $0x80, s31, s19, $0xb8;
	[tilespmem:$0x1D000] =	vst v63  }
0x83: {  	_ =	swait.ge [sflag:s22], $0x4000  }
0x84: {  	[sflag:s22] =	ssyncset.done $0x0  }
0x85: {  	[sflag:s22] =	ssyncadd.s32 $0xFFFFC000  }
0x86: {  	[spmem:s3] =	stream.indirect.scatter.add.f32 [tilespmem:s20], [sflag:$0x3], $0x80, s30, s19, $0xb8;
	[tilespmem:$0x1D000] =	vst v63  }
0x87: {  	_ =	swait.ge [sflag:s23], $0x4000  }
0x88: {  	[sflag:s23] =	ssyncset.done $0x0  }
0x89: {  	[sflag:s23] =	ssyncadd.s32 $0xFFFFC000  }
0x8a: {  	[spmem:s3] =	stream.indirect.scatter.add.f32 [tilespmem:s21], [sflag:$0x4], $0x80, s29, s19, $0xb8;
	[tilespmem:$0x1D000] =	vst v63  }
0x8b: {  	_ =	swait.ge [sflag:s25], $0x4000  }
0x8c: {  	[sflag:s25] =	ssyncset.done $0x0  }
0x8d: {  	s13 =	simm.s32 $0x700;
	[sflag:s25] =	ssyncadd.s32 $0xFFFFC000  }
0x8e: {  	[tilespmem:s20], [sflag:$0x1] =	stream.indirect.gather [hbm4b:s5+s19], $0x80, s13, s19, $0xb8;
	[tilespmem:$0x1D000] =	vst v63  }
0x8f: {  	_ =	swait.ge [sflag:s28], $0x4000  }
0x90: {  	[sflag:s28] =	ssyncset.done $0x0  }
0x91: {  	s14 =	simm.s32 $0x780;
	[sflag:s28] =	ssyncadd.s32 $0xFFFFC000  }
0x92: {  	[tilespmem:s21], [sflag:$0x2] =	stream.indirect.gather [hbm4b:s5+s19], $0x80, s14, s19, $0xb8;
	[tilespmem:$0x1D000] =	vst v63  }
0x93: {  	_ =	swait.ge [sflag:s22], $0x4000  }
0x94: {  	[sflag:s22] =	ssyncset.done $0x0  }
0x95: {  	s15 =	simm.s32 $0xF00;
	[sflag:s22] =	ssyncadd.s32 $0xFFFFC000  }
0x96: {  	[spmem:s3] =	stream.indirect.scatter.add.f32 [tilespmem:s20], [sflag:$0x3], $0x80, s15, s19, $0xb8;
	[tilespmem:$0x1D000] =	vst v63  }
0x97: {  	_ =	swait.ge [sflag:s23], $0x4000  }
0x98: {  	[sflag:s23] =	ssyncset.done $0x0  }
0x99: {  	s16 =	simm.s32 $0xF80;
	[sflag:s23] =	ssyncadd.s32 $0xFFFFC000  }
0x9a: {  	[spmem:s3] =	stream.indirect.scatter.add.f32 [tilespmem:s21], [sflag:$0x4], $0x80, s16, s19, $0xb8;
	[tilespmem:$0x1D000] =	vst v63  }
0x9b: {  	_ =	swait.ge [sflag:s25], $0x4000  }
0x9c: {  	s7 =	simm.s32 $0x380;
	[sflag:s25] =	ssyncset.done $0x0  }
0x9d: {  	s12 =	simm.s32 $0x300;
	s6 =	simm.s32 $0xA80;
	[sflag:s25] =	ssyncadd.s32 $0xFFFFC000  }
0x9e: {  	s9 =	simm.s32 $0xA00;
	s2 =	simm.s32 $0x280;
	_ =	swait.ge [sflag:s28], $0x4000  }
0x9f: {  	s0 =	simm.s32 $0x200;
	s30 =	simm.s32 $0x980;
	s8 =	rddreg [dreg:$0x5]  }
0xa0: {  	s29 =	simm.s32 $0x900;
	[sflag:s28] =	ssyncset.done $0x0;
	s14 =	rddreg [dreg:$0xb]  }
0xa1: {  	s13 =	simm.s32 $0xB00;
	s31 =	rddreg [dreg:$0xd];
	[sflag:s28] =	ssyncadd.s32 $0xFFFFC000  }
.LBB2_8:
0xa2: {  	s15 =	rddreg [dreg:$0x6];
	[bflag:$0x0] =	sbarrier.arrive $0xFFFF  }
0xa3: {  	s8 =	sadd.s32 s8, s15;
	s16 =	rddreg [dreg:$0xc]  }
0xa4: {  	[hbm:s8], [sflag:s14] =	dma.local [spmem:s16], $0x2800  }
0xa5: {  	_ =	swait.ge [sflag:s17], $0x2800  }
0xa6: {  	s31 =	sadd.s32 $0x1, s31;
	s15 =	rddreg [dreg:$0xa]  }
0xa7: {  	p1 =	sne.s32 s31, s15  }
.Ltmp1:
0xa8: {  	_ = 	snop;
	(pc) =	sbr.rel @!p1 .LBB2_9-.Ltmp1, $3  }
0xa9: {  	_ =	sdelay $0x1  }
0xaa: {  	[sflag:s17] =	ssyncset.done $0x0  }
0xab: {  	[sflag:s17] =	ssyncadd.s32 $0xFFFFD800;
	s15 =	simm.s32 $0x180  }
.LBB2_1:
.Ltmp2:
0xac: {  	(pc) =	sbr.rel @!p0 .LBB2_2-.Ltmp2, $2  }
0xad: {  	_ =	sdelay $0x2  }
0xae: {  	[dreg:$0xd] =	wrdreg s31  }
0xaf: {  	s8 =	rddreg [dreg:$0x8]  }
0xb0: {  	s15 =	rddreg [dreg:$0xb]  }
0xb1: {  	[spmem:s16], [sflag:s15] =	dma.local [hbm:s8], $0x2800  }
0xb2: {  	_ =	swait.ge [sflag:s17], $0x2800  }
0xb3: {  	[sflag:s17] =	ssyncset.done $0x0  }
0xb4: {  	[sflag:s17] =	ssyncadd.s32 $0xFFFFD800  }
0xb5: {  	s15 =	sadd.s32 $0x0, s10;
	[bflag:$0x0] =	sbarrier.arrive $0xFFFF  }
0xb6: {  	[tilespmem:s4], [sflag:$0x5] =	stream.linear.gather [hbm4b:s15+s4], $0x800, $0x38;
	[tilespmem:$0x1D000] =	vst v63  }
0xb7: {  	_ =	swait.ge [sflag:s17], $0x800  }
0xb8: {  	[sflag:s17] =	ssyncset.done $0x0  }
0xb9: {  	s16 =	sadd.s32 $0x0, s11;
	[sflag:s17] =	ssyncadd.s32 $0xFFFFF800  }
0xba: {  	[tilespmem:s18], [sflag:$0x5] =	stream.linear.gather [hbm4b:s16+s4], $0x800, $0x38;
	[tilespmem:$0x1D000] =	vst v63  }
0xbb: {  	_ =	swait.ge [sflag:s17], $0x800  }
0xbc: {  	[sflag:s17] =	ssyncset.done $0x0  }
0xbd: {  	[sflag:s17] =	ssyncadd.s32 $0xFFFFF800  }
0xbe: {  	[tilespmem:s20], [sflag:$0x1] =	stream.indirect.gather [hbm4b:s5+s19], $0x80, s4, s19, $0xb8;
	[tilespmem:$0x1D000] =	vst v63  }
0xbf: {  	_ = 	snop  }
0xc0: {  	[tilespmem:s21], [sflag:$0x2] =	stream.indirect.gather [hbm4b:s5+s19], $0x80, s19, s19, $0xb8;
	[tilespmem:$0x1D000] =	vst v63  }
0xc1: {  	_ =	swait.ge [sflag:s22], $0x4000  }
0xc2: {  	[sflag:s22] =	ssyncset.done $0x0  }
0xc3: {  	[sflag:s22] =	ssyncadd.s32 $0xFFFFC000  }
0xc4: {  	[spmem:s3] =	stream.indirect.scatter.add.f32 [tilespmem:s20], [sflag:$0x3], $0x80, s18, s19, $0xb8;
	[tilespmem:$0x1D000] =	vst v63  }
0xc5: {  	_ =	swait.ge [sflag:s23], $0x4000  }
0xc6: {  	[sflag:s23] =	ssyncset.done $0x0  }
0xc7: {  	[sflag:s23] =	ssyncadd.s32 $0xFFFFC000  }
0xc8: {  	[spmem:s3] =	stream.indirect.scatter.add.f32 [tilespmem:s21], [sflag:$0x4], $0x80, s24, s19, $0xb8;
	[tilespmem:$0x1D000] =	vst v63  }
0xc9: {  	_ =	swait.ge [sflag:s25], $0x4000  }
0xca: {  	[sflag:s25] =	ssyncset.done $0x0  }
0xcb: {  	[sflag:s25] =	ssyncadd.s32 $0xFFFFC000  }
0xcc: {  	[tilespmem:s20], [sflag:$0x1] =	stream.indirect.gather [hbm4b:s5+s19], $0x80, s26, s19, $0xb8;
	[tilespmem:$0x1D000] =	vst v63  }
0xcd: {  	_ =	swait.ge [sflag:s28], $0x4000  }
0xce: {  	[sflag:s28] =	ssyncset.done $0x0  }
0xcf: {  	s0 =	simm.s32 $0x180;
	[sflag:s28] =	ssyncadd.s32 $0xFFFFC000  }
0xd0: {  	[tilespmem:s21], [sflag:$0x2] =	stream.indirect.gather [hbm4b:s5+s19], $0x80, s0, s19, $0xb8;
	[tilespmem:$0x1D000] =	vst v63  }
0xd1: {  	_ =	swait.ge [sflag:s22], $0x4000  }
0xd2: {  	[sflag:s22] =	ssyncset.done $0x0  }
0xd3: {  	s31 =	simm.s32 $0x900;
	[sflag:s22] =	ssyncadd.s32 $0xFFFFC000  }
0xd4: {  	[spmem:s3] =	stream.indirect.scatter.add.f32 [tilespmem:s20], [sflag:$0x3], $0x80, s31, s19, $0xb8;
	[tilespmem:$0x1D000] =	vst v63  }
0xd5: {  	_ =	swait.ge [sflag:s23], $0x4000  }
0xd6: {  	[sflag:s23] =	ssyncset.done $0x0  }
0xd7: {  	s30 =	simm.s32 $0x980;
	[sflag:s23] =	ssyncadd.s32 $0xFFFFC000  }
0xd8: {  	[spmem:s3] =	stream.indirect.scatter.add.f32 [tilespmem:s21], [sflag:$0x4], $0x80, s30, s19, $0xb8;
	[tilespmem:$0x1D000] =	vst v63  }
0xd9: {  	_ =	swait.ge [sflag:s25], $0x4000  }
0xda: {  	[sflag:s25] =	ssyncset.done $0x0  }
0xdb: {  	s29 =	simm.s32 $0x200;
	[sflag:s25] =	ssyncadd.s32 $0xFFFFC000  }
0xdc: {  	[tilespmem:s20], [sflag:$0x1] =	stream.indirect.gather [hbm4b:s5+s19], $0x80, s29, s19, $0xb8;
	[tilespmem:$0x1D000] =	vst v63  }
0xdd: {  	_ =	swait.ge [sflag:s28], $0x4000  }
0xde: {  	[sflag:s28] =	ssyncset.done $0x0  }
0xdf: {  	s14 =	simm.s32 $0x280;
	[sflag:s28] =	ssyncadd.s32 $0xFFFFC000  }
0xe0: {  	[tilespmem:s21], [sflag:$0x2] =	stream.indirect.gather [hbm4b:s5+s19], $0x80, s14, s19, $0xb8;
	[tilespmem:$0x1D000] =	vst v63  }
0xe1: {  	_ =	swait.ge [sflag:s22], $0x4000  }
0xe2: {  	[sflag:s22] =	ssyncset.done $0x0  }
0xe3: {  	s13 =	simm.s32 $0xA00;
	[sflag:s22] =	ssyncadd.s32 $0xFFFFC000  }
0xe4: {  	[spmem:s3] =	stream.indirect.scatter.add.f32 [tilespmem:s20], [sflag:$0x3], $0x80, s13, s19, $0xb8;
	[tilespmem:$0x1D000] =	vst v63  }
0xe5: {  	_ =	swait.ge [sflag:s23], $0x4000  }
0xe6: {  	[sflag:s23] =	ssyncset.done $0x0  }
0xe7: {  	s12 =	simm.s32 $0xA80;
	[sflag:s23] =	ssyncadd.s32 $0xFFFFC000  }
0xe8: {  	[spmem:s3] =	stream.indirect.scatter.add.f32 [tilespmem:s21], [sflag:$0x4], $0x80, s12, s19, $0xb8;
	[tilespmem:$0x1D000] =	vst v63  }
0xe9: {  	_ =	swait.ge [sflag:s25], $0x4000  }
0xea: {  	[sflag:s25] =	ssyncset.done $0x0  }
0xeb: {  	s9 =	simm.s32 $0x300;
	[sflag:s25] =	ssyncadd.s32 $0xFFFFC000  }
0xec: {  	[tilespmem:s20], [sflag:$0x1] =	stream.indirect.gather [hbm4b:s5+s19], $0x80, s9, s19, $0xb8;
	[tilespmem:$0x1D000] =	vst v63  }
0xed: {  	_ =	swait.ge [sflag:s28], $0x4000  }
0xee: {  	[sflag:s28] =	ssyncset.done $0x0  }
0xef: {  	s7 =	simm.s32 $0x380;
	[sflag:s28] =	ssyncadd.s32 $0xFFFFC000  }
0xf0: {  	[tilespmem:s21], [sflag:$0x2] =	stream.indirect.gather [hbm4b:s5+s19], $0x80, s7, s19, $0xb8;
	[tilespmem:$0x1D000] =	vst v63  }
0xf1: {  	_ =	swait.ge [sflag:s22], $0x4000  }
0xf2: {  	[sflag:s22] =	ssyncset.done $0x0  }
0xf3: {  	s6 =	simm.s32 $0xB00;
	[sflag:s22] =	ssyncadd.s32 $0xFFFFC000  }
0xf4: {  	[spmem:s3] =	stream.indirect.scatter.add.f32 [tilespmem:s20], [sflag:$0x3], $0x80, s6, s19, $0xb8;
	[tilespmem:$0x1D000] =	vst v63  }
0xf5: {  	_ =	swait.ge [sflag:s23], $0x4000  }
0xf6: {  	[sflag:s23] =	ssyncset.done $0x0  }
0xf7: {  	s2 =	simm.s32 $0xB80;
	[sflag:s23] =	ssyncadd.s32 $0xFFFFC000  }
0xf8: {  	[spmem:s3] =	stream.indirect.scatter.add.f32 [tilespmem:s21], [sflag:$0x4], $0x80, s2, s19, $0xb8;
	[tilespmem:$0x1D000] =	vst v63  }
0xf9: {  	_ =	swait.ge [sflag:s25], $0x4000  }
0xfa: {  	[sflag:s25] =	ssyncset.done $0x0  }
0xfb: {  	s14 =	simm.s32 $0x400;
	[sflag:s25] =	ssyncadd.s32 $0xFFFFC000  }
0xfc: {  	[tilespmem:s20], [sflag:$0x1] =	stream.indirect.gather [hbm4b:s5+s19], $0x80, s14, s19, $0xb8;
	[tilespmem:$0x1D000] =	vst v63  }
0xfd: {  	_ =	swait.ge [sflag:s28], $0x4000  }
0xfe: {  	[sflag:s28] =	ssyncset.done $0x0  }
0xff: {  	s14 =	simm.s32 $0x480;
	[sflag:s28] =	ssyncadd.s32 $0xFFFFC000  }
0x100: {  	[tilespmem:s21], [sflag:$0x2] =	stream.indirect.gather [hbm4b:s5+s19], $0x80, s14, s19, $0xb8;
	[tilespmem:$0x1D000] =	vst v63  }
0x101: {  	_ =	swait.ge [sflag:s22], $0x4000  }
0x102: {  	[sflag:s22] =	ssyncset.done $0x0  }
0x103: {  	s13 =	simm.s32 $0xC00;
	[sflag:s22] =	ssyncadd.s32 $0xFFFFC000  }
0x104: {  	[spmem:s3] =	stream.indirect.scatter.add.f32 [tilespmem:s20], [sflag:$0x3], $0x80, s13, s19, $0xb8;
	[tilespmem:$0x1D000] =	vst v63  }
0x105: {  	_ =	swait.ge [sflag:s23], $0x4000  }
0x106: {  	[sflag:s23] =	ssyncset.done $0x0  }
0x107: {  	s7 =	simm.s32 $0xC80;
	[sflag:s23] =	ssyncadd.s32 $0xFFFFC000  }
0x108: {  	[spmem:s3] =	stream.indirect.scatter.add.f32 [tilespmem:s21], [sflag:$0x4], $0x80, s7, s19, $0xb8;
	[tilespmem:$0x1D000] =	vst v63  }
0x109: {  	_ =	swait.ge [sflag:s25], $0x4000  }
0x10a: {  	[sflag:s25] =	ssyncset.done $0x0  }
0x10b: {  	s12 =	simm.s32 $0x500;
	[sflag:s25] =	ssyncadd.s32 $0xFFFFC000  }
0x10c: {  	[tilespmem:s20], [sflag:$0x1] =	stream.indirect.gather [hbm4b:s5+s19], $0x80, s12, s19, $0xb8;
	[tilespmem:$0x1D000] =	vst v63  }
0x10d: {  	_ =	swait.ge [sflag:s28], $0x4000  }
0x10e: {  	[sflag:s28] =	ssyncset.done $0x0  }
0x10f: {  	s6 =	simm.s32 $0x580;
	[sflag:s28] =	ssyncadd.s32 $0xFFFFC000  }
0x110: {  	[tilespmem:s21], [sflag:$0x2] =	stream.indirect.gather [hbm4b:s5+s19], $0x80, s6, s19, $0xb8;
	[tilespmem:$0x1D000] =	vst v63  }
0x111: {  	_ =	swait.ge [sflag:s22], $0x4000  }
0x112: {  	[sflag:s22] =	ssyncset.done $0x0  }
0x113: {  	s9 =	simm.s32 $0xD00;
	[sflag:s22] =	ssyncadd.s32 $0xFFFFC000  }
0x114: {  	[spmem:s3] =	stream.indirect.scatter.add.f32 [tilespmem:s20], [sflag:$0x3], $0x80, s9, s19, $0xb8;
	[tilespmem:$0x1D000] =	vst v63  }
0x115: {  	_ =	swait.ge [sflag:s23], $0x4000  }
0x116: {  	[sflag:s23] =	ssyncset.done $0x0  }
0x117: {  	s2 =	simm.s32 $0xD80;
	[sflag:s23] =	ssyncadd.s32 $0xFFFFC000  }
0x118: {  	[spmem:s3] =	stream.indirect.scatter.add.f32 [tilespmem:s21], [sflag:$0x4], $0x80, s2, s19, $0xb8;
	[tilespmem:$0x1D000] =	vst v63  }
0x119: {  	_ =	swait.ge [sflag:s25], $0x4000  }
0x11a: {  	[sflag:s25] =	ssyncset.done $0x0  }
0x11b: {  	s0 =	simm.s32 $0x600;
	[sflag:s25] =	ssyncadd.s32 $0xFFFFC000  }
0x11c: {  	[tilespmem:s20], [sflag:$0x1] =	stream.indirect.gather [hbm4b:s5+s19], $0x80, s0, s19, $0xb8;
	[tilespmem:$0x1D000] =	vst v63  }
0x11d: {  	_ =	swait.ge [sflag:s28], $0x4000  }
0x11e: {  	[sflag:s28] =	ssyncset.done $0x0  }
0x11f: {  	s31 =	simm.s32 $0x680;
	[sflag:s28] =	ssyncadd.s32 $0xFFFFC000  }
0x120: {  	[tilespmem:s21], [sflag:$0x2] =	stream.indirect.gather [hbm4b:s5+s19], $0x80, s31, s19, $0xb8;
	[tilespmem:$0x1D000] =	vst v63  }
0x121: {  	_ =	swait.ge [sflag:s22], $0x4000  }
0x122: {  	[sflag:s22] =	ssyncset.done $0x0  }
0x123: {  	s30 =	simm.s32 $0xE00;
	[sflag:s22] =	ssyncadd.s32 $0xFFFFC000  }
0x124: {  	[spmem:s3] =	stream.indirect.scatter.add.f32 [tilespmem:s20], [sflag:$0x3], $0x80, s30, s19, $0xb8;
	[tilespmem:$0x1D000] =	vst v63  }
0x125: {  	_ =	swait.ge [sflag:s23], $0x4000  }
0x126: {  	[sflag:s23] =	ssyncset.done $0x0  }
0x127: {  	s29 =	simm.s32 $0xE80;
	[sflag:s23] =	ssyncadd.s32 $0xFFFFC000  }
0x128: {  	[spmem:s3] =	stream.indirect.scatter.add.f32 [tilespmem:s21], [sflag:$0x4], $0x80, s29, s19, $0xb8;
	[tilespmem:$0x1D000] =	vst v63  }
0x129: {  	_ =	swait.ge [sflag:s25], $0x4000  }
0x12a: {  	[sflag:s25] =	ssyncset.done $0x0  }
0x12b: {  	s15 =	simm.s32 $0x700;
	[sflag:s25] =	ssyncadd.s32 $0xFFFFC000  }
0x12c: {  	[tilespmem:s20], [sflag:$0x1] =	stream.indirect.gather [hbm4b:s5+s19], $0x80, s15, s19, $0xb8;
	[tilespmem:$0x1D000] =	vst v63  }
0x12d: {  	_ =	swait.ge [sflag:s28], $0x4000  }
0x12e: {  	[sflag:s28] =	ssyncset.done $0x0  }
0x12f: {  	s16 =	simm.s32 $0x780;
	[sflag:s28] =	ssyncadd.s32 $0xFFFFC000  }
0x130: {  	[tilespmem:s21], [sflag:$0x2] =	stream.indirect.gather [hbm4b:s5+s19], $0x80, s16, s19, $0xb8;
	[tilespmem:$0x1D000] =	vst v63  }
0x131: {  	_ =	swait.ge [sflag:s22], $0x4000  }
0x132: {  	[sflag:s22] =	ssyncset.done $0x0  }
0x133: {  	s24 =	simm.s32 $0xF00;
	[sflag:s22] =	ssyncadd.s32 $0xFFFFC000  }
0x134: {  	[spmem:s3] =	stream.indirect.scatter.add.f32 [tilespmem:s20], [sflag:$0x3], $0x80, s24, s19, $0xb8;
	[tilespmem:$0x1D000] =	vst v63  }
0x135: {  	_ =	swait.ge [sflag:s23], $0x4000  }
0x136: {  	[sflag:s23] =	ssyncset.done $0x0  }
0x137: {  	s26 =	simm.s32 $0xF80;
	[sflag:s23] =	ssyncadd.s32 $0xFFFFC000  }
0x138: {  	[spmem:s3] =	stream.indirect.scatter.add.f32 [tilespmem:s21], [sflag:$0x4], $0x80, s26, s19, $0xb8;
	[tilespmem:$0x1D000] =	vst v63  }
0x139: {  	_ =	swait.ge [sflag:s25], $0x4000  }
0x13a: {  	[sflag:s25] =	ssyncset.done $0x0  }
0x13b: {  	[sflag:s25] =	ssyncadd.s32 $0xFFFFC000  }
0x13c: {  	_ =	swait.ge [sflag:s28], $0x4000  }
0x13d: {  	s15 =	simm.s32 $0x100;
	s16 =	simm.s32 $0x200;
	[sflag:s28] =	ssyncset.done $0x0  }
.LBB2_6:
0x13e: {  	s24 =	sadd.s32 s15, s10  }
0x13f: {  	[sflag:s28] =	ssyncadd.s32 $0xFFFFC000;
	s26 =	smov.u32 s16;
	s8 =	sadd.s32 $0x100, s16  }
0x140: {  	[tilespmem:s4], [sflag:$0x5] =	stream.linear.gather [hbm4b:s24+s4], $0x800, $0x38;
	[tilespmem:$0x1D000] =	vst v63  }
0x141: {  	s24 =	simm.s32 $0x880  }
0x142: {  	p1 =	sne.s32 s16, $0x900;
	_ =	swait.ge [sflag:s17], $0x800  }
0x143: {  	s16 =	sadd.s32 s15, s11;
	[sflag:s17] =	ssyncset.done $0x0  }
0x144: {  	s15 =	smov.u32 s26;
	s26 =	simm.s32 $0x100;
	[sflag:s17] =	ssyncadd.s32 $0xFFFFF800  }
0x145: {  	[tilespmem:s18], [sflag:$0x5] =	stream.linear.gather [hbm4b:s16+s4], $0x800, $0x38;
	[tilespmem:$0x1D000] =	vst v63  }
0x146: {  	_ =	swait.ge [sflag:s17], $0x800  }
0x147: {  	[sflag:s17] =	ssyncset.done $0x0  }
0x148: {  	[sflag:s17] =	ssyncadd.s32 $0xFFFFF800  }
0x149: {  	[tilespmem:s20], [sflag:$0x1] =	stream.indirect.gather [hbm4b:s5+s19], $0x80, s4, s19, $0xb8;
	[tilespmem:$0x1D000] =	vst v63  }
0x14a: {  	_ = 	snop  }
0x14b: {  	[tilespmem:s21], [sflag:$0x2] =	stream.indirect.gather [hbm4b:s5+s19], $0x80, s19, s19, $0xb8;
	[tilespmem:$0x1D000] =	vst v63  }
0x14c: {  	_ =	swait.ge [sflag:s22], $0x4000  }
0x14d: {  	[sflag:s22] =	ssyncset.done $0x0  }
0x14e: {  	[sflag:s22] =	ssyncadd.s32 $0xFFFFC000  }
0x14f: {  	[spmem:s3] =	stream.indirect.scatter.add.f32 [tilespmem:s20], [sflag:$0x3], $0x80, s18, s19, $0xb8;
	[tilespmem:$0x1D000] =	vst v63  }
0x150: {  	_ =	swait.ge [sflag:s23], $0x4000  }
0x151: {  	[sflag:s23] =	ssyncset.done $0x0  }
0x152: {  	[sflag:s23] =	ssyncadd.s32 $0xFFFFC000  }
0x153: {  	[spmem:s3] =	stream.indirect.scatter.add.f32 [tilespmem:s21], [sflag:$0x4], $0x80, s24, s19, $0xb8;
	[tilespmem:$0x1D000] =	vst v63  }
0x154: {  	_ =	swait.ge [sflag:s25], $0x4000  }
0x155: {  	[sflag:s25] =	ssyncset.done $0x0  }
0x156: {  	[sflag:s25] =	ssyncadd.s32 $0xFFFFC000  }
0x157: {  	[tilespmem:s20], [sflag:$0x1] =	stream.indirect.gather [hbm4b:s5+s19], $0x80, s26, s19, $0xb8;
	[tilespmem:$0x1D000] =	vst v63  }
0x158: {  	_ =	swait.ge [sflag:s28], $0x4000  }
0x159: {  	[sflag:s28] =	ssyncset.done $0x0  }
0x15a: {  	s16 =	simm.s32 $0x180;
	[sflag:s28] =	ssyncadd.s32 $0xFFFFC000  }
0x15b: {  	[tilespmem:s21], [sflag:$0x2] =	stream.indirect.gather [hbm4b:s5+s19], $0x80, s16, s19, $0xb8;
	[tilespmem:$0x1D000] =	vst v63  }
0x15c: {  	_ =	swait.ge [sflag:s22], $0x4000  }
0x15d: {  	[sflag:s22] =	ssyncset.done $0x0  }
0x15e: {  	s16 =	simm.s32 $0x900;
	[sflag:s22] =	ssyncadd.s32 $0xFFFFC000  }
0x15f: {  	[spmem:s3] =	stream.indirect.scatter.add.f32 [tilespmem:s20], [sflag:$0x3], $0x80, s16, s19, $0xb8;
	[tilespmem:$0x1D000] =	vst v63  }
0x160: {  	_ =	swait.ge [sflag:s23], $0x4000  }
0x161: {  	[sflag:s23] =	ssyncset.done $0x0  }
0x162: {  	s16 =	simm.s32 $0x980;
	[sflag:s23] =	ssyncadd.s32 $0xFFFFC000  }
0x163: {  	[spmem:s3] =	stream.indirect.scatter.add.f32 [tilespmem:s21], [sflag:$0x4], $0x80, s16, s19, $0xb8;
	[tilespmem:$0x1D000] =	vst v63  }
0x164: {  	_ =	swait.ge [sflag:s25], $0x4000  }
0x165: {  	[sflag:s25] =	ssyncset.done $0x0  }
0x166: {  	s16 =	simm.s32 $0x200;
	[sflag:s25] =	ssyncadd.s32 $0xFFFFC000  }
0x167: {  	[tilespmem:s20], [sflag:$0x1] =	stream.indirect.gather [hbm4b:s5+s19], $0x80, s16, s19, $0xb8;
	[tilespmem:$0x1D000] =	vst v63  }
0x168: {  	_ =	swait.ge [sflag:s28], $0x4000  }
0x169: {  	[sflag:s28] =	ssyncset.done $0x0  }
0x16a: {  	s16 =	simm.s32 $0x280;
	[sflag:s28] =	ssyncadd.s32 $0xFFFFC000  }
0x16b: {  	[tilespmem:s21], [sflag:$0x2] =	stream.indirect.gather [hbm4b:s5+s19], $0x80, s16, s19, $0xb8;
	[tilespmem:$0x1D000] =	vst v63  }
0x16c: {  	_ =	swait.ge [sflag:s22], $0x4000  }
0x16d: {  	[sflag:s22] =	ssyncset.done $0x0  }
0x16e: {  	s16 =	simm.s32 $0xA00;
	[sflag:s22] =	ssyncadd.s32 $0xFFFFC000  }
0x16f: {  	[spmem:s3] =	stream.indirect.scatter.add.f32 [tilespmem:s20], [sflag:$0x3], $0x80, s16, s19, $0xb8;
	[tilespmem:$0x1D000] =	vst v63  }
0x170: {  	_ =	swait.ge [sflag:s23], $0x4000  }
0x171: {  	[sflag:s23] =	ssyncset.done $0x0  }
0x172: {  	s16 =	simm.s32 $0xA80;
	[sflag:s23] =	ssyncadd.s32 $0xFFFFC000  }
0x173: {  	[spmem:s3] =	stream.indirect.scatter.add.f32 [tilespmem:s21], [sflag:$0x4], $0x80, s16, s19, $0xb8;
	[tilespmem:$0x1D000] =	vst v63  }
0x174: {  	_ =	swait.ge [sflag:s25], $0x4000  }
0x175: {  	[sflag:s25] =	ssyncset.done $0x0  }
0x176: {  	s16 =	simm.s32 $0x300;
	[sflag:s25] =	ssyncadd.s32 $0xFFFFC000  }
0x177: {  	[tilespmem:s20], [sflag:$0x1] =	stream.indirect.gather [hbm4b:s5+s19], $0x80, s16, s19, $0xb8;
	[tilespmem:$0x1D000] =	vst v63  }
0x178: {  	_ =	swait.ge [sflag:s28], $0x4000  }
0x179: {  	[sflag:s28] =	ssyncset.done $0x0  }
0x17a: {  	s16 =	simm.s32 $0x380;
	[sflag:s28] =	ssyncadd.s32 $0xFFFFC000  }
0x17b: {  	[tilespmem:s21], [sflag:$0x2] =	stream.indirect.gather [hbm4b:s5+s19], $0x80, s16, s19, $0xb8;
	[tilespmem:$0x1D000] =	vst v63  }
0x17c: {  	_ =	swait.ge [sflag:s22], $0x4000  }
0x17d: {  	[sflag:s22] =	ssyncset.done $0x0  }
0x17e: {  	s16 =	simm.s32 $0xB00;
	[sflag:s22] =	ssyncadd.s32 $0xFFFFC000  }
0x17f: {  	[spmem:s3] =	stream.indirect.scatter.add.f32 [tilespmem:s20], [sflag:$0x3], $0x80, s16, s19, $0xb8;
	[tilespmem:$0x1D000] =	vst v63  }
0x180: {  	_ =	swait.ge [sflag:s23], $0x4000  }
0x181: {  	[sflag:s23] =	ssyncset.done $0x0  }
0x182: {  	s16 =	simm.s32 $0xB80;
	[sflag:s23] =	ssyncadd.s32 $0xFFFFC000  }
0x183: {  	[spmem:s3] =	stream.indirect.scatter.add.f32 [tilespmem:s21], [sflag:$0x4], $0x80, s16, s19, $0xb8;
	[tilespmem:$0x1D000] =	vst v63  }
0x184: {  	_ =	swait.ge [sflag:s25], $0x4000  }
0x185: {  	[sflag:s25] =	ssyncset.done $0x0  }
0x186: {  	s16 =	simm.s32 $0x400;
	[sflag:s25] =	ssyncadd.s32 $0xFFFFC000  }
0x187: {  	[tilespmem:s20], [sflag:$0x1] =	stream.indirect.gather [hbm4b:s5+s19], $0x80, s16, s19, $0xb8;
	[tilespmem:$0x1D000] =	vst v63  }
0x188: {  	_ =	swait.ge [sflag:s28], $0x4000  }
0x189: {  	[sflag:s28] =	ssyncset.done $0x0  }
0x18a: {  	[sflag:s28] =	ssyncadd.s32 $0xFFFFC000  }
0x18b: {  	[tilespmem:s21], [sflag:$0x2] =	stream.indirect.gather [hbm4b:s5+s19], $0x80, s14, s19, $0xb8;
	[tilespmem:$0x1D000] =	vst v63  }
0x18c: {  	_ =	swait.ge [sflag:s22], $0x4000  }
0x18d: {  	[sflag:s22] =	ssyncset.done $0x0  }
0x18e: {  	[sflag:s22] =	ssyncadd.s32 $0xFFFFC000  }
0x18f: {  	[spmem:s3] =	stream.indirect.scatter.add.f32 [tilespmem:s20], [sflag:$0x3], $0x80, s13, s19, $0xb8;
	[tilespmem:$0x1D000] =	vst v63  }
0x190: {  	_ =	swait.ge [sflag:s23], $0x4000  }
0x191: {  	[sflag:s23] =	ssyncset.done $0x0  }
0x192: {  	[sflag:s23] =	ssyncadd.s32 $0xFFFFC000  }
0x193: {  	[spmem:s3] =	stream.indirect.scatter.add.f32 [tilespmem:s21], [sflag:$0x4], $0x80, s7, s19, $0xb8;
	[tilespmem:$0x1D000] =	vst v63  }
0x194: {  	_ =	swait.ge [sflag:s25], $0x4000  }
0x195: {  	[sflag:s25] =	ssyncset.done $0x0  }
0x196: {  	[sflag:s25] =	ssyncadd.s32 $0xFFFFC000  }
0x197: {  	[tilespmem:s20], [sflag:$0x1] =	stream.indirect.gather [hbm4b:s5+s19], $0x80, s12, s19, $0xb8;
	[tilespmem:$0x1D000] =	vst v63  }
0x198: {  	_ =	swait.ge [sflag:s28], $0x4000  }
0x199: {  	[sflag:s28] =	ssyncset.done $0x0  }
0x19a: {  	[sflag:s28] =	ssyncadd.s32 $0xFFFFC000  }
0x19b: {  	[tilespmem:s21], [sflag:$0x2] =	stream.indirect.gather [hbm4b:s5+s19], $0x80, s6, s19, $0xb8;
	[tilespmem:$0x1D000] =	vst v63  }
0x19c: {  	_ =	swait.ge [sflag:s22], $0x4000  }
0x19d: {  	[sflag:s22] =	ssyncset.done $0x0  }
0x19e: {  	[sflag:s22] =	ssyncadd.s32 $0xFFFFC000  }
0x19f: {  	[spmem:s3] =	stream.indirect.scatter.add.f32 [tilespmem:s20], [sflag:$0x3], $0x80, s9, s19, $0xb8;
	[tilespmem:$0x1D000] =	vst v63  }
0x1a0: {  	_ =	swait.ge [sflag:s23], $0x4000  }
0x1a1: {  	[sflag:s23] =	ssyncset.done $0x0  }
0x1a2: {  	[sflag:s23] =	ssyncadd.s32 $0xFFFFC000  }
0x1a3: {  	[spmem:s3] =	stream.indirect.scatter.add.f32 [tilespmem:s21], [sflag:$0x4], $0x80, s2, s19, $0xb8;
	[tilespmem:$0x1D000] =	vst v63  }
0x1a4: {  	_ =	swait.ge [sflag:s25], $0x4000  }
0x1a5: {  	[sflag:s25] =	ssyncset.done $0x0  }
0x1a6: {  	[sflag:s25] =	ssyncadd.s32 $0xFFFFC000  }
0x1a7: {  	[tilespmem:s20], [sflag:$0x1] =	stream.indirect.gather [hbm4b:s5+s19], $0x80, s0, s19, $0xb8;
	[tilespmem:$0x1D000] =	vst v63  }
0x1a8: {  	_ =	swait.ge [sflag:s28], $0x4000  }
0x1a9: {  	[sflag:s28] =	ssyncset.done $0x0  }
0x1aa: {  	[sflag:s28] =	ssyncadd.s32 $0xFFFFC000  }
0x1ab: {  	[tilespmem:s21], [sflag:$0x2] =	stream.indirect.gather [hbm4b:s5+s19], $0x80, s31, s19, $0xb8;
	[tilespmem:$0x1D000] =	vst v63  }
0x1ac: {  	_ =	swait.ge [sflag:s22], $0x4000  }
0x1ad: {  	[sflag:s22] =	ssyncset.done $0x0  }
0x1ae: {  	[sflag:s22] =	ssyncadd.s32 $0xFFFFC000  }
0x1af: {  	[spmem:s3] =	stream.indirect.scatter.add.f32 [tilespmem:s20], [sflag:$0x3], $0x80, s30, s19, $0xb8;
	[tilespmem:$0x1D000] =	vst v63  }
0x1b0: {  	_ =	swait.ge [sflag:s23], $0x4000  }
0x1b1: {  	[sflag:s23] =	ssyncset.done $0x0  }
0x1b2: {  	[sflag:s23] =	ssyncadd.s32 $0xFFFFC000  }
0x1b3: {  	[spmem:s3] =	stream.indirect.scatter.add.f32 [tilespmem:s21], [sflag:$0x4], $0x80, s29, s19, $0xb8;
	[tilespmem:$0x1D000] =	vst v63  }
0x1b4: {  	_ =	swait.ge [sflag:s25], $0x4000  }
0x1b5: {  	[sflag:s25] =	ssyncset.done $0x0  }
0x1b6: {  	s16 =	simm.s32 $0x700;
	[sflag:s25] =	ssyncadd.s32 $0xFFFFC000  }
0x1b7: {  	[tilespmem:s20], [sflag:$0x1] =	stream.indirect.gather [hbm4b:s5+s19], $0x80, s16, s19, $0xb8;
	[tilespmem:$0x1D000] =	vst v63  }
0x1b8: {  	_ =	swait.ge [sflag:s28], $0x4000  }
0x1b9: {  	[sflag:s28] =	ssyncset.done $0x0  }
0x1ba: {  	s16 =	simm.s32 $0x780;
	[sflag:s28] =	ssyncadd.s32 $0xFFFFC000  }
0x1bb: {  	[tilespmem:s21], [sflag:$0x2] =	stream.indirect.gather [hbm4b:s5+s19], $0x80, s16, s19, $0xb8;
	[tilespmem:$0x1D000] =	vst v63  }
0x1bc: {  	_ =	swait.ge [sflag:s22], $0x4000  }
0x1bd: {  	[sflag:s22] =	ssyncset.done $0x0  }
0x1be: {  	s16 =	simm.s32 $0xF00;
	[sflag:s22] =	ssyncadd.s32 $0xFFFFC000  }
0x1bf: {  	[spmem:s3] =	stream.indirect.scatter.add.f32 [tilespmem:s20], [sflag:$0x3], $0x80, s16, s19, $0xb8;
	[tilespmem:$0x1D000] =	vst v63  }
0x1c0: {  	_ =	swait.ge [sflag:s23], $0x4000  }
0x1c1: {  	[sflag:s23] =	ssyncset.done $0x0  }
0x1c2: {  	s16 =	simm.s32 $0xF80;
	[sflag:s23] =	ssyncadd.s32 $0xFFFFC000  }
0x1c3: {  	[spmem:s3] =	stream.indirect.scatter.add.f32 [tilespmem:s21], [sflag:$0x4], $0x80, s16, s19, $0xb8;
	[tilespmem:$0x1D000] =	vst v63  }
.Ltmp3:
0x1c4: {  	_ =	swait.ge [sflag:s25], $0x4000;
	(pc) =	sbr.rel @p1 .LBB2_6-.Ltmp3, $4  }
0x1c5: {  	[sflag:s25] =	ssyncset.done $0x0  }
0x1c6: {  	[sflag:s25] =	ssyncadd.s32 $0xFFFFC000  }
0x1c7: {  	_ =	swait.ge [sflag:s28], $0x4000  }
0x1c8: {  	s16 =	smov.u32 s8;
	[sflag:s28] =	ssyncset.done $0x0  }
.Ltmp4:
0x1c9: {  	_ = 	snop;
	(pc) =	sbr.rel .LBB2_7-.Ltmp4, $1  }
0x1ca: {  	_ =	sdelay $0x3  }
.LBB2_2:
0x1cb: {  	s8 =	rddreg [dreg:$0x9]  }
0x1cc: {  	s14 =	sor.u32 $0x1C05, s8;
	s8 =	rddreg [dreg:$0x7]  }
0x1cd: {  	[dreg:$0xe] =	wrdreg s14  }
0x1ce: {  	[spmem:s16], [sflag:s14] =	dma.local [hbm:s8], $0x2800  }
0x1cf: {  	_ =	swait.ge [sflag:s17], $0x2800  }
0x1d0: {  	[sflag:s17] =	ssyncset.done $0x0  }
0x1d1: {  	[sflag:s17] =	ssyncadd.s32 $0xFFFFD800  }
0x1d2: {  	s14 =	sadd.s32 $0x0, s10;
	[bflag:$0x0] =	sbarrier.arrive $0xFFFF  }
0x1d3: {  	[tilespmem:s4], [sflag:$0x5] =	stream.linear.gather [hbm4b:s14+s4], $0x800, $0x38;
	[tilespmem:$0x1D000] =	vst v63  }
0x1d4: {  	_ =	swait.ge [sflag:s17], $0x800  }
0x1d5: {  	[sflag:s17] =	ssyncset.done $0x0  }
0x1d6: {  	s16 =	sadd.s32 $0x0, s11;
	[sflag:s17] =	ssyncadd.s32 $0xFFFFF800  }
0x1d7: {  	[tilespmem:s18], [sflag:$0x5] =	stream.linear.gather [hbm4b:s16+s4], $0x800, $0x38;
	[tilespmem:$0x1D000] =	vst v63  }
0x1d8: {  	_ =	swait.ge [sflag:s17], $0x800  }
0x1d9: {  	[sflag:s17] =	ssyncset.done $0x0  }
0x1da: {  	[sflag:s17] =	ssyncadd.s32 $0xFFFFF800  }
0x1db: {  	[tilespmem:s20], [sflag:$0x1] =	stream.indirect.gather [hbm4b:s1+s19], $0x80, s4, s19, $0xb8;
	[tilespmem:$0x1D000] =	vst v63  }
0x1dc: {  	_ = 	snop  }
0x1dd: {  	[tilespmem:s21], [sflag:$0x2] =	stream.indirect.gather [hbm4b:s1+s19], $0x80, s19, s19, $0xb8;
	[tilespmem:$0x1D000] =	vst v63  }
0x1de: {  	_ =	swait.ge [sflag:s22], $0x4000  }
0x1df: {  	[sflag:s22] =	ssyncset.done $0x0  }
0x1e0: {  	[sflag:s22] =	ssyncadd.s32 $0xFFFFC000  }
0x1e1: {  	[spmem:s3] =	stream.indirect.scatter.add.f32 [tilespmem:s20], [sflag:$0x3], $0x80, s18, s19, $0xb8;
	[tilespmem:$0x1D000] =	vst v63  }
0x1e2: {  	_ =	swait.ge [sflag:s23], $0x4000  }
0x1e3: {  	[sflag:s23] =	ssyncset.done $0x0  }
0x1e4: {  	[sflag:s23] =	ssyncadd.s32 $0xFFFFC000  }
0x1e5: {  	[spmem:s3] =	stream.indirect.scatter.add.f32 [tilespmem:s21], [sflag:$0x4], $0x80, s24, s19, $0xb8;
	[tilespmem:$0x1D000] =	vst v63  }
0x1e6: {  	_ =	swait.ge [sflag:s25], $0x4000  }
0x1e7: {  	[sflag:s25] =	ssyncset.done $0x0  }
0x1e8: {  	[sflag:s25] =	ssyncadd.s32 $0xFFFFC000  }
0x1e9: {  	[tilespmem:s20], [sflag:$0x1] =	stream.indirect.gather [hbm4b:s1+s19], $0x80, s26, s19, $0xb8;
	[tilespmem:$0x1D000] =	vst v63  }
0x1ea: {  	_ =	swait.ge [sflag:s28], $0x4000  }
0x1eb: {  	[sflag:s28] =	ssyncset.done $0x0  }
0x1ec: {  	[sflag:s28] =	ssyncadd.s32 $0xFFFFC000  }
0x1ed: {  	[tilespmem:s21], [sflag:$0x2] =	stream.indirect.gather [hbm4b:s1+s19], $0x80, s15, s19, $0xb8;
	[tilespmem:$0x1D000] =	vst v63  }
0x1ee: {  	_ =	swait.ge [sflag:s22], $0x4000  }
0x1ef: {  	[sflag:s22] =	ssyncset.done $0x0  }
0x1f0: {  	[sflag:s22] =	ssyncadd.s32 $0xFFFFC000  }
0x1f1: {  	[spmem:s3] =	stream.indirect.scatter.add.f32 [tilespmem:s20], [sflag:$0x3], $0x80, s29, s19, $0xb8;
	[tilespmem:$0x1D000] =	vst v63  }
0x1f2: {  	_ =	swait.ge [sflag:s23], $0x4000  }
0x1f3: {  	[sflag:s23] =	ssyncset.done $0x0  }
0x1f4: {  	[sflag:s23] =	ssyncadd.s32 $0xFFFFC000  }
0x1f5: {  	[spmem:s3] =	stream.indirect.scatter.add.f32 [tilespmem:s21], [sflag:$0x4], $0x80, s30, s19, $0xb8;
	[tilespmem:$0x1D000] =	vst v63  }
0x1f6: {  	_ =	swait.ge [sflag:s25], $0x4000  }
0x1f7: {  	[sflag:s25] =	ssyncset.done $0x0  }
0x1f8: {  	[sflag:s25] =	ssyncadd.s32 $0xFFFFC000  }
0x1f9: {  	[tilespmem:s20], [sflag:$0x1] =	stream.indirect.gather [hbm4b:s1+s19], $0x80, s0, s19, $0xb8;
	[tilespmem:$0x1D000] =	vst v63  }
0x1fa: {  	_ =	swait.ge [sflag:s28], $0x4000  }
0x1fb: {  	[sflag:s28] =	ssyncset.done $0x0  }
0x1fc: {  	[sflag:s28] =	ssyncadd.s32 $0xFFFFC000  }
0x1fd: {  	[tilespmem:s21], [sflag:$0x2] =	stream.indirect.gather [hbm4b:s1+s19], $0x80, s2, s19, $0xb8;
	[tilespmem:$0x1D000] =	vst v63  }
0x1fe: {  	_ =	swait.ge [sflag:s22], $0x4000  }
0x1ff: {  	[sflag:s22] =	ssyncset.done $0x0  }
0x200: {  	[sflag:s22] =	ssyncadd.s32 $0xFFFFC000  }
0x201: {  	[spmem:s3] =	stream.indirect.scatter.add.f32 [tilespmem:s20], [sflag:$0x3], $0x80, s9, s19, $0xb8;
	[tilespmem:$0x1D000] =	vst v63  }
0x202: {  	_ =	swait.ge [sflag:s23], $0x4000  }
0x203: {  	[sflag:s23] =	ssyncset.done $0x0  }
0x204: {  	[sflag:s23] =	ssyncadd.s32 $0xFFFFC000  }
0x205: {  	[spmem:s3] =	stream.indirect.scatter.add.f32 [tilespmem:s21], [sflag:$0x4], $0x80, s6, s19, $0xb8;
	[tilespmem:$0x1D000] =	vst v63  }
0x206: {  	_ =	swait.ge [sflag:s25], $0x4000  }
0x207: {  	[sflag:s25] =	ssyncset.done $0x0  }
0x208: {  	[sflag:s25] =	ssyncadd.s32 $0xFFFFC000  }
0x209: {  	[tilespmem:s20], [sflag:$0x1] =	stream.indirect.gather [hbm4b:s1+s19], $0x80, s12, s19, $0xb8;
	[tilespmem:$0x1D000] =	vst v63  }
0x20a: {  	_ =	swait.ge [sflag:s28], $0x4000  }
0x20b: {  	[sflag:s28] =	ssyncset.done $0x0  }
0x20c: {  	[sflag:s28] =	ssyncadd.s32 $0xFFFFC000  }
0x20d: {  	[tilespmem:s21], [sflag:$0x2] =	stream.indirect.gather [hbm4b:s1+s19], $0x80, s7, s19, $0xb8;
	[tilespmem:$0x1D000] =	vst v63  }
0x20e: {  	_ =	swait.ge [sflag:s22], $0x4000  }
0x20f: {  	[sflag:s22] =	ssyncset.done $0x0  }
0x210: {  	[sflag:s22] =	ssyncadd.s32 $0xFFFFC000  }
0x211: {  	[spmem:s3] =	stream.indirect.scatter.add.f32 [tilespmem:s20], [sflag:$0x3], $0x80, s13, s19, $0xb8;
	[tilespmem:$0x1D000] =	vst v63  }
0x212: {  	_ =	swait.ge [sflag:s23], $0x4000  }
0x213: {  	[sflag:s23] =	ssyncset.done $0x0  }
0x214: {  	s14 =	simm.s32 $0xB80;
	[sflag:s23] =	ssyncadd.s32 $0xFFFFC000  }
0x215: {  	[spmem:s3] =	stream.indirect.scatter.add.f32 [tilespmem:s21], [sflag:$0x4], $0x80, s14, s19, $0xb8;
	[tilespmem:$0x1D000] =	vst v63  }
0x216: {  	_ =	swait.ge [sflag:s25], $0x4000  }
0x217: {  	[sflag:s25] =	ssyncset.done $0x0  }
0x218: {  	s15 =	simm.s32 $0x400;
	[sflag:s25] =	ssyncadd.s32 $0xFFFFC000  }
0x219: {  	[tilespmem:s20], [sflag:$0x1] =	stream.indirect.gather [hbm4b:s1+s19], $0x80, s15, s19, $0xb8;
	[tilespmem:$0x1D000] =	vst v63  }
0x21a: {  	_ =	swait.ge [sflag:s28], $0x4000  }
0x21b: {  	[sflag:s28] =	ssyncset.done $0x0  }
0x21c: {  	s16 =	simm.s32 $0x480;
	[sflag:s28] =	ssyncadd.s32 $0xFFFFC000  }
0x21d: {  	[tilespmem:s21], [sflag:$0x2] =	stream.indirect.gather [hbm4b:s1+s19], $0x80, s16, s19, $0xb8;
	[tilespmem:$0x1D000] =	vst v63  }
0x21e: {  	_ =	swait.ge [sflag:s22], $0x4000  }
0x21f: {  	[sflag:s22] =	ssyncset.done $0x0  }
0x220: {  	s24 =	simm.s32 $0xC00;
	[sflag:s22] =	ssyncadd.s32 $0xFFFFC000  }
0x221: {  	[spmem:s3] =	stream.indirect.scatter.add.f32 [tilespmem:s20], [sflag:$0x3], $0x80, s24, s19, $0xb8;
	[tilespmem:$0x1D000] =	vst v63  }
0x222: {  	_ =	swait.ge [sflag:s23], $0x4000  }
0x223: {  	[sflag:s23] =	ssyncset.done $0x0  }
0x224: {  	s26 =	simm.s32 $0xC80;
	[sflag:s23] =	ssyncadd.s32 $0xFFFFC000  }
0x225: {  	[spmem:s3] =	stream.indirect.scatter.add.f32 [tilespmem:s21], [sflag:$0x4], $0x80, s26, s19, $0xb8;
	[tilespmem:$0x1D000] =	vst v63  }
0x226: {  	_ =	swait.ge [sflag:s25], $0x4000  }
0x227: {  	[sflag:s25] =	ssyncset.done $0x0  }
0x228: {  	s2 =	simm.s32 $0x500;
	[sflag:s25] =	ssyncadd.s32 $0xFFFFC000  }
0x229: {  	[tilespmem:s20], [sflag:$0x1] =	stream.indirect.gather [hbm4b:s1+s19], $0x80, s2, s19, $0xb8;
	[tilespmem:$0x1D000] =	vst v63  }
0x22a: {  	_ =	swait.ge [sflag:s28], $0x4000  }
0x22b: {  	[sflag:s28] =	ssyncset.done $0x0  }
0x22c: {  	s6 =	simm.s32 $0x580;
	[sflag:s28] =	ssyncadd.s32 $0xFFFFC000  }
0x22d: {  	[tilespmem:s21], [sflag:$0x2] =	stream.indirect.gather [hbm4b:s1+s19], $0x80, s6, s19, $0xb8;
	[tilespmem:$0x1D000] =	vst v63  }
0x22e: {  	_ =	swait.ge [sflag:s22], $0x4000  }
0x22f: {  	[sflag:s22] =	ssyncset.done $0x0  }
0x230: {  	s7 =	simm.s32 $0xD00;
	[sflag:s22] =	ssyncadd.s32 $0xFFFFC000  }
0x231: {  	[spmem:s3] =	stream.indirect.scatter.add.f32 [tilespmem:s20], [sflag:$0x3], $0x80, s7, s19, $0xb8;
	[tilespmem:$0x1D000] =	vst v63  }
0x232: {  	_ =	swait.ge [sflag:s23], $0x4000  }
0x233: {  	[sflag:s23] =	ssyncset.done $0x0  }
0x234: {  	s8 =	simm.s32 $0xD80;
	[sflag:s23] =	ssyncadd.s32 $0xFFFFC000  }
0x235: {  	[spmem:s3] =	stream.indirect.scatter.add.f32 [tilespmem:s21], [sflag:$0x4], $0x80, s8, s19, $0xb8;
	[tilespmem:$0x1D000] =	vst v63  }
0x236: {  	_ =	swait.ge [sflag:s25], $0x4000  }
0x237: {  	[sflag:s25] =	ssyncset.done $0x0  }
0x238: {  	s9 =	simm.s32 $0x600;
	[sflag:s25] =	ssyncadd.s32 $0xFFFFC000  }
0x239: {  	[tilespmem:s20], [sflag:$0x1] =	stream.indirect.gather [hbm4b:s1+s19], $0x80, s9, s19, $0xb8;
	[tilespmem:$0x1D000] =	vst v63  }
0x23a: {  	_ =	swait.ge [sflag:s28], $0x4000  }
0x23b: {  	[sflag:s28] =	ssyncset.done $0x0  }
0x23c: {  	s12 =	simm.s32 $0x680;
	[sflag:s28] =	ssyncadd.s32 $0xFFFFC000  }
0x23d: {  	[tilespmem:s21], [sflag:$0x2] =	stream.indirect.gather [hbm4b:s1+s19], $0x80, s12, s19, $0xb8;
	[tilespmem:$0x1D000] =	vst v63  }
0x23e: {  	_ =	swait.ge [sflag:s22], $0x4000  }
0x23f: {  	[sflag:s22] =	ssyncset.done $0x0  }
0x240: {  	s13 =	simm.s32 $0xE00;
	[sflag:s22] =	ssyncadd.s32 $0xFFFFC000  }
0x241: {  	[spmem:s3] =	stream.indirect.scatter.add.f32 [tilespmem:s20], [sflag:$0x3], $0x80, s13, s19, $0xb8;
	[tilespmem:$0x1D000] =	vst v63  }
0x242: {  	_ =	swait.ge [sflag:s23], $0x4000  }
0x243: {  	[sflag:s23] =	ssyncset.done $0x0  }
0x244: {  	s14 =	simm.s32 $0xE80;
	[sflag:s23] =	ssyncadd.s32 $0xFFFFC000  }
0x245: {  	[spmem:s3] =	stream.indirect.scatter.add.f32 [tilespmem:s21], [sflag:$0x4], $0x80, s14, s19, $0xb8;
	[tilespmem:$0x1D000] =	vst v63  }
0x246: {  	_ =	swait.ge [sflag:s25], $0x4000  }
0x247: {  	[sflag:s25] =	ssyncset.done $0x0  }
0x248: {  	s15 =	simm.s32 $0x700;
	[sflag:s25] =	ssyncadd.s32 $0xFFFFC000  }
0x249: {  	[tilespmem:s20], [sflag:$0x1] =	stream.indirect.gather [hbm4b:s1+s19], $0x80, s15, s19, $0xb8;
	[tilespmem:$0x1D000] =	vst v63  }
0x24a: {  	_ =	swait.ge [sflag:s28], $0x4000  }
0x24b: {  	[sflag:s28] =	ssyncset.done $0x0  }
0x24c: {  	s16 =	simm.s32 $0x780;
	[sflag:s28] =	ssyncadd.s32 $0xFFFFC000  }
0x24d: {  	[tilespmem:s21], [sflag:$0x2] =	stream.indirect.gather [hbm4b:s1+s19], $0x80, s16, s19, $0xb8;
	[tilespmem:$0x1D000] =	vst v63  }
0x24e: {  	_ =	swait.ge [sflag:s22], $0x4000  }
0x24f: {  	[sflag:s22] =	ssyncset.done $0x0  }
0x250: {  	s24 =	simm.s32 $0xF00;
	[sflag:s22] =	ssyncadd.s32 $0xFFFFC000  }
0x251: {  	[spmem:s3] =	stream.indirect.scatter.add.f32 [tilespmem:s20], [sflag:$0x3], $0x80, s24, s19, $0xb8;
	[tilespmem:$0x1D000] =	vst v63  }
0x252: {  	_ =	swait.ge [sflag:s23], $0x4000  }
0x253: {  	s31 =	simm.s32 $0x980;
	s29 =	simm.s32 $0x180;
	[sflag:s23] =	ssyncset.done $0x0  }
0x254: {  	s30 =	simm.s32 $0x900;
	s26 =	simm.s32 $0xF80;
	[sflag:s23] =	ssyncadd.s32 $0xFFFFC000  }
0x255: {  	[spmem:s3] =	stream.indirect.scatter.add.f32 [tilespmem:s21], [sflag:$0x4], $0x80, s26, s19, $0xb8;
	[tilespmem:$0x1D000] =	vst v63  }
0x256: {  	s0 =	simm.s32 $0x200;
	s2 =	simm.s32 $0x280;
	_ =	swait.ge [sflag:s25], $0x4000  }
0x257: {  	s6 =	simm.s32 $0xA80;
	s7 =	simm.s32 $0x380;
	[sflag:s25] =	ssyncset.done $0x0  }
0x258: {  	s8 =	simm.s32 $0x200;
	s9 =	simm.s32 $0xA00;
	[sflag:s25] =	ssyncadd.s32 $0xFFFFC000  }
0x259: {  	s12 =	simm.s32 $0x300;
	s13 =	simm.s32 $0xB00;
	_ =	swait.ge [sflag:s28], $0x4000  }
0x25a: {  	s14 =	simm.s32 $0xB80;
	s15 =	simm.s32 $0x100;
	[sflag:s28] =	ssyncset.done $0x0  }
.LBB2_3:
0x25b: {  	s24 =	sadd.s32 s15, s10  }
0x25c: {  	[sflag:s28] =	ssyncadd.s32 $0xFFFFC000;
	s26 =	smov.u32 s8;
	s16 =	sadd.s32 $0x100, s8  }
0x25d: {  	[tilespmem:s4], [sflag:$0x5] =	stream.linear.gather [hbm4b:s24+s4], $0x800, $0x38;
	[tilespmem:$0x1D000] =	vst v63  }
0x25e: {  	s24 =	simm.s32 $0x880  }
0x25f: {  	p1 =	seq.s32 s8, $0x900;
	_ =	swait.ge [sflag:s17], $0x800  }
0x260: {  	s8 =	sadd.s32 s15, s11;
	[sflag:s17] =	ssyncset.done $0x0  }
0x261: {  	s15 =	smov.u32 s26;
	s26 =	simm.s32 $0x100;
	[sflag:s17] =	ssyncadd.s32 $0xFFFFF800  }
0x262: {  	[tilespmem:s18], [sflag:$0x5] =	stream.linear.gather [hbm4b:s8+s4], $0x800, $0x38;
	[tilespmem:$0x1D000] =	vst v63  }
0x263: {  	_ =	swait.ge [sflag:s17], $0x800  }
0x264: {  	[sflag:s17] =	ssyncset.done $0x0  }
0x265: {  	[sflag:s17] =	ssyncadd.s32 $0xFFFFF800  }
0x266: {  	[tilespmem:s20], [sflag:$0x1] =	stream.indirect.gather [hbm4b:s1+s19], $0x80, s4, s19, $0xb8;
	[tilespmem:$0x1D000] =	vst v63  }
0x267: {  	_ = 	snop  }
0x268: {  	[tilespmem:s21], [sflag:$0x2] =	stream.indirect.gather [hbm4b:s1+s19], $0x80, s19, s19, $0xb8;
	[tilespmem:$0x1D000] =	vst v63  }
0x269: {  	_ =	swait.ge [sflag:s22], $0x4000  }
0x26a: {  	[sflag:s22] =	ssyncset.done $0x0  }
0x26b: {  	[sflag:s22] =	ssyncadd.s32 $0xFFFFC000  }
0x26c: {  	[spmem:s3] =	stream.indirect.scatter.add.f32 [tilespmem:s20], [sflag:$0x3], $0x80, s18, s19, $0xb8;
	[tilespmem:$0x1D000] =	vst v63  }
0x26d: {  	_ =	swait.ge [sflag:s23], $0x4000  }
0x26e: {  	[sflag:s23] =	ssyncset.done $0x0  }
0x26f: {  	[sflag:s23] =	ssyncadd.s32 $0xFFFFC000  }
0x270: {  	[spmem:s3] =	stream.indirect.scatter.add.f32 [tilespmem:s21], [sflag:$0x4], $0x80, s24, s19, $0xb8;
	[tilespmem:$0x1D000] =	vst v63  }
0x271: {  	_ =	swait.ge [sflag:s25], $0x4000  }
0x272: {  	[sflag:s25] =	ssyncset.done $0x0  }
0x273: {  	[sflag:s25] =	ssyncadd.s32 $0xFFFFC000  }
0x274: {  	[tilespmem:s20], [sflag:$0x1] =	stream.indirect.gather [hbm4b:s1+s19], $0x80, s26, s19, $0xb8;
	[tilespmem:$0x1D000] =	vst v63  }
0x275: {  	_ =	swait.ge [sflag:s28], $0x4000  }
0x276: {  	[sflag:s28] =	ssyncset.done $0x0  }
0x277: {  	[sflag:s28] =	ssyncadd.s32 $0xFFFFC000  }
0x278: {  	[tilespmem:s21], [sflag:$0x2] =	stream.indirect.gather [hbm4b:s1+s19], $0x80, s29, s19, $0xb8;
	[tilespmem:$0x1D000] =	vst v63  }
0x279: {  	_ =	swait.ge [sflag:s22], $0x4000  }
0x27a: {  	[sflag:s22] =	ssyncset.done $0x0  }
0x27b: {  	[sflag:s22] =	ssyncadd.s32 $0xFFFFC000  }
0x27c: {  	[spmem:s3] =	stream.indirect.scatter.add.f32 [tilespmem:s20], [sflag:$0x3], $0x80, s30, s19, $0xb8;
	[tilespmem:$0x1D000] =	vst v63  }
0x27d: {  	_ =	swait.ge [sflag:s23], $0x4000  }
0x27e: {  	[sflag:s23] =	ssyncset.done $0x0  }
0x27f: {  	[sflag:s23] =	ssyncadd.s32 $0xFFFFC000  }
0x280: {  	[spmem:s3] =	stream.indirect.scatter.add.f32 [tilespmem:s21], [sflag:$0x4], $0x80, s31, s19, $0xb8;
	[tilespmem:$0x1D000] =	vst v63  }
0x281: {  	_ =	swait.ge [sflag:s25], $0x4000  }
0x282: {  	[sflag:s25] =	ssyncset.done $0x0  }
0x283: {  	[sflag:s25] =	ssyncadd.s32 $0xFFFFC000  }
0x284: {  	[tilespmem:s20], [sflag:$0x1] =	stream.indirect.gather [hbm4b:s1+s19], $0x80, s0, s19, $0xb8;
	[tilespmem:$0x1D000] =	vst v63  }
0x285: {  	_ =	swait.ge [sflag:s28], $0x4000  }
0x286: {  	[sflag:s28] =	ssyncset.done $0x0  }
0x287: {  	[sflag:s28] =	ssyncadd.s32 $0xFFFFC000  }
0x288: {  	[tilespmem:s21], [sflag:$0x2] =	stream.indirect.gather [hbm4b:s1+s19], $0x80, s2, s19, $0xb8;
	[tilespmem:$0x1D000] =	vst v63  }
0x289: {  	_ =	swait.ge [sflag:s22], $0x4000  }
0x28a: {  	[sflag:s22] =	ssyncset.done $0x0  }
0x28b: {  	[sflag:s22] =	ssyncadd.s32 $0xFFFFC000  }
0x28c: {  	[spmem:s3] =	stream.indirect.scatter.add.f32 [tilespmem:s20], [sflag:$0x3], $0x80, s9, s19, $0xb8;
	[tilespmem:$0x1D000] =	vst v63  }
0x28d: {  	_ =	swait.ge [sflag:s23], $0x4000  }
0x28e: {  	[sflag:s23] =	ssyncset.done $0x0  }
0x28f: {  	[sflag:s23] =	ssyncadd.s32 $0xFFFFC000  }
0x290: {  	[spmem:s3] =	stream.indirect.scatter.add.f32 [tilespmem:s21], [sflag:$0x4], $0x80, s6, s19, $0xb8;
	[tilespmem:$0x1D000] =	vst v63  }
0x291: {  	_ =	swait.ge [sflag:s25], $0x4000  }
0x292: {  	[sflag:s25] =	ssyncset.done $0x0  }
0x293: {  	[sflag:s25] =	ssyncadd.s32 $0xFFFFC000  }
0x294: {  	[tilespmem:s20], [sflag:$0x1] =	stream.indirect.gather [hbm4b:s1+s19], $0x80, s12, s19, $0xb8;
	[tilespmem:$0x1D000] =	vst v63  }
0x295: {  	_ =	swait.ge [sflag:s28], $0x4000  }
0x296: {  	[sflag:s28] =	ssyncset.done $0x0  }
0x297: {  	[sflag:s28] =	ssyncadd.s32 $0xFFFFC000  }
0x298: {  	[tilespmem:s21], [sflag:$0x2] =	stream.indirect.gather [hbm4b:s1+s19], $0x80, s7, s19, $0xb8;
	[tilespmem:$0x1D000] =	vst v63  }
0x299: {  	_ =	swait.ge [sflag:s22], $0x4000  }
0x29a: {  	[sflag:s22] =	ssyncset.done $0x0  }
0x29b: {  	[sflag:s22] =	ssyncadd.s32 $0xFFFFC000  }
0x29c: {  	[spmem:s3] =	stream.indirect.scatter.add.f32 [tilespmem:s20], [sflag:$0x3], $0x80, s13, s19, $0xb8;
	[tilespmem:$0x1D000] =	vst v63  }
0x29d: {  	_ =	swait.ge [sflag:s23], $0x4000  }
0x29e: {  	[sflag:s23] =	ssyncset.done $0x0  }
0x29f: {  	[sflag:s23] =	ssyncadd.s32 $0xFFFFC000  }
0x2a0: {  	[spmem:s3] =	stream.indirect.scatter.add.f32 [tilespmem:s21], [sflag:$0x4], $0x80, s14, s19, $0xb8;
	[tilespmem:$0x1D000] =	vst v63  }
0x2a1: {  	_ =	swait.ge [sflag:s25], $0x4000  }
0x2a2: {  	[sflag:s25] =	ssyncset.done $0x0  }
0x2a3: {  	s8 =	simm.s32 $0x400;
	[sflag:s25] =	ssyncadd.s32 $0xFFFFC000  }
0x2a4: {  	[tilespmem:s20], [sflag:$0x1] =	stream.indirect.gather [hbm4b:s1+s19], $0x80, s8, s19, $0xb8;
	[tilespmem:$0x1D000] =	vst v63  }
0x2a5: {  	_ =	swait.ge [sflag:s28], $0x4000  }
0x2a6: {  	[sflag:s28] =	ssyncset.done $0x0  }
0x2a7: {  	s8 =	simm.s32 $0x480;
	[sflag:s28] =	ssyncadd.s32 $0xFFFFC000  }
0x2a8: {  	[tilespmem:s21], [sflag:$0x2] =	stream.indirect.gather [hbm4b:s1+s19], $0x80, s8, s19, $0xb8;
	[tilespmem:$0x1D000] =	vst v63  }
0x2a9: {  	_ =	swait.ge [sflag:s22], $0x4000  }
0x2aa: {  	[sflag:s22] =	ssyncset.done $0x0  }
0x2ab: {  	s8 =	simm.s32 $0xC00;
	[sflag:s22] =	ssyncadd.s32 $0xFFFFC000  }
0x2ac: {  	[spmem:s3] =	stream.indirect.scatter.add.f32 [tilespmem:s20], [sflag:$0x3], $0x80, s8, s19, $0xb8;
	[tilespmem:$0x1D000] =	vst v63  }
0x2ad: {  	_ =	swait.ge [sflag:s23], $0x4000  }
0x2ae: {  	[sflag:s23] =	ssyncset.done $0x0  }
0x2af: {  	s8 =	simm.s32 $0xC80;
	[sflag:s23] =	ssyncadd.s32 $0xFFFFC000  }
0x2b0: {  	[spmem:s3] =	stream.indirect.scatter.add.f32 [tilespmem:s21], [sflag:$0x4], $0x80, s8, s19, $0xb8;
	[tilespmem:$0x1D000] =	vst v63  }
0x2b1: {  	_ =	swait.ge [sflag:s25], $0x4000  }
0x2b2: {  	[sflag:s25] =	ssyncset.done $0x0  }
0x2b3: {  	s8 =	simm.s32 $0x500;
	[sflag:s25] =	ssyncadd.s32 $0xFFFFC000  }
0x2b4: {  	[tilespmem:s20], [sflag:$0x1] =	stream.indirect.gather [hbm4b:s1+s19], $0x80, s8, s19, $0xb8;
	[tilespmem:$0x1D000] =	vst v63  }
0x2b5: {  	_ =	swait.ge [sflag:s28], $0x4000  }
0x2b6: {  	[sflag:s28] =	ssyncset.done $0x0  }
0x2b7: {  	s8 =	simm.s32 $0x580;
	[sflag:s28] =	ssyncadd.s32 $0xFFFFC000  }
0x2b8: {  	[tilespmem:s21], [sflag:$0x2] =	stream.indirect.gather [hbm4b:s1+s19], $0x80, s8, s19, $0xb8;
	[tilespmem:$0x1D000] =	vst v63  }
0x2b9: {  	_ =	swait.ge [sflag:s22], $0x4000  }
0x2ba: {  	[sflag:s22] =	ssyncset.done $0x0  }
0x2bb: {  	s8 =	simm.s32 $0xD00;
	[sflag:s22] =	ssyncadd.s32 $0xFFFFC000  }
0x2bc: {  	[spmem:s3] =	stream.indirect.scatter.add.f32 [tilespmem:s20], [sflag:$0x3], $0x80, s8, s19, $0xb8;
	[tilespmem:$0x1D000] =	vst v63  }
0x2bd: {  	_ =	swait.ge [sflag:s23], $0x4000  }
0x2be: {  	[sflag:s23] =	ssyncset.done $0x0  }
0x2bf: {  	s8 =	simm.s32 $0xD80;
	[sflag:s23] =	ssyncadd.s32 $0xFFFFC000  }
0x2c0: {  	[spmem:s3] =	stream.indirect.scatter.add.f32 [tilespmem:s21], [sflag:$0x4], $0x80, s8, s19, $0xb8;
	[tilespmem:$0x1D000] =	vst v63  }
0x2c1: {  	_ =	swait.ge [sflag:s25], $0x4000  }
0x2c2: {  	[sflag:s25] =	ssyncset.done $0x0  }
0x2c3: {  	s8 =	simm.s32 $0x600;
	[sflag:s25] =	ssyncadd.s32 $0xFFFFC000  }
0x2c4: {  	[tilespmem:s20], [sflag:$0x1] =	stream.indirect.gather [hbm4b:s1+s19], $0x80, s8, s19, $0xb8;
	[tilespmem:$0x1D000] =	vst v63  }
0x2c5: {  	_ =	swait.ge [sflag:s28], $0x4000  }
0x2c6: {  	[sflag:s28] =	ssyncset.done $0x0  }
0x2c7: {  	s8 =	simm.s32 $0x680;
	[sflag:s28] =	ssyncadd.s32 $0xFFFFC000  }
0x2c8: {  	[tilespmem:s21], [sflag:$0x2] =	stream.indirect.gather [hbm4b:s1+s19], $0x80, s8, s19, $0xb8;
	[tilespmem:$0x1D000] =	vst v63  }
0x2c9: {  	_ =	swait.ge [sflag:s22], $0x4000  }
0x2ca: {  	[sflag:s22] =	ssyncset.done $0x0  }
0x2cb: {  	s8 =	simm.s32 $0xE00;
	[sflag:s22] =	ssyncadd.s32 $0xFFFFC000  }
0x2cc: {  	[spmem:s3] =	stream.indirect.scatter.add.f32 [tilespmem:s20], [sflag:$0x3], $0x80, s8, s19, $0xb8;
	[tilespmem:$0x1D000] =	vst v63  }
0x2cd: {  	_ =	swait.ge [sflag:s23], $0x4000  }
0x2ce: {  	[sflag:s23] =	ssyncset.done $0x0  }
0x2cf: {  	s8 =	simm.s32 $0xE80;
	[sflag:s23] =	ssyncadd.s32 $0xFFFFC000  }
0x2d0: {  	[spmem:s3] =	stream.indirect.scatter.add.f32 [tilespmem:s21], [sflag:$0x4], $0x80, s8, s19, $0xb8;
	[tilespmem:$0x1D000] =	vst v63  }
0x2d1: {  	_ =	swait.ge [sflag:s25], $0x4000  }
0x2d2: {  	[sflag:s25] =	ssyncset.done $0x0  }
0x2d3: {  	s8 =	simm.s32 $0x700;
	[sflag:s25] =	ssyncadd.s32 $0xFFFFC000  }
0x2d4: {  	[tilespmem:s20], [sflag:$0x1] =	stream.indirect.gather [hbm4b:s1+s19], $0x80, s8, s19, $0xb8;
	[tilespmem:$0x1D000] =	vst v63  }
0x2d5: {  	_ =	swait.ge [sflag:s28], $0x4000  }
0x2d6: {  	[sflag:s28] =	ssyncset.done $0x0  }
0x2d7: {  	s8 =	simm.s32 $0x780;
	[sflag:s28] =	ssyncadd.s32 $0xFFFFC000  }
0x2d8: {  	[tilespmem:s21], [sflag:$0x2] =	stream.indirect.gather [hbm4b:s1+s19], $0x80, s8, s19, $0xb8;
	[tilespmem:$0x1D000] =	vst v63  }
0x2d9: {  	_ =	swait.ge [sflag:s22], $0x4000  }
0x2da: {  	[sflag:s22] =	ssyncset.done $0x0  }
0x2db: {  	s8 =	simm.s32 $0xF00;
	[sflag:s22] =	ssyncadd.s32 $0xFFFFC000  }
0x2dc: {  	[spmem:s3] =	stream.indirect.scatter.add.f32 [tilespmem:s20], [sflag:$0x3], $0x80, s8, s19, $0xb8;
	[tilespmem:$0x1D000] =	vst v63  }
0x2dd: {  	_ =	swait.ge [sflag:s23], $0x4000  }
0x2de: {  	[sflag:s23] =	ssyncset.done $0x0  }
0x2df: {  	s8 =	simm.s32 $0xF80;
	[sflag:s23] =	ssyncadd.s32 $0xFFFFC000  }
0x2e0: {  	[spmem:s3] =	stream.indirect.scatter.add.f32 [tilespmem:s21], [sflag:$0x4], $0x80, s8, s19, $0xb8;
	[tilespmem:$0x1D000] =	vst v63  }
.Ltmp5:
0x2e1: {  	_ =	swait.ge [sflag:s25], $0x4000;
	(pc) =	sbr.rel @!p1 .LBB2_3-.Ltmp5, $4  }
0x2e2: {  	[sflag:s25] =	ssyncset.done $0x0  }
0x2e3: {  	[sflag:s25] =	ssyncadd.s32 $0xFFFFC000  }
0x2e4: {  	_ =	swait.ge [sflag:s28], $0x4000  }
0x2e5: {  	s8 =	smov.u32 s16;
	[sflag:s28] =	ssyncset.done $0x0  }
0x2e6: {  	s8 =	sadd.s32 s15, s10;
	[sflag:s28] =	ssyncadd.s32 $0xFFFFC000  }
0x2e7: {  	[tilespmem:s4], [sflag:$0x5] =	stream.linear.gather [hbm4b:s8+s4], $0x800, $0x38;
	[tilespmem:$0x1D000] =	vst v63  }
0x2e8: {  	_ =	swait.ge [sflag:s17], $0x800  }
0x2e9: {  	[sflag:s17] =	ssyncset.done $0x0  }
0x2ea: {  	s16 =	sadd.s32 s15, s11;
	[sflag:s17] =	ssyncadd.s32 $0xFFFFF800  }
0x2eb: {  	[tilespmem:s18], [sflag:$0x5] =	stream.linear.gather [hbm4b:s16+s4], $0x800, $0x38;
	[tilespmem:$0x1D000] =	vst v63  }
0x2ec: {  	_ =	swait.ge [sflag:s17], $0x800  }
0x2ed: {  	[sflag:s17] =	ssyncset.done $0x0  }
0x2ee: {  	[sflag:s17] =	ssyncadd.s32 $0xFFFFF800  }
0x2ef: {  	[tilespmem:s20], [sflag:$0x1] =	stream.indirect.gather [hbm4b:s1+s19], $0x80, s4, s19, $0xb8;
	[tilespmem:$0x1D000] =	vst v63  }
0x2f0: {  	_ = 	snop  }
0x2f1: {  	[tilespmem:s21], [sflag:$0x2] =	stream.indirect.gather [hbm4b:s1+s19], $0x80, s19, s19, $0xb8;
	[tilespmem:$0x1D000] =	vst v63  }
0x2f2: {  	_ =	swait.ge [sflag:s22], $0x4000  }
0x2f3: {  	[sflag:s22] =	ssyncset.done $0x0  }
0x2f4: {  	[sflag:s22] =	ssyncadd.s32 $0xFFFFC000  }
0x2f5: {  	[spmem:s3] =	stream.indirect.scatter.add.f32 [tilespmem:s20], [sflag:$0x3], $0x80, s18, s19, $0xb8;
	[tilespmem:$0x1D000] =	vst v63  }
0x2f6: {  	_ =	swait.ge [sflag:s23], $0x4000  }
0x2f7: {  	[sflag:s23] =	ssyncset.done $0x0  }
0x2f8: {  	[sflag:s23] =	ssyncadd.s32 $0xFFFFC000  }
0x2f9: {  	[spmem:s3] =	stream.indirect.scatter.add.f32 [tilespmem:s21], [sflag:$0x4], $0x80, s24, s19, $0xb8;
	[tilespmem:$0x1D000] =	vst v63  }
0x2fa: {  	_ =	swait.ge [sflag:s25], $0x4000  }
0x2fb: {  	[sflag:s25] =	ssyncset.done $0x0  }
0x2fc: {  	[sflag:s25] =	ssyncadd.s32 $0xFFFFC000  }
0x2fd: {  	[tilespmem:s20], [sflag:$0x1] =	stream.indirect.gather [hbm4b:s1+s19], $0x80, s26, s19, $0xb8;
	[tilespmem:$0x1D000] =	vst v63  }
0x2fe: {  	_ =	swait.ge [sflag:s28], $0x4000  }
0x2ff: {  	[sflag:s28] =	ssyncset.done $0x0  }
0x300: {  	[sflag:s28] =	ssyncadd.s32 $0xFFFFC000  }
0x301: {  	[tilespmem:s21], [sflag:$0x2] =	stream.indirect.gather [hbm4b:s1+s19], $0x80, s29, s19, $0xb8;
	[tilespmem:$0x1D000] =	vst v63  }
0x302: {  	_ =	swait.ge [sflag:s22], $0x4000  }
0x303: {  	[sflag:s22] =	ssyncset.done $0x0  }
0x304: {  	[sflag:s22] =	ssyncadd.s32 $0xFFFFC000  }
0x305: {  	[spmem:s3] =	stream.indirect.scatter.add.f32 [tilespmem:s20], [sflag:$0x3], $0x80, s30, s19, $0xb8;
	[tilespmem:$0x1D000] =	vst v63  }
0x306: {  	_ =	swait.ge [sflag:s23], $0x4000  }
0x307: {  	[sflag:s23] =	ssyncset.done $0x0  }
0x308: {  	[sflag:s23] =	ssyncadd.s32 $0xFFFFC000  }
0x309: {  	[spmem:s3] =	stream.indirect.scatter.add.f32 [tilespmem:s21], [sflag:$0x4], $0x80, s31, s19, $0xb8;
	[tilespmem:$0x1D000] =	vst v63  }
0x30a: {  	_ =	swait.ge [sflag:s25], $0x4000  }
0x30b: {  	[sflag:s25] =	ssyncset.done $0x0  }
0x30c: {  	[sflag:s25] =	ssyncadd.s32 $0xFFFFC000  }
0x30d: {  	[tilespmem:s20], [sflag:$0x1] =	stream.indirect.gather [hbm4b:s1+s19], $0x80, s0, s19, $0xb8;
	[tilespmem:$0x1D000] =	vst v63  }
0x30e: {  	_ =	swait.ge [sflag:s28], $0x4000  }
0x30f: {  	[sflag:s28] =	ssyncset.done $0x0  }
0x310: {  	[sflag:s28] =	ssyncadd.s32 $0xFFFFC000  }
0x311: {  	[tilespmem:s21], [sflag:$0x2] =	stream.indirect.gather [hbm4b:s1+s19], $0x80, s2, s19, $0xb8;
	[tilespmem:$0x1D000] =	vst v63  }
0x312: {  	_ =	swait.ge [sflag:s22], $0x4000  }
0x313: {  	[sflag:s22] =	ssyncset.done $0x0  }
0x314: {  	[sflag:s22] =	ssyncadd.s32 $0xFFFFC000  }
0x315: {  	[spmem:s3] =	stream.indirect.scatter.add.f32 [tilespmem:s20], [sflag:$0x3], $0x80, s9, s19, $0xb8;
	[tilespmem:$0x1D000] =	vst v63  }
0x316: {  	_ =	swait.ge [sflag:s23], $0x4000  }
0x317: {  	[sflag:s23] =	ssyncset.done $0x0  }
0x318: {  	[sflag:s23] =	ssyncadd.s32 $0xFFFFC000  }
0x319: {  	[spmem:s3] =	stream.indirect.scatter.add.f32 [tilespmem:s21], [sflag:$0x4], $0x80, s6, s19, $0xb8;
	[tilespmem:$0x1D000] =	vst v63  }
0x31a: {  	_ =	swait.ge [sflag:s25], $0x4000  }
0x31b: {  	[sflag:s25] =	ssyncset.done $0x0  }
0x31c: {  	[sflag:s25] =	ssyncadd.s32 $0xFFFFC000  }
0x31d: {  	[tilespmem:s20], [sflag:$0x1] =	stream.indirect.gather [hbm4b:s1+s19], $0x80, s12, s19, $0xb8;
	[tilespmem:$0x1D000] =	vst v63  }
0x31e: {  	_ =	swait.ge [sflag:s28], $0x4000  }
0x31f: {  	[sflag:s28] =	ssyncset.done $0x0  }
0x320: {  	[sflag:s28] =	ssyncadd.s32 $0xFFFFC000  }
0x321: {  	[tilespmem:s21], [sflag:$0x2] =	stream.indirect.gather [hbm4b:s1+s19], $0x80, s7, s19, $0xb8;
	[tilespmem:$0x1D000] =	vst v63  }
0x322: {  	_ =	swait.ge [sflag:s22], $0x4000  }
0x323: {  	[sflag:s22] =	ssyncset.done $0x0  }
0x324: {  	[sflag:s22] =	ssyncadd.s32 $0xFFFFC000  }
0x325: {  	[spmem:s3] =	stream.indirect.scatter.add.f32 [tilespmem:s20], [sflag:$0x3], $0x80, s13, s19, $0xb8;
	[tilespmem:$0x1D000] =	vst v63  }
0x326: {  	_ =	swait.ge [sflag:s23], $0x4000  }
0x327: {  	[sflag:s23] =	ssyncset.done $0x0  }
0x328: {  	[sflag:s23] =	ssyncadd.s32 $0xFFFFC000  }
0x329: {  	[spmem:s3] =	stream.indirect.scatter.add.f32 [tilespmem:s21], [sflag:$0x4], $0x80, s14, s19, $0xb8;
	[tilespmem:$0x1D000] =	vst v63  }
0x32a: {  	_ =	swait.ge [sflag:s25], $0x4000  }
0x32b: {  	[sflag:s25] =	ssyncset.done $0x0  }
0x32c: {  	s9 =	simm.s32 $0x400;
	[sflag:s25] =	ssyncadd.s32 $0xFFFFC000  }
0x32d: {  	[tilespmem:s20], [sflag:$0x1] =	stream.indirect.gather [hbm4b:s1+s19], $0x80, s9, s19, $0xb8;
	[tilespmem:$0x1D000] =	vst v63  }
0x32e: {  	_ =	swait.ge [sflag:s28], $0x4000  }
0x32f: {  	[sflag:s28] =	ssyncset.done $0x0  }
0x330: {  	s12 =	simm.s32 $0x480;
	[sflag:s28] =	ssyncadd.s32 $0xFFFFC000  }
0x331: {  	[tilespmem:s21], [sflag:$0x2] =	stream.indirect.gather [hbm4b:s1+s19], $0x80, s12, s19, $0xb8;
	[tilespmem:$0x1D000] =	vst v63  }
0x332: {  	_ =	swait.ge [sflag:s22], $0x4000  }
0x333: {  	[sflag:s22] =	ssyncset.done $0x0  }
0x334: {  	s13 =	simm.s32 $0xC00;
	[sflag:s22] =	ssyncadd.s32 $0xFFFFC000  }
0x335: {  	[spmem:s3] =	stream.indirect.scatter.add.f32 [tilespmem:s20], [sflag:$0x3], $0x80, s13, s19, $0xb8;
	[tilespmem:$0x1D000] =	vst v63  }
0x336: {  	_ =	swait.ge [sflag:s23], $0x4000  }
0x337: {  	[sflag:s23] =	ssyncset.done $0x0  }
0x338: {  	s14 =	simm.s32 $0xC80;
	[sflag:s23] =	ssyncadd.s32 $0xFFFFC000  }
0x339: {  	[spmem:s3] =	stream.indirect.scatter.add.f32 [tilespmem:s21], [sflag:$0x4], $0x80, s14, s19, $0xb8;
	[tilespmem:$0x1D000] =	vst v63  }
0x33a: {  	_ =	swait.ge [sflag:s25], $0x4000  }
0x33b: {  	[sflag:s25] =	ssyncset.done $0x0  }
0x33c: {  	s15 =	simm.s32 $0x500;
	[sflag:s25] =	ssyncadd.s32 $0xFFFFC000  }
0x33d: {  	[tilespmem:s20], [sflag:$0x1] =	stream.indirect.gather [hbm4b:s1+s19], $0x80, s15, s19, $0xb8;
	[tilespmem:$0x1D000] =	vst v63  }
0x33e: {  	_ =	swait.ge [sflag:s28], $0x4000  }
0x33f: {  	[sflag:s28] =	ssyncset.done $0x0  }
0x340: {  	s16 =	simm.s32 $0x580;
	[sflag:s28] =	ssyncadd.s32 $0xFFFFC000  }
0x341: {  	[tilespmem:s21], [sflag:$0x2] =	stream.indirect.gather [hbm4b:s1+s19], $0x80, s16, s19, $0xb8;
	[tilespmem:$0x1D000] =	vst v63  }
0x342: {  	_ =	swait.ge [sflag:s22], $0x4000  }
0x343: {  	[sflag:s22] =	ssyncset.done $0x0  }
0x344: {  	s2 =	simm.s32 $0xD00;
	[sflag:s22] =	ssyncadd.s32 $0xFFFFC000  }
0x345: {  	[spmem:s3] =	stream.indirect.scatter.add.f32 [tilespmem:s20], [sflag:$0x3], $0x80, s2, s19, $0xb8;
	[tilespmem:$0x1D000] =	vst v63  }
0x346: {  	_ =	swait.ge [sflag:s23], $0x4000  }
0x347: {  	[sflag:s23] =	ssyncset.done $0x0  }
0x348: {  	s6 =	simm.s32 $0xD80;
	[sflag:s23] =	ssyncadd.s32 $0xFFFFC000  }
0x349: {  	[spmem:s3] =	stream.indirect.scatter.add.f32 [tilespmem:s21], [sflag:$0x4], $0x80, s6, s19, $0xb8;
	[tilespmem:$0x1D000] =	vst v63  }
0x34a: {  	_ =	swait.ge [sflag:s25], $0x4000  }
0x34b: {  	[sflag:s25] =	ssyncset.done $0x0  }
0x34c: {  	s7 =	simm.s32 $0x600;
	[sflag:s25] =	ssyncadd.s32 $0xFFFFC000  }
0x34d: {  	[tilespmem:s20], [sflag:$0x1] =	stream.indirect.gather [hbm4b:s1+s19], $0x80, s7, s19, $0xb8;
	[tilespmem:$0x1D000] =	vst v63  }
0x34e: {  	_ =	swait.ge [sflag:s28], $0x4000  }
0x34f: {  	[sflag:s28] =	ssyncset.done $0x0  }
0x350: {  	s8 =	simm.s32 $0x680;
	[sflag:s28] =	ssyncadd.s32 $0xFFFFC000  }
0x351: {  	[tilespmem:s21], [sflag:$0x2] =	stream.indirect.gather [hbm4b:s1+s19], $0x80, s8, s19, $0xb8;
	[tilespmem:$0x1D000] =	vst v63  }
0x352: {  	_ =	swait.ge [sflag:s22], $0x4000  }
0x353: {  	[sflag:s22] =	ssyncset.done $0x0  }
0x354: {  	s9 =	simm.s32 $0xE00;
	[sflag:s22] =	ssyncadd.s32 $0xFFFFC000  }
0x355: {  	[spmem:s3] =	stream.indirect.scatter.add.f32 [tilespmem:s20], [sflag:$0x3], $0x80, s9, s19, $0xb8;
	[tilespmem:$0x1D000] =	vst v63  }
0x356: {  	_ =	swait.ge [sflag:s23], $0x4000  }
0x357: {  	[sflag:s23] =	ssyncset.done $0x0  }
0x358: {  	s12 =	simm.s32 $0xE80;
	[sflag:s23] =	ssyncadd.s32 $0xFFFFC000  }
0x359: {  	[spmem:s3] =	stream.indirect.scatter.add.f32 [tilespmem:s21], [sflag:$0x4], $0x80, s12, s19, $0xb8;
	[tilespmem:$0x1D000] =	vst v63  }
0x35a: {  	_ =	swait.ge [sflag:s25], $0x4000  }
0x35b: {  	[sflag:s25] =	ssyncset.done $0x0  }
0x35c: {  	s13 =	simm.s32 $0x700;
	[sflag:s25] =	ssyncadd.s32 $0xFFFFC000  }
0x35d: {  	[tilespmem:s20], [sflag:$0x1] =	stream.indirect.gather [hbm4b:s1+s19], $0x80, s13, s19, $0xb8;
	[tilespmem:$0x1D000] =	vst v63  }
0x35e: {  	_ =	swait.ge [sflag:s28], $0x4000  }
0x35f: {  	[sflag:s28] =	ssyncset.done $0x0  }
0x360: {  	s14 =	simm.s32 $0x780;
	[sflag:s28] =	ssyncadd.s32 $0xFFFFC000  }
0x361: {  	[tilespmem:s21], [sflag:$0x2] =	stream.indirect.gather [hbm4b:s1+s19], $0x80, s14, s19, $0xb8;
	[tilespmem:$0x1D000] =	vst v63  }
0x362: {  	_ =	swait.ge [sflag:s22], $0x4000  }
0x363: {  	[sflag:s22] =	ssyncset.done $0x0  }
0x364: {  	s15 =	simm.s32 $0xF00;
	[sflag:s22] =	ssyncadd.s32 $0xFFFFC000  }
0x365: {  	[spmem:s3] =	stream.indirect.scatter.add.f32 [tilespmem:s20], [sflag:$0x3], $0x80, s15, s19, $0xb8;
	[tilespmem:$0x1D000] =	vst v63  }
0x366: {  	_ =	swait.ge [sflag:s23], $0x4000  }
0x367: {  	[sflag:s23] =	ssyncset.done $0x0  }
0x368: {  	s16 =	simm.s32 $0xF80;
	[sflag:s23] =	ssyncadd.s32 $0xFFFFC000  }
0x369: {  	[spmem:s3] =	stream.indirect.scatter.add.f32 [tilespmem:s21], [sflag:$0x4], $0x80, s16, s19, $0xb8;
	[tilespmem:$0x1D000] =	vst v63  }
0x36a: {  	_ =	swait.ge [sflag:s25], $0x4000  }
0x36b: {  	s29 =	simm.s32 $0x900;
	s30 =	simm.s32 $0x980;
	[sflag:s25] =	ssyncset.done $0x0  }
.Ltmp6:
0x36c: {  	s0 =	simm.s32 $0x200;
	[sflag:s25] =	ssyncadd.s32 $0xFFFFC000;
	(pc) =	sbr.rel .LBB2_8-.Ltmp6, $4  }
0x36d: {  	s2 =	simm.s32 $0x280;
	s6 =	simm.s32 $0xA80;
	_ =	swait.ge [sflag:s28], $0x4000  }
0x36e: {  	s7 =	simm.s32 $0x380;
	s9 =	simm.s32 $0xA00;
	s8 =	rddreg [dreg:$0x4]  }
0x36f: {  	s12 =	simm.s32 $0x300;
	[sflag:s28] =	ssyncset.done $0x0;
	s31 =	rddreg [dreg:$0xd]  }
0x370: {  	s13 =	simm.s32 $0xB00;
	s14 =	rddreg [dreg:$0xe];
	[sflag:s28] =	ssyncadd.s32 $0xFFFFC000  }
.LBB2_9:
0x371: {  	_ =	sfence.sel $0x180000  }
0x372: {  	[bflag:$0x0] =	sbarrier.arrive $0xFFFF  }
0x373: {  	_ =	strace $0x9000004A  }
0x374: {  	s0 =	stileid.u32;
	[bflag:$0x2] =	sbarrier.arrive $0xFFFF  }
0x375: {  	p0 =	sne.s32 s0, $0x0;
	s0 =	rddreg [dreg:$0x3]  }
0x376: {  	s0 =	sadd.s32 @!p0 $0x100000, s0  }
0x377: {  	[sflag:s0] =	ssyncadd.tile.s32 @!p0 $0x1;
	_ =	shalt  }
.Lfunc_end2:
_tile_overlayer_lowered:
.L_overlay_start_2:
0x378: {  	(tag) =	ssettag $0x2  }
0x379: {  	s0 =	rddreg [dreg:$0x0];
	s2 =	stileid.u32  }
0x37a: {  	s1 =	rddreg [dreg:$0x1];
	p0 =	sne.s32 s2, $0x0  }
0x37b: {  	s3 =	rddreg [dreg:$0x2];
	[bflag:$0x3] =	sbarrier.arrive $0xFFFF;
	s2 =	simm.s32 @!p0 $0x1C05  }
0x37c: {  	[timem:s3], [sflag:s2] =	dma.local @!p0 [hbm:s0], s1  }
0x37d: {  	s0 =	simm.s32 @!p0 $0x5  }
0x37e: {  	_ =	swait.ge @!p0 [sflag:s0], s1  }
0x37f: {  	s1 =	ssub.s32 @!p0 $0x0, s1;
	[sflag:s0] =	ssyncset.done @!p0 $0x0  }
0x380: {  	[sflag:s0] =	ssyncadd.s32 @!p0 s1  }
0x381: {  	[bflag:$0x3] =	sbarrier.arrive $0xFFFF  }
0x382: {  	_ =	shalt  }

// kernel: kernel.14.cloned.1.call-start
scs
__scs_entry_jumppad:
0x0: {  	(pc) =	sbr.rel $0x88, $3  }
0x1: {  	(tag) =	ssettag $0x0;
	lr =	simm.s32 $0x1  }
0x2: {  	[smem:$0x3F9A] =	sst lr;
	_ =	strace $0xD0000000  }
0x3: {  	_ = 	snop  }
0x4: {  	_ = 	snop  }
0x5: {  	_ = 	snop  }
0x6: {  	_ = 	snop  }
0x7: {  	_ = 	snop  }
__scs_overlays_trampoline_lowered:
0x8: {  	[smem:$0x3FA9] =	sst s0  }
0x9: {  	[smem:$0x3FAA] =	sst s1  }
0xa: {  	[smem:$0x3FAB] =	sst s2  }
0xb: {  	[smem:$0x3FAC] =	sst s3  }
0xc: {  	[smem:$0x3FAD] =	sst s4  }
0xd: {  	[smem:$0x3FAE] =	sst s5  }
0xe: {  	[smem:$0x3FAF] =	sst s6  }
0xf: {  	[smem:$0x3FB0] =	sst s7  }
0x10: {  	[smem:$0x3FB1] =	sst s8  }
0x11: {  	[smem:$0x3FB2] =	sst s9;
	s0 =	simm.s32 @!p0 $0x0  }
0x12: {  	s1 =	sld [smem:$0x3F98];
	s0 =	simm.s32 @p0 $0x1  }
0x13: {  	[smem:$0x3FB3] =	sst s0;
	s0 =	simm.s32 @!p1 $0x0  }
0x14: {  	s2 =	sld [smem:$0x3F97];
	s0 =	simm.s32 @p1 $0x1  }
0x15: {  	[smem:$0x3FB4] =	sst s0;
	s0 =	simm.s32 @!p2 $0x0  }
0x16: {  	s3 =	sld [smem:$0x3FDB];
	s0 =	simm.s32 @p2 $0x1  }
0x17: {  	s4 =	simm.s32 $0x1BF5;
	[smem:$0x3FB6] =	sst s0  }
0x18: {  	s0 =	sld [smem:$0x3F99];
	_ =	swait.ge [sflag:s4], $0x0  }
0x19: {  	s7 =	sld [smem:$0x3F9A]  }
0x1a: {  	s8 =	sadd.s32 $0xFFFFE003, lr  }
0x1b: {  	s9 =	sadd.s32 $0xFFFFFEF7, lr;
	s5 =	simm.s32 $0xFFFFFFFF;
	p2 =	slt.u32 s8, $0xFFFFF086  }
0x1c: {  	p1 =	slt.u32 s9, $0xF7A;
	s5 =	simm.s32 @!p2 $0x0  }
0x1d: {  	s5 =	simm.s32 @p1 $0x1;
	p0 =	seq.s32 s7, s2  }
0x1e: {  	s7 =	smul.u32 @!p0 $0xF7A, s2;
	p2 =	seq.s32 @!p0 s5, $0x0  }
0x1f: {  	s9 =	smul.u32 $0xF7A, s1;
	s8 =	simm.s32 @!p0 $0x1BF5;
	p2 =	por !p2, p0  }
0x20: {  	[sflag:s8] =	ssyncset.s32 @!p0 $0xFFFFF086;
	s6 =	sadd.s32 @!p0 s3, s7;
	s7 =	simm.s32 @!p0 $0x108  }
0x21: {  	s3 =	sadd.s32 s3, s9;
	s6 =	sadd.s32 @!p0 $0x88, s6;
	s7 =	simm.s32 @p2 $0x1082  }
0x22: {  	[simem:s7], [sflag:s8] =	dma.local @!p0 [hbm:s6], $0xF7A  }
0x23: {  	s9 =	sor.u32 $0xD0000000, s2;
	s6 =	simm.s32 $0x108;
	_ =	swait.ge @!p0 [sflag:s8], $0x0  }
0x24: {  	s3 =	sadd.s32 $0x88, s3;
	s6 =	simm.s32 @!p1 $0x1082;
	[sflag:s4] =	ssyncset.s32 $0xFFFFF086  }
0x25: {  	[simem:s6], [sflag:s4] =	dma.local [hbm:s3], $0xF7A  }
0x26: {  	[smem:$0x3F9A] =	sst s1;
	(tag) =	ssettag s2;
	_ =	strace s9  }
0x27: {  	s1 =	sld [smem:$0x3FAA]  }
0x28: {  	s2 =	sld [smem:$0x3FAB]  }
0x29: {  	s4 =	sld [smem:$0x3FAD]  }
0x2a: {  	p0 =	seq.s32 s5, $0x0;
	s5 =	sld [smem:$0x3FAE]  }
0x2b: {  	s6 =	sld [smem:$0x3FAF]  }
0x2c: {  	s7 =	sld [smem:$0x3FB0]  }
0x2d: {  	s3 =	simm.s32 $0x108;
	s8 =	sld [smem:$0x3FB1]  }
0x2e: {  	s3 =	simm.s32 @!p0 $0x1082;
	s9 =	sld [smem:$0x3FB2]  }
0x2f: {  	lr =	sadd.s32 s0, s3;
	s0 =	sld [smem:$0x3FA9]  }
0x30: {  	s3 =	sld [smem:$0x3FAC]  }
0x31: {  	[smem:$0x3FB5] =	sst s10  }
0x32: {  	s10 =	sld [smem:$0x3FB3];
	_ =	sdelay $0x3  }
0x33: {  	p0 =	seq.s32 s10, $0x1;
	s10 =	sld [smem:$0x3FB5];
	_ =	sdelay $0x3  }
0x34: {  	[smem:$0x3FB5] =	sst s10  }
0x35: {  	s10 =	sld [smem:$0x3FB4];
	_ =	sdelay $0x3  }
0x36: {  	p1 =	seq.s32 s10, $0x1;
	s10 =	sld [smem:$0x3FB5];
	_ =	sdelay $0x3  }
0x37: {  	[smem:$0x3FB5] =	sst s10  }
0x38: {  	s10 =	sld [smem:$0x3FB6]  }
0x39: {  	_ = 	snop;
	(pc) =	sbr.ind lr, $3  }
0x3a: {  	_ = 	snop  }
0x3b: {  	_ = 	snop  }
0x3c: {  	p2 =	seq.s32 s10, $0x1;
	s10 =	sld [smem:$0x3FB5]  }
0x3d: {  	_ =	shalt  }
0x3e: {  	_ =	shalt  }
0x3f: {  	_ =	shalt  }
0x40: {  	_ =	shalt  }
0x41: {  	_ =	shalt  }
0x42: {  	_ =	shalt  }
0x43: {  	_ =	shalt  }
0x44: {  	_ =	shalt  }
0x45: {  	_ =	shalt  }
0x46: {  	_ =	shalt  }
0x47: {  	_ =	shalt  }
0x48: {  	_ =	shalt  }
0x49: {  	_ =	shalt  }
0x4a: {  	_ =	shalt  }
0x4b: {  	_ =	shalt  }
0x4c: {  	_ =	shalt  }
0x4d: {  	_ =	shalt  }
0x4e: {  	_ =	shalt  }
0x4f: {  	_ =	shalt  }
0x50: {  	_ =	shalt  }
0x51: {  	_ =	shalt  }
0x52: {  	_ =	shalt  }
0x53: {  	_ =	shalt  }
0x54: {  	_ =	shalt  }
0x55: {  	_ =	shalt  }
0x56: {  	_ =	shalt  }
0x57: {  	_ =	shalt  }
0x58: {  	_ =	shalt  }
0x59: {  	_ =	shalt  }
0x5a: {  	_ =	shalt  }
0x5b: {  	_ =	shalt  }
0x5c: {  	_ =	shalt  }
0x5d: {  	_ =	shalt  }
0x5e: {  	_ =	shalt  }
0x5f: {  	_ =	shalt  }
0x60: {  	_ =	shalt  }
0x61: {  	_ =	shalt  }
0x62: {  	_ =	shalt  }
0x63: {  	_ =	shalt  }
0x64: {  	_ =	shalt  }
0x65: {  	_ =	shalt  }
0x66: {  	_ =	shalt  }
0x67: {  	_ =	shalt  }
0x68: {  	_ =	shalt  }
0x69: {  	_ =	shalt  }
0x6a: {  	_ =	shalt  }
0x6b: {  	_ =	shalt  }
0x6c: {  	_ =	shalt  }
0x6d: {  	_ =	shalt  }
0x6e: {  	_ =	shalt  }
0x6f: {  	_ =	shalt  }
0x70: {  	_ =	shalt  }
0x71: {  	_ =	shalt  }
0x72: {  	_ =	shalt  }
0x73: {  	_ =	shalt  }
0x74: {  	_ =	shalt  }
0x75: {  	_ =	shalt  }
0x76: {  	_ =	shalt  }
0x77: {  	_ =	shalt  }
0x78: {  	_ =	shalt  }
0x79: {  	_ =	shalt  }
0x7a: {  	_ =	shalt  }
0x7b: {  	_ =	shalt  }
0x7c: {  	_ =	shalt  }
0x7d: {  	_ =	shalt  }
0x7e: {  	_ =	shalt  }
0x7f: {  	_ =	shalt  }
0x80: {  	_ =	shalt  }
0x81: {  	_ =	shalt  }
0x82: {  	_ =	shalt  }
0x83: {  	_ =	shalt  }
0x84: {  	_ =	shalt  }
0x85: {  	_ =	shalt  }
0x86: {  	_ =	shalt  }
0x87: {  	_ =	shalt  }
.Lfunc_end0:
.L_simem_size_0:
called_computation.2_lowered:
.L_overlay_start_0:
0x88: {  	s2 =	sld [smem:$0x3FD9]  }
0x89: {  	s3 =	sld [smem:$0x3FFE];
	_ =	sdelay $0x1  }
0x8a: {  	s1 =	srdreg.scid  }
0x8b: {  	s0 =	sand.u32 $0x1, s1  }
0x8c: {  	s16 =	sshll.u32 s0, $0xA;
	s2 =	sadd.s32 s3, s2  }
0x8d: {  	s2 =	sadd.s32 s2, s16  }
0x8e: {  	[smem:$0x3FC1] =	sst s2  }
0x8f: {  	_ = 	snop  }
0x90: {  	(tm) =	ssettm $0x1  }
0x91: {  	s17 =	sld [smem:$0x3FFB];
	_ =	sdelay $0x3  }
0x92: {  	_ =	strace s17  }
0x93: {  	s2 =	sld [smem:$0x3FFC];
	_ =	sdelay $0x3  }
0x94: {  	_ =	strace s2  }
0x95: {  	s2 =	sld [smem:$0x3FFD];
	_ =	sdelay $0x3  }
0x96: {  	_ =	strace s2  }
0x97: {  	_ =	strace $0x8FFFFFFF  }
0x98: {  	s18 =	sld [smem:$0x3FDB];
	_ =	sdelay $0x1  }
0x99: {  	s19 =	simm.s32 $_scs_section_size  }
0x9a: {  	s4 =	simm.s32 $_size__tile_overlayer_lowered;
	s5 =	simm.s32 $_tile_overlayer_lowered  }
0x9b: {  	s22 =	simm.s32 $0x1BFF;
	s21 =	sshll.u32 s5, $0x1;
	s2 =	sadd.s32 s19, s18  }
0x9c: {  	s6 =	simm.s32 $0x0;
	s20 =	sshll.u32 s4, $0x1;
	s4 =	sadd.s32 s21, s2  }
0x9d: {  	[timem:s6], [sflag:s22] =	dma.local [hbm:s4], s20  }
0x9e: {  	_ =	swait.ge [sflag:s22], s20  }
0x9f: {  	s3 =	ssub.s32 $0x0, s20;
	[sflag:s22] =	ssyncset.done $0x0  }
0xa0: {  	[sflag:s22] =	ssyncadd.s32 s3;
	_ =	sdelay $0x1  }
0xa1: {  	s23 =	simm.s32 $0x1B8B  }
0xa2: {  	_ =	swait.ge [sflag:s23], $0x1  }
0xa3: {  	[sflag:s23] =	ssyncset.done $0x0  }
0xa4: {  	s25 =	simm.s32 $0x1B8E;
	s24 =	sld [smem:$0x3FFE];
	[sflag:s23] =	ssyncadd.s32 $0xFFFFFFFF  }
0xa5: {  	s26 =	simm.s32 $execute0_lowered;
	[smem:$0x3FD2] =	sst s25  }
0xa6: {  	s4 =	sshll.u32 s26, $0x1;
	_ =	strace $0x8000004C;
	[dreg:$0x1] =	wrdreg $0xFFFFFFFF  }
0xa7: {  	s28 =	simm.s32 $_size_execute0_lowered;
	s2 =	sadd.s32 s2, s4;
	[dreg:$0x0] =	wrdreg $0x0  }
0xa8: {  	s4 =	sshll.u32 s28, $0x1;
	[dreg:$0x2] =	wrdreg s2  }
0xa9: {  	[dreg:$0x3] =	wrdreg s4  }
0xaa: {  	[dreg:$0x4] =	wrdreg $0xC0  }
0xab: {  	_ =	task [dreg:s6], $0x5FFFF  }
0xac: {  	[dreg:$0x1] =	wrdreg $0xFFFFFFFF  }
0xad: {  	[dreg:$0x0] =	wrdreg $0x60  }
0xae: {  	[dreg:$0x2] =	wrdreg s24  }
0xaf: {  	[dreg:$0x3] =	wrdreg $0x90000  }
0xb0: {  	[dreg:$0x4] =	wrdreg $0x9  }
0xb1: {  	_ =	task.clear_ibuf [dreg:s6], $0x5FFFF;
	_ =	strace $0x9000004C  }
0xb2: {  	s29 =	simm.s32 $0x9;
	_ =	strace $0x8000004E  }
0xb3: {  	_ =	swait.ge [sflag:s29], $0x1  }
0xb4: {  	[sflag:s29] =	ssyncadd.s32 $0xFFFFFFFF  }
0xb5: {  	_ =	strace $0x9000004E  }
0xb6: {  	_ =	sfence  }
0xb7: {  	s30 =	sld [smem:$0x0];
	_ =	sdelay $0x2  }
0xb8: {  	s31 =	sshll.u32 s1, $0xD;
	s1 =	sshrl.u32 s1, $0x2  }
0xb9: {  	s3 =	sand.u32 $0x4000, s31;
	s1 =	sadd.s32 s1, s30  }
0xba: {  	s0 =	sor.u32 s3, s0;
	s1 =	sshll.u32 s1, $0x11  }
0xbb: {  	s0 =	sor.u32 s1, s0  }
0xbc: {  	s0 =	sadd.s32 $0x8F2B, s0  }
0xbd: {  	[sflag:s0] =	ssyncadd.remote.s32 $0x1  }
0xbe: {  	_ =	sfence.sel $0xFFFF  }
0xbf: {  	[dreg:$0x0] =	wrdreg $0xFFFFFFFF;
	(pc) =	sbr.abs _section_cstart, $3  }
0xc0: {  	[dreg:$0x1] =	wrdreg $0xFFFFFFFF  }
0xc1: {  	_ =	task.clear_ibuf [dreg:s6], $0x2FFFF;
	_ =	strace $0x9FFFFFFF  }
0xc2: {  	(tm) =	ssettm $0x7FFFFFFF  }
0xc3: {  	_ =	shalt  }
tec
execute0_lowered:
.L_overlay_start_1:
0x0: {  	(tag) =	ssettag $0x1  }
0x1: {  	s0 =	rddreg [dreg:$0x0]  }
0x2: {  	s2 =	rddreg [dreg:$0x1];
	s3 =	simm.s32 $0x0;
	s10 =	stileid.u32  }
0x3: {  	s4 =	srdreg.scid;
	s13 =	simm.s32 $0x880;
	s14 =	simm.s32 $0x100  }
0x4: {  	s15 =	simm.s32 $0x180;
	s16 =	simm.s32 $0x900;
	s17 =	simm.s32 $0x980  }
0x5: {  	s18 =	simm.s32 $0x200;
	s19 =	simm.s32 $0x280;
	s20 =	simm.s32 $0xA00  }
0x6: {  	s21 =	simm.s32 $0xA80;
	s22 =	simm.s32 $0x300;
	[smem:$0x7FF] =	sst s3  }
0x7: {  	s23 =	simm.s32 $0x380;
	_ =	strace $0x8000004D;
	[dreg:$0x5] =	wrdreg s13  }
0x8: {  	s28 =	simm.s32 $0x680;
	s29 =	simm.s32 $0xE00;
	[dreg:$0x6] =	wrdreg s14  }
0x9: {  	s30 =	simm.s32 $0xE80;
	s31 =	simm.s32 $0x700;
	[dreg:$0x7] =	wrdreg s15  }
0xa: {  	s1 =	smul.u32 $0xA00, s10;
	s5 =	sand.u32 $0x1, s4;
	[dreg:$0x8] =	wrdreg s16  }
0xb: {  	s6 =	smul.u32 $0x50000, s10;
	s4 =	sadd.s32 $0xE000, s0;
	[dreg:$0x9] =	wrdreg s17  }
0xc: {  	s9 =	smul.u32 $0x2800, s10;
	s10 =	sshll.u32 s10, $0x6;
	[dreg:$0xa] =	wrdreg s18  }
0xd: {  	s7 =	ssub.s32 $0x2, s5;
	s24 =	smul.u32 $0x500, s5;
	[dreg:$0xb] =	wrdreg s19  }
0xe: {  	s12 =	sor.u32 $0x1C05, s10;
	p0 =	seq.s32 s5, $0x1;
	[dreg:$0xc] =	wrdreg s20  }
0xf: {  	s5 =	simm.s32 $0x68000;
	s10 =	simm.s32 $0x5;
	[dreg:$0xd] =	wrdreg s21  }
0x10: {  	s13 =	simm.s32 $0x1000;
	s14 =	simm.s32 $0x5000;
	[dreg:$0xe] =	wrdreg s22  }
0x11: {  	s15 =	simm.s32 $0x1;
	[dreg:$0xf] =	wrdreg s23;
	s16 =	simm.s32 $0x2  }
0x12: {  	s17 =	simm.s32 $0x3;
	s18 =	simm.s32 $0x4;
	s19 =	simm.s32 $0x480  }
0x13: {  	s20 =	simm.s32 $0xC00;
	s21 =	simm.s32 $0xC80;
	s22 =	simm.s32 $0x500  }
0x14: {  	s23 =	simm.s32 $0x580;
	s1 =	sadd.s32 s1, s0;
	s8 =	sshrl.u32 s7, $0x1  }
0x15: {  	s6 =	sshrl.u32 s6, $0x2;
	s11 =	sadd.s32 s4, s9;
	s5 =	simm.s32 @!p0 $0x40000  }
0x16: {  	s7 =	ssub.s32 s7, s8;
	s6 =	sadd.s32 s6, s2;
	s25 =	sadd.s32 $0x36000, s1  }
0x17: {  	[dreg:$0x13] =	wrdreg s11;
	s1 =	sadd.s32 $0x4000, s1;
	s26 =	sadd.s32 s25, s24  }
0x18: {  	s0 =	sadd.s32 s5, s0;
	s11 =	smax.u32 s7, $0x1;
	[dreg:$0x3] =	wrdreg s26  }
0x19: {  	s5 =	simm.s32 $0xF80;
	s1 =	sadd.s32 s1, s24;
	[dreg:$0x15] =	wrdreg s11  }
0x1a: {  	s7 =	smov.u32 s12;
	s0 =	sadd.s32 s0, s9;
	[dreg:$0x4] =	wrdreg s1  }
0x1b: {  	s8 =	sshrl.u32 s6, $0x3;
	s24 =	simm.s32 $0xB00;
	[dreg:$0x16] =	wrdreg s0  }
0x1c: {  	s12 =	simm.s32 $0x80;
	s25 =	simm.s32 $0xB80;
	[dreg:$0x10] =	wrdreg s24  }
0x1d: {  	s9 =	simm.s32 $0x0;
	s11 =	simm.s32 $0x800;
	[dreg:$0x11] =	wrdreg s25  }
0x1e: {  	s26 =	simm.s32 $0x400;
	s24 =	simm.s32 $0xD00;
	[dreg:$0x14] =	wrdreg s7  }
0x1f: {  	s25 =	simm.s32 $0xD80;
	s0 =	simm.s32 $0x780;
	[dreg:$0x17] =	wrdreg s8  }
0x20: {  	s1 =	simm.s32 $0xF00;
	[dreg:$0x12] =	wrdreg s26;
	s26 =	simm.s32 $0x600  }
.LBB2_1:
0x21: {  	[dreg:$0x18] =	wrdreg s9  }
0x22: {  	s6 =	rddreg [dreg:$0x13]  }
0x23: {  	[spmem:s8], [sflag:s7] =	dma.local [hbm:s6], $0x2800  }
0x24: {  	_ =	swait.ge [sflag:s10], $0x2800  }
0x25: {  	[sflag:s10] =	ssyncset.done $0x0  }
0x26: {  	[sflag:s10] =	ssyncadd.s32 $0xFFFFD800  }
0x27: {  	[bflag:$0x0] =	sbarrier.arrive $0xFFFF  }
0x28: {  	s9 =	rddreg [dreg:$0x3]  }
0x29: {  	s6 =	sadd.s32 $0x0, s9  }
0x2a: {  	[tilespmem:s3], [sflag:$0x5] =	stream.linear.gather [hbm4b:s6+s3], $0x800, $0x38;
	[tilespmem:$0x1D000] =	vst v63  }
0x2b: {  	_ =	swait.ge [sflag:s10], $0x800  }
0x2c: {  	s7 =	rddreg [dreg:$0x4];
	[sflag:s10] =	ssyncset.done $0x0  }
0x2d: {  	[sflag:s10] =	ssyncadd.s32 $0xFFFFF800;
	s6 =	sadd.s32 $0x0, s7  }
0x2e: {  	[tilespmem:s11], [sflag:$0x5] =	stream.linear.gather [hbm4b:s6+s3], $0x800, $0x38;
	[tilespmem:$0x1D000] =	vst v63  }
0x2f: {  	_ =	swait.ge [sflag:s10], $0x800  }
0x30: {  	[sflag:s10] =	ssyncset.done $0x0  }
0x31: {  	[sflag:s10] =	ssyncadd.s32 $0xFFFFF800  }
0x32: {  	[tilespmem:s13], [sflag:$0x1] =	stream.indirect.gather [hbm4b:s4+s12], $0x80, s3, s12, $0xb8;
	[tilespmem:$0x1D000] =	vst v63  }
0x33: {  	_ = 	snop  }
0x34: {  	[tilespmem:s14], [sflag:$0x2] =	stream.indirect.gather [hbm4b:s4+s12], $0x80, s12, s12, $0xb8;
	[tilespmem:$0x1D000] =	vst v63  }
0x35: {  	_ =	swait.ge [sflag:s15], $0x4000  }
0x36: {  	[sflag:s15] =	ssyncset.done $0x0  }
0x37: {  	[sflag:s15] =	ssyncadd.s32 $0xFFFFC000  }
0x38: {  	[spmem:s2] =	stream.indirect.scatter.add.f32 [tilespmem:s13], [sflag:$0x3], $0x80, s11, s12, $0xb8;
	[tilespmem:$0x1D000] =	vst v63  }
0x39: {  	_ =	swait.ge [sflag:s16], $0x4000  }
0x3a: {  	[sflag:s16] =	ssyncset.done $0x0  }
0x3b: {  	s8 =	rddreg [dreg:$0x5];
	[sflag:s16] =	ssyncadd.s32 $0xFFFFC000  }
0x3c: {  	[spmem:s2] =	stream.indirect.scatter.add.f32 [tilespmem:s14], [sflag:$0x4], $0x80, s8, s12, $0xb8;
	[tilespmem:$0x1D000] =	vst v63  }
0x3d: {  	_ =	swait.ge [sflag:s17], $0x4000  }
0x3e: {  	[sflag:s17] =	ssyncset.done $0x0  }
0x3f: {  	s9 =	rddreg [dreg:$0x6];
	[sflag:s17] =	ssyncadd.s32 $0xFFFFC000  }
0x40: {  	[tilespmem:s13], [sflag:$0x1] =	stream.indirect.gather [hbm4b:s4+s12], $0x80, s9, s12, $0xb8;
	[tilespmem:$0x1D000] =	vst v63  }
0x41: {  	_ =	swait.ge [sflag:s18], $0x4000  }
0x42: {  	[sflag:s18] =	ssyncset.done $0x0  }
0x43: {  	s7 =	rddreg [dreg:$0x7];
	[sflag:s18] =	ssyncadd.s32 $0xFFFFC000  }
0x44: {  	[tilespmem:s14], [sflag:$0x2] =	stream.indirect.gather [hbm4b:s4+s12], $0x80, s7, s12, $0xb8;
	[tilespmem:$0x1D000] =	vst v63  }
0x45: {  	_ =	swait.ge [sflag:s15], $0x4000  }
0x46: {  	[sflag:s15] =	ssyncset.done $0x0  }
0x47: {  	s8 =	rddreg [dreg:$0x8];
	[sflag:s15] =	ssyncadd.s32 $0xFFFFC000  }
0x48: {  	[spmem:s2] =	stream.indirect.scatter.add.f32 [tilespmem:s13], [sflag:$0x3], $0x80, s8, s12, $0xb8;
	[tilespmem:$0x1D000] =	vst v63  }
0x49: {  	_ =	swait.ge [sflag:s16], $0x4000  }
0x4a: {  	[sflag:s16] =	ssyncset.done $0x0  }
0x4b: {  	s9 =	rddreg [dreg:$0x9];
	[sflag:s16] =	ssyncadd.s32 $0xFFFFC000  }
0x4c: {  	[spmem:s2] =	stream.indirect.scatter.add.f32 [tilespmem:s14], [sflag:$0x4], $0x80, s9, s12, $0xb8;
	[tilespmem:$0x1D000] =	vst v63  }
0x4d: {  	_ =	swait.ge [sflag:s17], $0x4000  }
0x4e: {  	[sflag:s17] =	ssyncset.done $0x0  }
0x4f: {  	s7 =	rddreg [dreg:$0xa];
	[sflag:s17] =	ssyncadd.s32 $0xFFFFC000  }
0x50: {  	[tilespmem:s13], [sflag:$0x1] =	stream.indirect.gather [hbm4b:s4+s12], $0x80, s7, s12, $0xb8;
	[tilespmem:$0x1D000] =	vst v63  }
0x51: {  	_ =	swait.ge [sflag:s18], $0x4000  }
0x52: {  	[sflag:s18] =	ssyncset.done $0x0  }
0x53: {  	s8 =	rddreg [dreg:$0xb];
	[sflag:s18] =	ssyncadd.s32 $0xFFFFC000  }
0x54: {  	[tilespmem:s14], [sflag:$0x2] =	stream.indirect.gather [hbm4b:s4+s12], $0x80, s8, s12, $0xb8;
	[tilespmem:$0x1D000] =	vst v63  }
0x55: {  	_ =	swait.ge [sflag:s15], $0x4000  }
0x56: {  	[sflag:s15] =	ssyncset.done $0x0  }
0x57: {  	s9 =	rddreg [dreg:$0xc];
	[sflag:s15] =	ssyncadd.s32 $0xFFFFC000  }
0x58: {  	[spmem:s2] =	stream.indirect.scatter.add.f32 [tilespmem:s13], [sflag:$0x3], $0x80, s9, s12, $0xb8;
	[tilespmem:$0x1D000] =	vst v63  }
0x59: {  	_ =	swait.ge [sflag:s16], $0x4000  }
0x5a: {  	[sflag:s16] =	ssyncset.done $0x0  }
0x5b: {  	s7 =	rddreg [dreg:$0xd];
	[sflag:s16] =	ssyncadd.s32 $0xFFFFC000  }
0x5c: {  	[spmem:s2] =	stream.indirect.scatter.add.f32 [tilespmem:s14], [sflag:$0x4], $0x80, s7, s12, $0xb8;
	[tilespmem:$0x1D000] =	vst v63  }
0x5d: {  	_ =	swait.ge [sflag:s17], $0x4000  }
0x5e: {  	[sflag:s17] =	ssyncset.done $0x0  }
0x5f: {  	s8 =	rddreg [dreg:$0xe];
	[sflag:s17] =	ssyncadd.s32 $0xFFFFC000  }
0x60: {  	[tilespmem:s13], [sflag:$0x1] =	stream.indirect.gather [hbm4b:s4+s12], $0x80, s8, s12, $0xb8;
	[tilespmem:$0x1D000] =	vst v63  }
0x61: {  	_ =	swait.ge [sflag:s18], $0x4000  }
0x62: {  	[sflag:s18] =	ssyncset.done $0x0  }
0x63: {  	s9 =	rddreg [dreg:$0xf];
	[sflag:s18] =	ssyncadd.s32 $0xFFFFC000  }
0x64: {  	[tilespmem:s14], [sflag:$0x2] =	stream.indirect.gather [hbm4b:s4+s12], $0x80, s9, s12, $0xb8;
	[tilespmem:$0x1D000] =	vst v63  }
0x65: {  	_ =	swait.ge [sflag:s15], $0x4000  }
0x66: {  	[sflag:s15] =	ssyncset.done $0x0  }
0x67: {  	s7 =	rddreg [dreg:$0x10];
	[sflag:s15] =	ssyncadd.s32 $0xFFFFC000  }
0x68: {  	[spmem:s2] =	stream.indirect.scatter.add.f32 [tilespmem:s13], [sflag:$0x3], $0x80, s7, s12, $0xb8;
	[tilespmem:$0x1D000] =	vst v63  }
0x69: {  	_ =	swait.ge [sflag:s16], $0x4000  }
0x6a: {  	[sflag:s16] =	ssyncset.done $0x0  }
0x6b: {  	s8 =	rddreg [dreg:$0x11];
	[sflag:s16] =	ssyncadd.s32 $0xFFFFC000  }
0x6c: {  	[spmem:s2] =	stream.indirect.scatter.add.f32 [tilespmem:s14], [sflag:$0x4], $0x80, s8, s12, $0xb8;
	[tilespmem:$0x1D000] =	vst v63  }
0x6d: {  	_ =	swait.ge [sflag:s17], $0x4000  }
0x6e: {  	[sflag:s17] =	ssyncset.done $0x0  }
0x6f: {  	s9 =	rddreg [dreg:$0x12];
	[sflag:s17] =	ssyncadd.s32 $0xFFFFC000  }
0x70: {  	[tilespmem:s13], [sflag:$0x1] =	stream.indirect.gather [hbm4b:s4+s12], $0x80, s9, s12, $0xb8;
	[tilespmem:$0x1D000] =	vst v63  }
0x71: {  	_ =	swait.ge [sflag:s18], $0x4000  }
0x72: {  	[sflag:s18] =	ssyncset.done $0x0  }
0x73: {  	[sflag:s18] =	ssyncadd.s32 $0xFFFFC000  }
0x74: {  	[tilespmem:s14], [sflag:$0x2] =	stream.indirect.gather [hbm4b:s4+s12], $0x80, s19, s12, $0xb8;
	[tilespmem:$0x1D000] =	vst v63  }
0x75: {  	_ =	swait.ge [sflag:s15], $0x4000  }
0x76: {  	[sflag:s15] =	ssyncset.done $0x0  }
0x77: {  	[sflag:s15] =	ssyncadd.s32 $0xFFFFC000  }
0x78: {  	[spmem:s2] =	stream.indirect.scatter.add.f32 [tilespmem:s13], [sflag:$0x3], $0x80, s20, s12, $0xb8;
	[tilespmem:$0x1D000] =	vst v63  }
0x79: {  	_ =	swait.ge [sflag:s16], $0x4000  }
0x7a: {  	[sflag:s16] =	ssyncset.done $0x0  }
0x7b: {  	[sflag:s16] =	ssyncadd.s32 $0xFFFFC000  }
0x7c: {  	[spmem:s2] =	stream.indirect.scatter.add.f32 [tilespmem:s14], [sflag:$0x4], $0x80, s21, s12, $0xb8;
	[tilespmem:$0x1D000] =	vst v63  }
0x7d: {  	_ =	swait.ge [sflag:s17], $0x4000  }
0x7e: {  	[sflag:s17] =	ssyncset.done $0x0  }
0x7f: {  	[sflag:s17] =	ssyncadd.s32 $0xFFFFC000  }
0x80: {  	[tilespmem:s13], [sflag:$0x1] =	stream.indirect.gather [hbm4b:s4+s12], $0x80, s22, s12, $0xb8;
	[tilespmem:$0x1D000] =	vst v63  }
0x81: {  	_ =	swait.ge [sflag:s18], $0x4000  }
0x82: {  	[sflag:s18] =	ssyncset.done $0x0  }
0x83: {  	[sflag:s18] =	ssyncadd.s32 $0xFFFFC000  }
0x84: {  	[tilespmem:s14], [sflag:$0x2] =	stream.indirect.gather [hbm4b:s4+s12], $0x80, s23, s12, $0xb8;
	[tilespmem:$0x1D000] =	vst v63  }
0x85: {  	_ =	swait.ge [sflag:s15], $0x4000  }
0x86: {  	[sflag:s15] =	ssyncset.done $0x0  }
0x87: {  	[sflag:s15] =	ssyncadd.s32 $0xFFFFC000  }
0x88: {  	[spmem:s2] =	stream.indirect.scatter.add.f32 [tilespmem:s13], [sflag:$0x3], $0x80, s24, s12, $0xb8;
	[tilespmem:$0x1D000] =	vst v63  }
0x89: {  	_ =	swait.ge [sflag:s16], $0x4000  }
0x8a: {  	[sflag:s16] =	ssyncset.done $0x0  }
0x8b: {  	[sflag:s16] =	ssyncadd.s32 $0xFFFFC000  }
0x8c: {  	[spmem:s2] =	stream.indirect.scatter.add.f32 [tilespmem:s14], [sflag:$0x4], $0x80, s25, s12, $0xb8;
	[tilespmem:$0x1D000] =	vst v63  }
0x8d: {  	_ =	swait.ge [sflag:s17], $0x4000  }
0x8e: {  	[sflag:s17] =	ssyncset.done $0x0  }
0x8f: {  	[sflag:s17] =	ssyncadd.s32 $0xFFFFC000  }
0x90: {  	[tilespmem:s13], [sflag:$0x1] =	stream.indirect.gather [hbm4b:s4+s12], $0x80, s26, s12, $0xb8;
	[tilespmem:$0x1D000] =	vst v63  }
0x91: {  	_ =	swait.ge [sflag:s18], $0x4000  }
0x92: {  	[sflag:s18] =	ssyncset.done $0x0  }
0x93: {  	[sflag:s18] =	ssyncadd.s32 $0xFFFFC000  }
0x94: {  	[tilespmem:s14], [sflag:$0x2] =	stream.indirect.gather [hbm4b:s4+s12], $0x80, s28, s12, $0xb8;
	[tilespmem:$0x1D000] =	vst v63  }
0x95: {  	_ =	swait.ge [sflag:s15], $0x4000  }
0x96: {  	[sflag:s15] =	ssyncset.done $0x0  }
0x97: {  	[sflag:s15] =	ssyncadd.s32 $0xFFFFC000  }
0x98: {  	[spmem:s2] =	stream.indirect.scatter.add.f32 [tilespmem:s13], [sflag:$0x3], $0x80, s29, s12, $0xb8;
	[tilespmem:$0x1D000] =	vst v63  }
0x99: {  	_ =	swait.ge [sflag:s16], $0x4000  }
0x9a: {  	[sflag:s16] =	ssyncset.done $0x0  }
0x9b: {  	[sflag:s16] =	ssyncadd.s32 $0xFFFFC000  }
0x9c: {  	[spmem:s2] =	stream.indirect.scatter.add.f32 [tilespmem:s14], [sflag:$0x4], $0x80, s30, s12, $0xb8;
	[tilespmem:$0x1D000] =	vst v63  }
0x9d: {  	_ =	swait.ge [sflag:s17], $0x4000  }
0x9e: {  	[sflag:s17] =	ssyncset.done $0x0  }
0x9f: {  	[sflag:s17] =	ssyncadd.s32 $0xFFFFC000  }
0xa0: {  	[tilespmem:s13], [sflag:$0x1] =	stream.indirect.gather [hbm4b:s4+s12], $0x80, s31, s12, $0xb8;
	[tilespmem:$0x1D000] =	vst v63  }
0xa1: {  	_ =	swait.ge [sflag:s18], $0x4000  }
0xa2: {  	[sflag:s18] =	ssyncset.done $0x0  }
0xa3: {  	[sflag:s18] =	ssyncadd.s32 $0xFFFFC000  }
0xa4: {  	[tilespmem:s14], [sflag:$0x2] =	stream.indirect.gather [hbm4b:s4+s12], $0x80, s0, s12, $0xb8;
	[tilespmem:$0x1D000] =	vst v63  }
0xa5: {  	_ =	swait.ge [sflag:s15], $0x4000  }
0xa6: {  	[sflag:s15] =	ssyncset.done $0x0  }
0xa7: {  	[sflag:s15] =	ssyncadd.s32 $0xFFFFC000  }
0xa8: {  	[spmem:s2] =	stream.indirect.scatter.add.f32 [tilespmem:s13], [sflag:$0x3], $0x80, s1, s12, $0xb8;
	[tilespmem:$0x1D000] =	vst v63  }
0xa9: {  	_ =	swait.ge [sflag:s16], $0x4000  }
0xaa: {  	[sflag:s16] =	ssyncset.done $0x0  }
0xab: {  	[sflag:s16] =	ssyncadd.s32 $0xFFFFC000  }
0xac: {  	[spmem:s2] =	stream.indirect.scatter.add.f32 [tilespmem:s14], [sflag:$0x4], $0x80, s5, s12, $0xb8;
	[tilespmem:$0x1D000] =	vst v63  }
0xad: {  	_ =	swait.ge [sflag:s17], $0x4000  }
0xae: {  	[sflag:s17] =	ssyncset.done $0x0  }
0xaf: {  	[sflag:s17] =	ssyncadd.s32 $0xFFFFC000  }
0xb0: {  	s6 =	simm.s32 $0x200;
	_ =	swait.ge [sflag:s18], $0x4000  }
0xb1: {  	s8 =	simm.s32 $0x100;
	s9 =	rddreg [dreg:$0x3];
	[sflag:s18] =	ssyncset.done $0x0  }
.LBB2_2:
0xb2: {  	[sflag:s18] =	ssyncadd.s32 $0xFFFFC000;
	s9 =	sadd.s32 s8, s9  }
0xb3: {  	[tilespmem:s3], [sflag:$0x5] =	stream.linear.gather [hbm4b:s9+s3], $0x800, $0x38;
	[tilespmem:$0x1D000] =	vst v63  }
0xb4: {  	_ =	swait.ge [sflag:s10], $0x800  }
0xb5: {  	s9 =	rddreg [dreg:$0x4];
	[sflag:s10] =	ssyncset.done $0x0  }
0xb6: {  	[sflag:s10] =	ssyncadd.s32 $0xFFFFF800;
	s9 =	sadd.s32 s8, s9  }
0xb7: {  	[tilespmem:s11], [sflag:$0x5] =	stream.linear.gather [hbm4b:s9+s3], $0x800, $0x38;
	[tilespmem:$0x1D000] =	vst v63  }
0xb8: {  	_ =	swait.ge [sflag:s10], $0x800  }
0xb9: {  	[sflag:s10] =	ssyncset.done $0x0  }
0xba: {  	[sflag:s10] =	ssyncadd.s32 $0xFFFFF800  }
0xbb: {  	[tilespmem:s13], [sflag:$0x1] =	stream.indirect.gather [hbm4b:s4+s12], $0x80, s3, s12, $0xb8;
	[tilespmem:$0x1D000] =	vst v63  }
0xbc: {  	_ = 	snop  }
0xbd: {  	[tilespmem:s14], [sflag:$0x2] =	stream.indirect.gather [hbm4b:s4+s12], $0x80, s12, s12, $0xb8;
	[tilespmem:$0x1D000] =	vst v63  }
0xbe: {  	_ =	swait.ge [sflag:s15], $0x4000  }
0xbf: {  	[sflag:s15] =	ssyncset.done $0x0  }
0xc0: {  	[sflag:s15] =	ssyncadd.s32 $0xFFFFC000  }
0xc1: {  	[spmem:s2] =	stream.indirect.scatter.add.f32 [tilespmem:s13], [sflag:$0x3], $0x80, s11, s12, $0xb8;
	[tilespmem:$0x1D000] =	vst v63  }
0xc2: {  	_ =	swait.ge [sflag:s16], $0x4000  }
0xc3: {  	[sflag:s16] =	ssyncset.done $0x0  }
0xc4: {  	s9 =	rddreg [dreg:$0x5];
	[sflag:s16] =	ssyncadd.s32 $0xFFFFC000  }
0xc5: {  	[spmem:s2] =	stream.indirect.scatter.add.f32 [tilespmem:s14], [sflag:$0x4], $0x80, s9, s12, $0xb8;
	[tilespmem:$0x1D000] =	vst v63  }
0xc6: {  	_ =	swait.ge [sflag:s17], $0x4000  }
0xc7: {  	[sflag:s17] =	ssyncset.done $0x0  }
0xc8: {  	s9 =	rddreg [dreg:$0x6];
	[sflag:s17] =	ssyncadd.s32 $0xFFFFC000  }
0xc9: {  	[tilespmem:s13], [sflag:$0x1] =	stream.indirect.gather [hbm4b:s4+s12], $0x80, s9, s12, $0xb8;
	[tilespmem:$0x1D000] =	vst v63  }
0xca: {  	_ =	swait.ge [sflag:s18], $0x4000  }
0xcb: {  	[sflag:s18] =	ssyncset.done $0x0  }
0xcc: {  	s9 =	rddreg [dreg:$0x7];
	[sflag:s18] =	ssyncadd.s32 $0xFFFFC000  }
0xcd: {  	[tilespmem:s14], [sflag:$0x2] =	stream.indirect.gather [hbm4b:s4+s12], $0x80, s9, s12, $0xb8;
	[tilespmem:$0x1D000] =	vst v63  }
0xce: {  	_ =	swait.ge [sflag:s15], $0x4000  }
0xcf: {  	[sflag:s15] =	ssyncset.done $0x0  }
0xd0: {  	s9 =	rddreg [dreg:$0x8];
	[sflag:s15] =	ssyncadd.s32 $0xFFFFC000  }
0xd1: {  	[spmem:s2] =	stream.indirect.scatter.add.f32 [tilespmem:s13], [sflag:$0x3], $0x80, s9, s12, $0xb8;
	[tilespmem:$0x1D000] =	vst v63  }
0xd2: {  	_ =	swait.ge [sflag:s16], $0x4000  }
0xd3: {  	[sflag:s16] =	ssyncset.done $0x0  }
0xd4: {  	s9 =	rddreg [dreg:$0x9];
	[sflag:s16] =	ssyncadd.s32 $0xFFFFC000  }
0xd5: {  	[spmem:s2] =	stream.indirect.scatter.add.f32 [tilespmem:s14], [sflag:$0x4], $0x80, s9, s12, $0xb8;
	[tilespmem:$0x1D000] =	vst v63  }
0xd6: {  	_ =	swait.ge [sflag:s17], $0x4000  }
0xd7: {  	[sflag:s17] =	ssyncset.done $0x0  }
0xd8: {  	s9 =	rddreg [dreg:$0xa];
	[sflag:s17] =	ssyncadd.s32 $0xFFFFC000  }
0xd9: {  	[tilespmem:s13], [sflag:$0x1] =	stream.indirect.gather [hbm4b:s4+s12], $0x80, s9, s12, $0xb8;
	[tilespmem:$0x1D000] =	vst v63  }
0xda: {  	_ =	swait.ge [sflag:s18], $0x4000  }
0xdb: {  	[sflag:s18] =	ssyncset.done $0x0  }
0xdc: {  	s9 =	rddreg [dreg:$0xb];
	[sflag:s18] =	ssyncadd.s32 $0xFFFFC000  }
0xdd: {  	[tilespmem:s14], [sflag:$0x2] =	stream.indirect.gather [hbm4b:s4+s12], $0x80, s9, s12, $0xb8;
	[tilespmem:$0x1D000] =	vst v63  }
0xde: {  	_ =	swait.ge [sflag:s15], $0x4000  }
0xdf: {  	[sflag:s15] =	ssyncset.done $0x0  }
0xe0: {  	s9 =	rddreg [dreg:$0xc];
	[sflag:s15] =	ssyncadd.s32 $0xFFFFC000  }
0xe1: {  	[spmem:s2] =	stream.indirect.scatter.add.f32 [tilespmem:s13], [sflag:$0x3], $0x80, s9, s12, $0xb8;
	[tilespmem:$0x1D000] =	vst v63  }
0xe2: {  	_ =	swait.ge [sflag:s16], $0x4000  }
0xe3: {  	[sflag:s16] =	ssyncset.done $0x0  }
0xe4: {  	s9 =	rddreg [dreg:$0xd];
	[sflag:s16] =	ssyncadd.s32 $0xFFFFC000  }
0xe5: {  	[spmem:s2] =	stream.indirect.scatter.add.f32 [tilespmem:s14], [sflag:$0x4], $0x80, s9, s12, $0xb8;
	[tilespmem:$0x1D000] =	vst v63  }
0xe6: {  	_ =	swait.ge [sflag:s17], $0x4000  }
0xe7: {  	[sflag:s17] =	ssyncset.done $0x0  }
0xe8: {  	s9 =	rddreg [dreg:$0xe];
	[sflag:s17] =	ssyncadd.s32 $0xFFFFC000  }
0xe9: {  	[tilespmem:s13], [sflag:$0x1] =	stream.indirect.gather [hbm4b:s4+s12], $0x80, s9, s12, $0xb8;
	[tilespmem:$0x1D000] =	vst v63  }
0xea: {  	_ =	swait.ge [sflag:s18], $0x4000  }
0xeb: {  	[sflag:s18] =	ssyncset.done $0x0  }
0xec: {  	s9 =	rddreg [dreg:$0xf];
	[sflag:s18] =	ssyncadd.s32 $0xFFFFC000  }
0xed: {  	[tilespmem:s14], [sflag:$0x2] =	stream.indirect.gather [hbm4b:s4+s12], $0x80, s9, s12, $0xb8;
	[tilespmem:$0x1D000] =	vst v63  }
0xee: {  	_ =	swait.ge [sflag:s15], $0x4000  }
0xef: {  	[sflag:s15] =	ssyncset.done $0x0  }
0xf0: {  	s9 =	rddreg [dreg:$0x10];
	[sflag:s15] =	ssyncadd.s32 $0xFFFFC000  }
0xf1: {  	[spmem:s2] =	stream.indirect.scatter.add.f32 [tilespmem:s13], [sflag:$0x3], $0x80, s9, s12, $0xb8;
	[tilespmem:$0x1D000] =	vst v63  }
0xf2: {  	_ =	swait.ge [sflag:s16], $0x4000  }
0xf3: {  	[sflag:s16] =	ssyncset.done $0x0  }
0xf4: {  	s9 =	rddreg [dreg:$0x11];
	[sflag:s16] =	ssyncadd.s32 $0xFFFFC000  }
0xf5: {  	[spmem:s2] =	stream.indirect.scatter.add.f32 [tilespmem:s14], [sflag:$0x4], $0x80, s9, s12, $0xb8;
	[tilespmem:$0x1D000] =	vst v63  }
0xf6: {  	_ =	swait.ge [sflag:s17], $0x4000  }
0xf7: {  	[sflag:s17] =	ssyncset.done $0x0  }
0xf8: {  	s9 =	rddreg [dreg:$0x12];
	[sflag:s17] =	ssyncadd.s32 $0xFFFFC000  }
0xf9: {  	[tilespmem:s13], [sflag:$0x1] =	stream.indirect.gather [hbm4b:s4+s12], $0x80, s9, s12, $0xb8;
	[tilespmem:$0x1D000] =	vst v63  }
0xfa: {  	_ =	swait.ge [sflag:s18], $0x4000  }
0xfb: {  	[sflag:s18] =	ssyncset.done $0x0  }
0xfc: {  	[sflag:s18] =	ssyncadd.s32 $0xFFFFC000  }
0xfd: {  	[tilespmem:s14], [sflag:$0x2] =	stream.indirect.gather [hbm4b:s4+s12], $0x80, s19, s12, $0xb8;
	[tilespmem:$0x1D000] =	vst v63  }
0xfe: {  	_ =	swait.ge [sflag:s15], $0x4000  }
0xff: {  	[sflag:s15] =	ssyncset.done $0x0  }
0x100: {  	[sflag:s15] =	ssyncadd.s32 $0xFFFFC000  }
0x101: {  	[spmem:s2] =	stream.indirect.scatter.add.f32 [tilespmem:s13], [sflag:$0x3], $0x80, s20, s12, $0xb8;
	[tilespmem:$0x1D000] =	vst v63  }
0x102: {  	_ =	swait.ge [sflag:s16], $0x4000  }
0x103: {  	[sflag:s16] =	ssyncset.done $0x0  }
0x104: {  	[sflag:s16] =	ssyncadd.s32 $0xFFFFC000  }
0x105: {  	[spmem:s2] =	stream.indirect.scatter.add.f32 [tilespmem:s14], [sflag:$0x4], $0x80, s21, s12, $0xb8;
	[tilespmem:$0x1D000] =	vst v63  }
0x106: {  	_ =	swait.ge [sflag:s17], $0x4000  }
0x107: {  	[sflag:s17] =	ssyncset.done $0x0  }
0x108: {  	[sflag:s17] =	ssyncadd.s32 $0xFFFFC000  }
0x109: {  	[tilespmem:s13], [sflag:$0x1] =	stream.indirect.gather [hbm4b:s4+s12], $0x80, s22, s12, $0xb8;
	[tilespmem:$0x1D000] =	vst v63  }
0x10a: {  	_ =	swait.ge [sflag:s18], $0x4000  }
0x10b: {  	[sflag:s18] =	ssyncset.done $0x0  }
0x10c: {  	[sflag:s18] =	ssyncadd.s32 $0xFFFFC000  }
0x10d: {  	[tilespmem:s14], [sflag:$0x2] =	stream.indirect.gather [hbm4b:s4+s12], $0x80, s23, s12, $0xb8;
	[tilespmem:$0x1D000] =	vst v63  }
0x10e: {  	_ =	swait.ge [sflag:s15], $0x4000  }
0x10f: {  	[sflag:s15] =	ssyncset.done $0x0  }
0x110: {  	[sflag:s15] =	ssyncadd.s32 $0xFFFFC000  }
0x111: {  	[spmem:s2] =	stream.indirect.scatter.add.f32 [tilespmem:s13], [sflag:$0x3], $0x80, s24, s12, $0xb8;
	[tilespmem:$0x1D000] =	vst v63  }
0x112: {  	_ =	swait.ge [sflag:s16], $0x4000  }
0x113: {  	[sflag:s16] =	ssyncset.done $0x0  }
0x114: {  	[sflag:s16] =	ssyncadd.s32 $0xFFFFC000  }
0x115: {  	[spmem:s2] =	stream.indirect.scatter.add.f32 [tilespmem:s14], [sflag:$0x4], $0x80, s25, s12, $0xb8;
	[tilespmem:$0x1D000] =	vst v63  }
0x116: {  	_ =	swait.ge [sflag:s17], $0x4000  }
0x117: {  	[sflag:s17] =	ssyncset.done $0x0  }
0x118: {  	[sflag:s17] =	ssyncadd.s32 $0xFFFFC000  }
0x119: {  	[tilespmem:s13], [sflag:$0x1] =	stream.indirect.gather [hbm4b:s4+s12], $0x80, s26, s12, $0xb8;
	[tilespmem:$0x1D000] =	vst v63  }
0x11a: {  	_ =	swait.ge [sflag:s18], $0x4000  }
0x11b: {  	[sflag:s18] =	ssyncset.done $0x0  }
0x11c: {  	[sflag:s18] =	ssyncadd.s32 $0xFFFFC000  }
0x11d: {  	[tilespmem:s14], [sflag:$0x2] =	stream.indirect.gather [hbm4b:s4+s12], $0x80, s28, s12, $0xb8;
	[tilespmem:$0x1D000] =	vst v63  }
0x11e: {  	_ =	swait.ge [sflag:s15], $0x4000  }
0x11f: {  	[sflag:s15] =	ssyncset.done $0x0  }
0x120: {  	[sflag:s15] =	ssyncadd.s32 $0xFFFFC000  }
0x121: {  	[spmem:s2] =	stream.indirect.scatter.add.f32 [tilespmem:s13], [sflag:$0x3], $0x80, s29, s12, $0xb8;
	[tilespmem:$0x1D000] =	vst v63  }
0x122: {  	_ =	swait.ge [sflag:s16], $0x4000  }
0x123: {  	[sflag:s16] =	ssyncset.done $0x0  }
0x124: {  	[sflag:s16] =	ssyncadd.s32 $0xFFFFC000  }
0x125: {  	[spmem:s2] =	stream.indirect.scatter.add.f32 [tilespmem:s14], [sflag:$0x4], $0x80, s30, s12, $0xb8;
	[tilespmem:$0x1D000] =	vst v63  }
0x126: {  	_ =	swait.ge [sflag:s17], $0x4000  }
0x127: {  	[sflag:s17] =	ssyncset.done $0x0  }
0x128: {  	[sflag:s17] =	ssyncadd.s32 $0xFFFFC000  }
0x129: {  	[tilespmem:s13], [sflag:$0x1] =	stream.indirect.gather [hbm4b:s4+s12], $0x80, s31, s12, $0xb8;
	[tilespmem:$0x1D000] =	vst v63  }
0x12a: {  	_ =	swait.ge [sflag:s18], $0x4000  }
0x12b: {  	[sflag:s18] =	ssyncset.done $0x0  }
0x12c: {  	[sflag:s18] =	ssyncadd.s32 $0xFFFFC000  }
0x12d: {  	[tilespmem:s14], [sflag:$0x2] =	stream.indirect.gather [hbm4b:s4+s12], $0x80, s0, s12, $0xb8;
	[tilespmem:$0x1D000] =	vst v63  }
0x12e: {  	_ =	swait.ge [sflag:s15], $0x4000  }
0x12f: {  	[sflag:s15] =	ssyncset.done $0x0  }
0x130: {  	[sflag:s15] =	ssyncadd.s32 $0xFFFFC000  }
0x131: {  	[spmem:s2] =	stream.indirect.scatter.add.f32 [tilespmem:s13], [sflag:$0x3], $0x80, s1, s12, $0xb8;
	[tilespmem:$0x1D000] =	vst v63  }
0x132: {  	_ =	swait.ge [sflag:s16], $0x4000  }
0x133: {  	[sflag:s16] =	ssyncset.done $0x0  }
0x134: {  	p0 =	sne.s32 s6, $0x400;
	[sflag:s16] =	ssyncadd.s32 $0xFFFFC000  }
0x135: {  	[spmem:s2] =	stream.indirect.scatter.add.f32 [tilespmem:s14], [sflag:$0x4], $0x80, s5, s12, $0xb8;
	[tilespmem:$0x1D000] =	vst v63  }
.Ltmp0:
0x136: {  	_ =	swait.ge [sflag:s17], $0x4000;
	(pc) =	sbr.rel @p0 .LBB2_2-.Ltmp0, $4  }
0x137: {  	[sflag:s17] =	ssyncset.done $0x0  }
0x138: {  	[sflag:s17] =	ssyncadd.s32 $0xFFFFC000  }
0x139: {  	s7 =	smov.u32 s6;
	s6 =	sadd.s32 $0x100, s6;
	_ =	swait.ge [sflag:s18], $0x4000  }
0x13a: {  	s8 =	smov.u32 s7;
	s9 =	rddreg [dreg:$0x3];
	[sflag:s18] =	ssyncset.done $0x0  }
0x13b: {  	[sflag:s18] =	ssyncadd.s32 $0xFFFFC000;
	s6 =	sadd.s32 s8, s9  }
0x13c: {  	[tilespmem:s3], [sflag:$0x5] =	stream.linear.gather [hbm4b:s6+s3], $0x800, $0x38;
	[tilespmem:$0x1D000] =	vst v63  }
0x13d: {  	_ =	swait.ge [sflag:s10], $0x800  }
0x13e: {  	s9 =	rddreg [dreg:$0x4];
	[sflag:s10] =	ssyncset.done $0x0  }
0x13f: {  	s6 =	sadd.s32 s8, s9;
	[sflag:s10] =	ssyncadd.s32 $0xFFFFF800  }
0x140: {  	[tilespmem:s11], [sflag:$0x5] =	stream.linear.gather [hbm4b:s6+s3], $0x800, $0x38;
	[tilespmem:$0x1D000] =	vst v63  }
0x141: {  	_ =	swait.ge [sflag:s10], $0x800  }
0x142: {  	[sflag:s10] =	ssyncset.done $0x0  }
0x143: {  	[sflag:s10] =	ssyncadd.s32 $0xFFFFF800  }
0x144: {  	[tilespmem:s13], [sflag:$0x1] =	stream.indirect.gather [hbm4b:s4+s12], $0x80, s3, s12, $0xb8;
	[tilespmem:$0x1D000] =	vst v63  }
0x145: {  	_ = 	snop  }
0x146: {  	[tilespmem:s14], [sflag:$0x2] =	stream.indirect.gather [hbm4b:s4+s12], $0x80, s12, s12, $0xb8;
	[tilespmem:$0x1D000] =	vst v63  }
0x147: {  	_ =	swait.ge [sflag:s15], $0x4000  }
0x148: {  	[sflag:s15] =	ssyncset.done $0x0  }
0x149: {  	[sflag:s15] =	ssyncadd.s32 $0xFFFFC000  }
0x14a: {  	[spmem:s2] =	stream.indirect.scatter.add.f32 [tilespmem:s13], [sflag:$0x3], $0x80, s11, s12, $0xb8;
	[tilespmem:$0x1D000] =	vst v63  }
0x14b: {  	_ =	swait.ge [sflag:s16], $0x4000  }
0x14c: {  	[sflag:s16] =	ssyncset.done $0x0  }
0x14d: {  	s7 =	rddreg [dreg:$0x5];
	[sflag:s16] =	ssyncadd.s32 $0xFFFFC000  }
0x14e: {  	[spmem:s2] =	stream.indirect.scatter.add.f32 [tilespmem:s14], [sflag:$0x4], $0x80, s7, s12, $0xb8;
	[tilespmem:$0x1D000] =	vst v63  }
0x14f: {  	_ =	swait.ge [sflag:s17], $0x4000  }
0x150: {  	[sflag:s17] =	ssyncset.done $0x0  }
0x151: {  	s8 =	rddreg [dreg:$0x6];
	[sflag:s17] =	ssyncadd.s32 $0xFFFFC000  }
0x152: {  	[tilespmem:s13], [sflag:$0x1] =	stream.indirect.gather [hbm4b:s4+s12], $0x80, s8, s12, $0xb8;
	[tilespmem:$0x1D000] =	vst v63  }
0x153: {  	_ =	swait.ge [sflag:s18], $0x4000  }
0x154: {  	[sflag:s18] =	ssyncset.done $0x0  }
0x155: {  	s9 =	rddreg [dreg:$0x7];
	[sflag:s18] =	ssyncadd.s32 $0xFFFFC000  }
0x156: {  	[tilespmem:s14], [sflag:$0x2] =	stream.indirect.gather [hbm4b:s4+s12], $0x80, s9, s12, $0xb8;
	[tilespmem:$0x1D000] =	vst v63  }
0x157: {  	_ =	swait.ge [sflag:s15], $0x4000  }
0x158: {  	[sflag:s15] =	ssyncset.done $0x0  }
0x159: {  	s7 =	rddreg [dreg:$0x8];
	[sflag:s15] =	ssyncadd.s32 $0xFFFFC000  }
0x15a: {  	[spmem:s2] =	stream.indirect.scatter.add.f32 [tilespmem:s13], [sflag:$0x3], $0x80, s7, s12, $0xb8;
	[tilespmem:$0x1D000] =	vst v63  }
0x15b: {  	_ =	swait.ge [sflag:s16], $0x4000  }
0x15c: {  	[sflag:s16] =	ssyncset.done $0x0  }
0x15d: {  	s8 =	rddreg [dreg:$0x9];
	[sflag:s16] =	ssyncadd.s32 $0xFFFFC000  }
0x15e: {  	[spmem:s2] =	stream.indirect.scatter.add.f32 [tilespmem:s14], [sflag:$0x4], $0x80, s8, s12, $0xb8;
	[tilespmem:$0x1D000] =	vst v63  }
0x15f: {  	_ =	swait.ge [sflag:s17], $0x4000  }
0x160: {  	[sflag:s17] =	ssyncset.done $0x0  }
0x161: {  	s9 =	rddreg [dreg:$0xa];
	[sflag:s17] =	ssyncadd.s32 $0xFFFFC000  }
0x162: {  	[tilespmem:s13], [sflag:$0x1] =	stream.indirect.gather [hbm4b:s4+s12], $0x80, s9, s12, $0xb8;
	[tilespmem:$0x1D000] =	vst v63  }
0x163: {  	_ =	swait.ge [sflag:s18], $0x4000  }
0x164: {  	[sflag:s18] =	ssyncset.done $0x0  }
0x165: {  	s7 =	rddreg [dreg:$0xb];
	[sflag:s18] =	ssyncadd.s32 $0xFFFFC000  }
0x166: {  	[tilespmem:s14], [sflag:$0x2] =	stream.indirect.gather [hbm4b:s4+s12], $0x80, s7, s12, $0xb8;
	[tilespmem:$0x1D000] =	vst v63  }
0x167: {  	_ =	swait.ge [sflag:s15], $0x4000  }
0x168: {  	[sflag:s15] =	ssyncset.done $0x0  }
0x169: {  	s8 =	rddreg [dreg:$0xc];
	[sflag:s15] =	ssyncadd.s32 $0xFFFFC000  }
0x16a: {  	[spmem:s2] =	stream.indirect.scatter.add.f32 [tilespmem:s13], [sflag:$0x3], $0x80, s8, s12, $0xb8;
	[tilespmem:$0x1D000] =	vst v63  }
0x16b: {  	_ =	swait.ge [sflag:s16], $0x4000  }
0x16c: {  	[sflag:s16] =	ssyncset.done $0x0  }
0x16d: {  	s9 =	rddreg [dreg:$0xd];
	[sflag:s16] =	ssyncadd.s32 $0xFFFFC000  }
0x16e: {  	[spmem:s2] =	stream.indirect.scatter.add.f32 [tilespmem:s14], [sflag:$0x4], $0x80, s9, s12, $0xb8;
	[tilespmem:$0x1D000] =	vst v63  }
0x16f: {  	_ =	swait.ge [sflag:s17], $0x4000  }
0x170: {  	[sflag:s17] =	ssyncset.done $0x0  }
0x171: {  	s7 =	rddreg [dreg:$0xe];
	[sflag:s17] =	ssyncadd.s32 $0xFFFFC000  }
0x172: {  	[tilespmem:s13], [sflag:$0x1] =	stream.indirect.gather [hbm4b:s4+s12], $0x80, s7, s12, $0xb8;
	[tilespmem:$0x1D000] =	vst v63  }
0x173: {  	_ =	swait.ge [sflag:s18], $0x4000  }
0x174: {  	[sflag:s18] =	ssyncset.done $0x0  }
0x175: {  	s8 =	rddreg [dreg:$0xf];
	[sflag:s18] =	ssyncadd.s32 $0xFFFFC000  }
0x176: {  	[tilespmem:s14], [sflag:$0x2] =	stream.indirect.gather [hbm4b:s4+s12], $0x80, s8, s12, $0xb8;
	[tilespmem:$0x1D000] =	vst v63  }
0x177: {  	_ =	swait.ge [sflag:s15], $0x4000  }
0x178: {  	[sflag:s15] =	ssyncset.done $0x0  }
0x179: {  	s9 =	rddreg [dreg:$0x10];
	[sflag:s15] =	ssyncadd.s32 $0xFFFFC000  }
0x17a: {  	[spmem:s2] =	stream.indirect.scatter.add.f32 [tilespmem:s13], [sflag:$0x3], $0x80, s9, s12, $0xb8;
	[tilespmem:$0x1D000] =	vst v63  }
0x17b: {  	_ =	swait.ge [sflag:s16], $0x4000  }
0x17c: {  	[sflag:s16] =	ssyncset.done $0x0  }
0x17d: {  	s7 =	rddreg [dreg:$0x11];
	[sflag:s16] =	ssyncadd.s32 $0xFFFFC000  }
0x17e: {  	[spmem:s2] =	stream.indirect.scatter.add.f32 [tilespmem:s14], [sflag:$0x4], $0x80, s7, s12, $0xb8;
	[tilespmem:$0x1D000] =	vst v63  }
0x17f: {  	_ =	swait.ge [sflag:s17], $0x4000  }
0x180: {  	[sflag:s17] =	ssyncset.done $0x0  }
0x181: {  	s8 =	rddreg [dreg:$0x12];
	[sflag:s17] =	ssyncadd.s32 $0xFFFFC000  }
0x182: {  	[tilespmem:s13], [sflag:$0x1] =	stream.indirect.gather [hbm4b:s4+s12], $0x80, s8, s12, $0xb8;
	[tilespmem:$0x1D000] =	vst v63  }
0x183: {  	_ =	swait.ge [sflag:s18], $0x4000  }
0x184: {  	[sflag:s18] =	ssyncset.done $0x0  }
0x185: {  	[sflag:s18] =	ssyncadd.s32 $0xFFFFC000  }
0x186: {  	[tilespmem:s14], [sflag:$0x2] =	stream.indirect.gather [hbm4b:s4+s12], $0x80, s19, s12, $0xb8;
	[tilespmem:$0x1D000] =	vst v63  }
0x187: {  	_ =	swait.ge [sflag:s15], $0x4000  }
0x188: {  	[sflag:s15] =	ssyncset.done $0x0  }
0x189: {  	[sflag:s15] =	ssyncadd.s32 $0xFFFFC000  }
0x18a: {  	[spmem:s2] =	stream.indirect.scatter.add.f32 [tilespmem:s13], [sflag:$0x3], $0x80, s20, s12, $0xb8;
	[tilespmem:$0x1D000] =	vst v63  }
0x18b: {  	_ =	swait.ge [sflag:s16], $0x4000  }
0x18c: {  	[sflag:s16] =	ssyncset.done $0x0  }
0x18d: {  	[sflag:s16] =	ssyncadd.s32 $0xFFFFC000  }
0x18e: {  	[spmem:s2] =	stream.indirect.scatter.add.f32 [tilespmem:s14], [sflag:$0x4], $0x80, s21, s12, $0xb8;
	[tilespmem:$0x1D000] =	vst v63  }
0x18f: {  	_ =	swait.ge [sflag:s17], $0x4000  }
0x190: {  	[sflag:s17] =	ssyncset.done $0x0  }
0x191: {  	[sflag:s17] =	ssyncadd.s32 $0xFFFFC000  }
0x192: {  	[tilespmem:s13], [sflag:$0x1] =	stream.indirect.gather [hbm4b:s4+s12], $0x80, s22, s12, $0xb8;
	[tilespmem:$0x1D000] =	vst v63  }
0x193: {  	_ =	swait.ge [sflag:s18], $0x4000  }
0x194: {  	[sflag:s18] =	ssyncset.done $0x0  }
0x195: {  	[sflag:s18] =	ssyncadd.s32 $0xFFFFC000  }
0x196: {  	[tilespmem:s14], [sflag:$0x2] =	stream.indirect.gather [hbm4b:s4+s12], $0x80, s23, s12, $0xb8;
	[tilespmem:$0x1D000] =	vst v63  }
0x197: {  	_ =	swait.ge [sflag:s15], $0x4000  }
0x198: {  	[sflag:s15] =	ssyncset.done $0x0  }
0x199: {  	[sflag:s15] =	ssyncadd.s32 $0xFFFFC000  }
0x19a: {  	[spmem:s2] =	stream.indirect.scatter.add.f32 [tilespmem:s13], [sflag:$0x3], $0x80, s24, s12, $0xb8;
	[tilespmem:$0x1D000] =	vst v63  }
0x19b: {  	_ =	swait.ge [sflag:s16], $0x4000  }
0x19c: {  	[sflag:s16] =	ssyncset.done $0x0  }
0x19d: {  	[sflag:s16] =	ssyncadd.s32 $0xFFFFC000  }
0x19e: {  	[spmem:s2] =	stream.indirect.scatter.add.f32 [tilespmem:s14], [sflag:$0x4], $0x80, s25, s12, $0xb8;
	[tilespmem:$0x1D000] =	vst v63  }
0x19f: {  	_ =	swait.ge [sflag:s17], $0x4000  }
0x1a0: {  	[sflag:s17] =	ssyncset.done $0x0  }
0x1a1: {  	[sflag:s17] =	ssyncadd.s32 $0xFFFFC000  }
0x1a2: {  	[tilespmem:s13], [sflag:$0x1] =	stream.indirect.gather [hbm4b:s4+s12], $0x80, s26, s12, $0xb8;
	[tilespmem:$0x1D000] =	vst v63  }
0x1a3: {  	_ =	swait.ge [sflag:s18], $0x4000  }
0x1a4: {  	[sflag:s18] =	ssyncset.done $0x0  }
0x1a5: {  	[sflag:s18] =	ssyncadd.s32 $0xFFFFC000  }
0x1a6: {  	[tilespmem:s14], [sflag:$0x2] =	stream.indirect.gather [hbm4b:s4+s12], $0x80, s28, s12, $0xb8;
	[tilespmem:$0x1D000] =	vst v63  }
0x1a7: {  	_ =	swait.ge [sflag:s15], $0x4000  }
0x1a8: {  	[sflag:s15] =	ssyncset.done $0x0  }
0x1a9: {  	[sflag:s15] =	ssyncadd.s32 $0xFFFFC000  }
0x1aa: {  	[spmem:s2] =	stream.indirect.scatter.add.f32 [tilespmem:s13], [sflag:$0x3], $0x80, s29, s12, $0xb8;
	[tilespmem:$0x1D000] =	vst v63  }
0x1ab: {  	_ =	swait.ge [sflag:s16], $0x4000  }
0x1ac: {  	[sflag:s16] =	ssyncset.done $0x0  }
0x1ad: {  	[sflag:s16] =	ssyncadd.s32 $0xFFFFC000  }
0x1ae: {  	[spmem:s2] =	stream.indirect.scatter.add.f32 [tilespmem:s14], [sflag:$0x4], $0x80, s30, s12, $0xb8;
	[tilespmem:$0x1D000] =	vst v63  }
0x1af: {  	_ =	swait.ge [sflag:s17], $0x4000  }
0x1b0: {  	[sflag:s17] =	ssyncset.done $0x0  }
0x1b1: {  	[sflag:s17] =	ssyncadd.s32 $0xFFFFC000  }
0x1b2: {  	[tilespmem:s13], [sflag:$0x1] =	stream.indirect.gather [hbm4b:s4+s12], $0x80, s31, s12, $0xb8;
	[tilespmem:$0x1D000] =	vst v63  }
0x1b3: {  	_ =	swait.ge [sflag:s18], $0x4000  }
0x1b4: {  	[sflag:s18] =	ssyncset.done $0x0  }
0x1b5: {  	[sflag:s18] =	ssyncadd.s32 $0xFFFFC000  }
0x1b6: {  	[tilespmem:s14], [sflag:$0x2] =	stream.indirect.gather [hbm4b:s4+s12], $0x80, s0, s12, $0xb8;
	[tilespmem:$0x1D000] =	vst v63  }
0x1b7: {  	_ =	swait.ge [sflag:s15], $0x4000  }
0x1b8: {  	[sflag:s15] =	ssyncset.done $0x0  }
0x1b9: {  	[sflag:s15] =	ssyncadd.s32 $0xFFFFC000  }
0x1ba: {  	[spmem:s2] =	stream.indirect.scatter.add.f32 [tilespmem:s13], [sflag:$0x3], $0x80, s1, s12, $0xb8;
	[tilespmem:$0x1D000] =	vst v63  }
0x1bb: {  	_ =	swait.ge [sflag:s16], $0x4000  }
0x1bc: {  	[sflag:s16] =	ssyncset.done $0x0  }
0x1bd: {  	[sflag:s16] =	ssyncadd.s32 $0xFFFFC000  }
0x1be: {  	[spmem:s2] =	stream.indirect.scatter.add.f32 [tilespmem:s14], [sflag:$0x4], $0x80, s5, s12, $0xb8;
	[tilespmem:$0x1D000] =	vst v63  }
0x1bf: {  	_ =	swait.ge [sflag:s17], $0x4000  }
0x1c0: {  	[sflag:s17] =	ssyncset.done $0x0  }
0x1c1: {  	[sflag:s17] =	ssyncadd.s32 $0xFFFFC000  }
0x1c2: {  	_ =	swait.ge [sflag:s18], $0x4000  }
0x1c3: {  	[sflag:s18] =	ssyncset.done $0x0  }
0x1c4: {  	[sflag:s18] =	ssyncadd.s32 $0xFFFFC000  }
0x1c5: {  	[bflag:$0x0] =	sbarrier.arrive $0xFFFF  }
0x1c6: {  	s7 =	rddreg [dreg:$0x14]  }
0x1c7: {  	s9 =	rddreg [dreg:$0x16]  }
0x1c8: {  	s8 =	rddreg [dreg:$0x17]  }
0x1c9: {  	[hbm:s9], [sflag:s7] =	dma.local [spmem:s8], $0x2800  }
0x1ca: {  	_ =	swait.ge [sflag:s10], $0x2800  }
0x1cb: {  	s6 =	rddreg [dreg:$0x18]  }
0x1cc: {  	s9 =	sadd.s32 $0x1, s6;
	s6 =	rddreg [dreg:$0x15]  }
0x1cd: {  	p0 =	sne.s32 s9, s6  }
.Ltmp1:
0x1ce: {  	_ = 	snop;
	(pc) =	sbr.rel @p0 .LBB2_1-.Ltmp1, $3  }
0x1cf: {  	_ =	sdelay $0x1  }
0x1d0: {  	[sflag:s10] =	ssyncset.done $0x0  }
0x1d1: {  	[sflag:s10] =	ssyncadd.s32 $0xFFFFD800  }
0x1d2: {  	_ =	sfence.sel $0x180000  }
0x1d3: {  	[bflag:$0x0] =	sbarrier.arrive $0xFFFF  }
0x1d4: {  	_ =	strace $0x9000004D  }
0x1d5: {  	s0 =	stileid.u32;
	[bflag:$0x2] =	sbarrier.arrive $0xFFFF  }
0x1d6: {  	p0 =	sne.s32 s0, $0x0;
	s0 =	rddreg [dreg:$0x2]  }
0x1d7: {  	s0 =	sadd.s32 @!p0 $0x100000, s0  }
0x1d8: {  	[sflag:s0] =	ssyncadd.tile.s32 @!p0 $0x1;
	_ =	shalt  }
.Lfunc_end2:
_tile_overlayer_lowered:
.L_overlay_start_2:
0x1d9: {  	(tag) =	ssettag $0x2  }
0x1da: {  	s0 =	rddreg [dreg:$0x0];
	s2 =	stileid.u32  }
0x1db: {  	s1 =	rddreg [dreg:$0x1];
	p0 =	sne.s32 s2, $0x0  }
0x1dc: {  	s3 =	rddreg [dreg:$0x2];
	[bflag:$0x3] =	sbarrier.arrive $0xFFFF;
	s2 =	simm.s32 @!p0 $0x1C05  }
0x1dd: {  	[timem:s3], [sflag:s2] =	dma.local @!p0 [hbm:s0], s1  }
0x1de: {  	s0 =	simm.s32 @!p0 $0x5  }
0x1df: {  	_ =	swait.ge @!p0 [sflag:s0], s1  }
0x1e0: {  	s1 =	ssub.s32 @!p0 $0x0, s1;
	[sflag:s0] =	ssyncset.done @!p0 $0x0  }
0x1e1: {  	[sflag:s0] =	ssyncadd.s32 @!p0 s1  }
0x1e2: {  	[bflag:$0x3] =	sbarrier.arrive $0xFFFF  }
0x1e3: {  	_ =	shalt  }

// kernel: kernel.8.cloned.1.call-start
scs
__scs_entry_jumppad:
0x0: {  	(pc) =	sbr.rel $0x88, $3  }
0x1: {  	(tag) =	ssettag $0x0;
	lr =	simm.s32 $0x1  }
0x2: {  	[smem:$0x3F9A] =	sst lr;
	_ =	strace $0xD0000000  }
0x3: {  	_ = 	snop  }
0x4: {  	_ = 	snop  }
0x5: {  	_ = 	snop  }
0x6: {  	_ = 	snop  }
0x7: {  	_ = 	snop  }
__scs_overlays_trampoline_lowered:
0x8: {  	[smem:$0x3FA9] =	sst s0  }
0x9: {  	[smem:$0x3FAA] =	sst s1  }
0xa: {  	[smem:$0x3FAB] =	sst s2  }
0xb: {  	[smem:$0x3FAC] =	sst s3  }
0xc: {  	[smem:$0x3FAD] =	sst s4  }
0xd: {  	[smem:$0x3FAE] =	sst s5  }
0xe: {  	[smem:$0x3FAF] =	sst s6  }
0xf: {  	[smem:$0x3FB0] =	sst s7  }
0x10: {  	[smem:$0x3FB1] =	sst s8  }
0x11: {  	[smem:$0x3FB2] =	sst s9;
	s0 =	simm.s32 @!p0 $0x0  }
0x12: {  	s1 =	sld [smem:$0x3F98];
	s0 =	simm.s32 @p0 $0x1  }
0x13: {  	[smem:$0x3FB3] =	sst s0;
	s0 =	simm.s32 @!p1 $0x0  }
0x14: {  	s2 =	sld [smem:$0x3F97];
	s0 =	simm.s32 @p1 $0x1  }
0x15: {  	[smem:$0x3FB4] =	sst s0;
	s0 =	simm.s32 @!p2 $0x0  }
0x16: {  	s3 =	sld [smem:$0x3FDB];
	s0 =	simm.s32 @p2 $0x1  }
0x17: {  	s4 =	simm.s32 $0x1BF5;
	[smem:$0x3FB6] =	sst s0  }
0x18: {  	s0 =	sld [smem:$0x3F99];
	_ =	swait.ge [sflag:s4], $0x0  }
0x19: {  	s7 =	sld [smem:$0x3F9A]  }
0x1a: {  	s8 =	sadd.s32 $0xFFFFE003, lr  }
0x1b: {  	s9 =	sadd.s32 $0xFFFFFEF7, lr;
	s5 =	simm.s32 $0xFFFFFFFF;
	p2 =	slt.u32 s8, $0xFFFFF086  }
0x1c: {  	p1 =	slt.u32 s9, $0xF7A;
	s5 =	simm.s32 @!p2 $0x0  }
0x1d: {  	s5 =	simm.s32 @p1 $0x1;
	p0 =	seq.s32 s7, s2  }
0x1e: {  	s7 =	smul.u32 @!p0 $0xF7A, s2;
	p2 =	seq.s32 @!p0 s5, $0x0  }
0x1f: {  	s9 =	smul.u32 $0xF7A, s1;
	s8 =	simm.s32 @!p0 $0x1BF5;
	p2 =	por !p2, p0  }
0x20: {  	[sflag:s8] =	ssyncset.s32 @!p0 $0xFFFFF086;
	s6 =	sadd.s32 @!p0 s3, s7;
	s7 =	simm.s32 @!p0 $0x108  }
0x21: {  	s3 =	sadd.s32 s3, s9;
	s6 =	sadd.s32 @!p0 $0x88, s6;
	s7 =	simm.s32 @p2 $0x1082  }
0x22: {  	[simem:s7], [sflag:s8] =	dma.local @!p0 [hbm:s6], $0xF7A  }
0x23: {  	s9 =	sor.u32 $0xD0000000, s2;
	s6 =	simm.s32 $0x108;
	_ =	swait.ge @!p0 [sflag:s8], $0x0  }
0x24: {  	s3 =	sadd.s32 $0x88, s3;
	s6 =	simm.s32 @!p1 $0x1082;
	[sflag:s4] =	ssyncset.s32 $0xFFFFF086  }
0x25: {  	[simem:s6], [sflag:s4] =	dma.local [hbm:s3], $0xF7A  }
0x26: {  	[smem:$0x3F9A] =	sst s1;
	(tag) =	ssettag s2;
	_ =	strace s9  }
0x27: {  	s1 =	sld [smem:$0x3FAA]  }
0x28: {  	s2 =	sld [smem:$0x3FAB]  }
0x29: {  	s4 =	sld [smem:$0x3FAD]  }
0x2a: {  	p0 =	seq.s32 s5, $0x0;
	s5 =	sld [smem:$0x3FAE]  }
0x2b: {  	s6 =	sld [smem:$0x3FAF]  }
0x2c: {  	s7 =	sld [smem:$0x3FB0]  }
0x2d: {  	s3 =	simm.s32 $0x108;
	s8 =	sld [smem:$0x3FB1]  }
0x2e: {  	s3 =	simm.s32 @!p0 $0x1082;
	s9 =	sld [smem:$0x3FB2]  }
0x2f: {  	lr =	sadd.s32 s0, s3;
	s0 =	sld [smem:$0x3FA9]  }
0x30: {  	s3 =	sld [smem:$0x3FAC]  }
0x31: {  	[smem:$0x3FB5] =	sst s10  }
0x32: {  	s10 =	sld [smem:$0x3FB3];
	_ =	sdelay $0x3  }
0x33: {  	p0 =	seq.s32 s10, $0x1;
	s10 =	sld [smem:$0x3FB5];
	_ =	sdelay $0x3  }
0x34: {  	[smem:$0x3FB5] =	sst s10  }
0x35: {  	s10 =	sld [smem:$0x3FB4];
	_ =	sdelay $0x3  }
0x36: {  	p1 =	seq.s32 s10, $0x1;
	s10 =	sld [smem:$0x3FB5];
	_ =	sdelay $0x3  }
0x37: {  	[smem:$0x3FB5] =	sst s10  }
0x38: {  	s10 =	sld [smem:$0x3FB6]  }
0x39: {  	_ = 	snop;
	(pc) =	sbr.ind lr, $3  }
0x3a: {  	_ = 	snop  }
0x3b: {  	_ = 	snop  }
0x3c: {  	p2 =	seq.s32 s10, $0x1;
	s10 =	sld [smem:$0x3FB5]  }
0x3d: {  	_ =	shalt  }
0x3e: {  	_ =	shalt  }
0x3f: {  	_ =	shalt  }
0x40: {  	_ =	shalt  }
0x41: {  	_ =	shalt  }
0x42: {  	_ =	shalt  }
0x43: {  	_ =	shalt  }
0x44: {  	_ =	shalt  }
0x45: {  	_ =	shalt  }
0x46: {  	_ =	shalt  }
0x47: {  	_ =	shalt  }
0x48: {  	_ =	shalt  }
0x49: {  	_ =	shalt  }
0x4a: {  	_ =	shalt  }
0x4b: {  	_ =	shalt  }
0x4c: {  	_ =	shalt  }
0x4d: {  	_ =	shalt  }
0x4e: {  	_ =	shalt  }
0x4f: {  	_ =	shalt  }
0x50: {  	_ =	shalt  }
0x51: {  	_ =	shalt  }
0x52: {  	_ =	shalt  }
0x53: {  	_ =	shalt  }
0x54: {  	_ =	shalt  }
0x55: {  	_ =	shalt  }
0x56: {  	_ =	shalt  }
0x57: {  	_ =	shalt  }
0x58: {  	_ =	shalt  }
0x59: {  	_ =	shalt  }
0x5a: {  	_ =	shalt  }
0x5b: {  	_ =	shalt  }
0x5c: {  	_ =	shalt  }
0x5d: {  	_ =	shalt  }
0x5e: {  	_ =	shalt  }
0x5f: {  	_ =	shalt  }
0x60: {  	_ =	shalt  }
0x61: {  	_ =	shalt  }
0x62: {  	_ =	shalt  }
0x63: {  	_ =	shalt  }
0x64: {  	_ =	shalt  }
0x65: {  	_ =	shalt  }
0x66: {  	_ =	shalt  }
0x67: {  	_ =	shalt  }
0x68: {  	_ =	shalt  }
0x69: {  	_ =	shalt  }
0x6a: {  	_ =	shalt  }
0x6b: {  	_ =	shalt  }
0x6c: {  	_ =	shalt  }
0x6d: {  	_ =	shalt  }
0x6e: {  	_ =	shalt  }
0x6f: {  	_ =	shalt  }
0x70: {  	_ =	shalt  }
0x71: {  	_ =	shalt  }
0x72: {  	_ =	shalt  }
0x73: {  	_ =	shalt  }
0x74: {  	_ =	shalt  }
0x75: {  	_ =	shalt  }
0x76: {  	_ =	shalt  }
0x77: {  	_ =	shalt  }
0x78: {  	_ =	shalt  }
0x79: {  	_ =	shalt  }
0x7a: {  	_ =	shalt  }
0x7b: {  	_ =	shalt  }
0x7c: {  	_ =	shalt  }
0x7d: {  	_ =	shalt  }
0x7e: {  	_ =	shalt  }
0x7f: {  	_ =	shalt  }
0x80: {  	_ =	shalt  }
0x81: {  	_ =	shalt  }
0x82: {  	_ =	shalt  }
0x83: {  	_ =	shalt  }
0x84: {  	_ =	shalt  }
0x85: {  	_ =	shalt  }
0x86: {  	_ =	shalt  }
0x87: {  	_ =	shalt  }
.Lfunc_end0:
.L_simem_size_0:
called_computation_lowered:
.L_overlay_start_0:
0x88: {  	s2 =	sld [smem:$0x3FD9]  }
0x89: {  	s3 =	sld [smem:$0x3FFE];
	_ =	sdelay $0x1  }
0x8a: {  	s1 =	srdreg.scid  }
0x8b: {  	s0 =	sand.u32 $0x1, s1  }
0x8c: {  	s14 =	sshll.u32 s0, $0xA;
	s2 =	sadd.s32 s3, s2  }
0x8d: {  	s2 =	sadd.s32 s2, s14  }
0x8e: {  	[smem:$0x3FC1] =	sst s2  }
0x8f: {  	_ = 	snop  }
0x90: {  	s2 =	sld [smem:$0x3FD0];
	_ =	sdelay $0x2  }
0x91: {  	s15 =	simm.s32 $0xA;
	s4 =	simm.s32 $0x10  }
0x92: {  	[smem:s4], [sflag:s15] =	dma.local [hbm:s2], $0x1  }
0x93: {  	_ =	swait.eq [sflag:s15], $0x1  }
0x94: {  	[sflag:s15] =	ssyncset.done $0x0  }
0x95: {  	s16 =	sld [smem:$0x10];
	[sflag:s15] =	ssyncadd.s32 $0xFFFFFFFF  }
0x96: {  	s17 =	sld [smem:$0x11];
	(tm) =	ssettm $0x1  }
0x97: {  	s18 =	sld [smem:$0x3FFB];
	_ =	sdelay $0x3  }
0x98: {  	_ =	strace s18  }
0x99: {  	s4 =	sld [smem:$0x3FFC];
	_ =	sdelay $0x3  }
0x9a: {  	_ =	strace s4  }
0x9b: {  	s4 =	sld [smem:$0x3FFD];
	_ =	sdelay $0x3  }
0x9c: {  	_ =	strace s4  }
0x9d: {  	_ =	strace $0x8FFFFFFF  }
0x9e: {  	s19 =	sld [smem:$0x3FDB];
	_ =	sdelay $0x1  }
0x9f: {  	s5 =	simm.s32 $_scs_section_size  }
0xa0: {  	s6 =	simm.s32 $_size__tile_overlayer_lowered;
	s7 =	simm.s32 $_tile_overlayer_lowered  }
0xa1: {  	s22 =	simm.s32 $0x1BFF;
	s21 =	sshll.u32 s7, $0x1;
	s4 =	sadd.s32 s5, s19  }
0xa2: {  	s8 =	simm.s32 $0x0;
	s20 =	sshll.u32 s6, $0x1;
	s6 =	sadd.s32 s21, s4  }
0xa3: {  	[timem:s8], [sflag:s22] =	dma.local [hbm:s6], s20  }
0xa4: {  	_ =	swait.ge [sflag:s22], s20  }
0xa5: {  	s5 =	ssub.s32 $0x0, s20;
	[sflag:s22] =	ssyncset.done $0x0  }
0xa6: {  	[sflag:s22] =	ssyncadd.s32 s5;
	_ =	sdelay $0x1  }
0xa7: {  	s23 =	simm.s32 $0x1B8B  }
0xa8: {  	_ =	swait.ge [sflag:s23], $0x1  }
0xa9: {  	[sflag:s23] =	ssyncset.done $0x0  }
0xaa: {  	s25 =	simm.s32 $0x1B8E;
	s24 =	sld [smem:$0x3FFE];
	[sflag:s23] =	ssyncadd.s32 $0xFFFFFFFF  }
0xab: {  	s26 =	simm.s32 $execute0_lowered;
	[smem:$0x3FD2] =	sst s25  }
0xac: {  	s6 =	sshll.u32 s26, $0x1;
	_ =	strace $0x80000046;
	[dreg:$0x1] =	wrdreg $0xFFFFFFFF  }
0xad: {  	s28 =	simm.s32 $_size_execute0_lowered;
	s4 =	sadd.s32 s4, s6;
	[dreg:$0x0] =	wrdreg $0x0  }
0xae: {  	s6 =	sshll.u32 s28, $0x1;
	[dreg:$0x2] =	wrdreg s4  }
0xaf: {  	[dreg:$0x3] =	wrdreg s6  }
0xb0: {  	[dreg:$0x4] =	wrdreg $0xC0  }
0xb1: {  	_ =	task [dreg:s8], $0x5FFFF  }
0xb2: {  	[dreg:$0x1] =	wrdreg $0xFFFFFFFF  }
0xb3: {  	[dreg:$0x0] =	wrdreg $0x60  }
0xb4: {  	[dreg:$0x2] =	wrdreg s24  }
0xb5: {  	[dreg:$0x3] =	wrdreg s16  }
0xb6: {  	[dreg:$0x4] =	wrdreg s17  }
0xb7: {  	[dreg:$0x5] =	wrdreg $0x48000  }
0xb8: {  	[dreg:$0x6] =	wrdreg $0x9  }
0xb9: {  	_ =	task.clear_ibuf [dreg:s8], $0x7FFFF;
	_ =	strace $0x90000046  }
0xba: {  	s29 =	simm.s32 $0x9;
	_ =	strace $0x80000048  }
0xbb: {  	_ =	swait.ge [sflag:s29], $0x1  }
0xbc: {  	[sflag:s29] =	ssyncadd.s32 $0xFFFFFFFF  }
0xbd: {  	_ =	strace $0x90000048  }
0xbe: {  	_ =	sfence  }
0xbf: {  	s30 =	sld [smem:$0x0];
	_ =	sdelay $0x2  }
0xc0: {  	s31 =	sshll.u32 s1, $0xD;
	s1 =	sshrl.u32 s1, $0x2  }
0xc1: {  	s3 =	sand.u32 $0x4000, s31;
	s1 =	sadd.s32 s1, s30  }
0xc2: {  	s0 =	sor.u32 s3, s0;
	s1 =	sshll.u32 s1, $0x11  }
0xc3: {  	s0 =	sor.u32 s1, s0  }
0xc4: {  	s0 =	sadd.s32 $0x8F2B, s0  }
0xc5: {  	[sflag:s0] =	ssyncadd.remote.s32 $0x1  }
0xc6: {  	_ =	sfence.sel $0xFFFF  }
0xc7: {  	[dreg:$0x0] =	wrdreg $0xFFFFFFFF;
	(pc) =	sbr.abs _section_cstart, $3  }
0xc8: {  	[dreg:$0x1] =	wrdreg $0xFFFFFFFF  }
0xc9: {  	_ =	task.clear_ibuf [dreg:s8], $0x2FFFF;
	_ =	strace $0x9FFFFFFF  }
0xca: {  	(tm) =	ssettm $0x7FFFFFFF  }
0xcb: {  	_ =	shalt  }
tec
execute0_lowered:
.L_overlay_start_1:
0x0: {  	(tag) =	ssettag $0x1  }
0x1: {  	s0 =	rddreg [dreg:$0x0]  }
0x2: {  	s1 =	rddreg [dreg:$0x1]  }
0x3: {  	s6 =	rddreg [dreg:$0x2]  }
0x4: {  	s3 =	rddreg [dreg:$0x3]  }
0x5: {  	s4 =	simm.s32 $0x0;
	s2 =	stileid.u32;
	s7 =	srdreg.scid  }
0x6: {  	s13 =	simm.s32 $0x100;
	s14 =	simm.s32 $0x180;
	s15 =	simm.s32 $0x200  }
0x7: {  	s16 =	simm.s32 $0x280;
	s17 =	simm.s32 $0x300;
	s18 =	simm.s32 $0x380  }
0x8: {  	s19 =	simm.s32 $0x400;
	s20 =	simm.s32 $0x480;
	s21 =	simm.s32 $0x500  }
0x9: {  	s22 =	simm.s32 $0x580;
	s23 =	simm.s32 $0x600;
	s5 =	smul.u32 $0xA00, s2  }
0xa: {  	s28 =	simm.s32 $0x780;
	s29 =	simm.s32 $0x0;
	s24 =	smul.u32 $0x2800, s2  }
0xb: {  	[smem:$0x7FF] =	sst s4;
	s7 =	sand.u32 $0x1, s7;
	s8 =	smul.u32 $0x50000, s2  }
0xc: {  	s31 =	sshll.u32 s2, $0x6;
	_ =	strace $0x80000047;
	s11 =	smul.u32 $0x28000, s7  }
0xd: {  	s25 =	ssub.s32 $0x2, s7;
	s30 =	smul.u32 $0x500, s7;
	s7 =	simm.s32 $0x800  }
0xe: {  	s9 =	sadd.s32 s5, s0;
	s10 =	sshrl.u32 s25, $0x1;
	s8 =	sshrl.u32 s8, $0x2  }
0xf: {  	s0 =	sadd.s32 s24, s0;
	s10 =	ssub.s32 s25, s10;
	s12 =	sadd.s32 s8, s3  }
0x10: {  	s5 =	sadd.s32 $0xE000, s0;
	s26 =	sadd.s32 $0x4000, s9;
	s25 =	sadd.s32 s6, s11  }
0x11: {  	s8 =	simm.s32 $0x1;
	s9 =	sor.u32 $0x1C01, s31;
	s6 =	smax.u32 s10, $0x1  }
0x12: {  	s10 =	sshrl.u32 s12, $0x3;
	s11 =	sadd.s32 s26, s30;
	s12 =	simm.s32 $0x80  }
0x13: {  	s24 =	sadd.s32 s24, s25;
	s25 =	simm.s32 $0x680;
	s26 =	simm.s32 $0x700  }
.LBB2_1:
0x14: {  	[tilespmem:s7], [sflag:$0x1] =	stream.linear.gather [hbm4b:s1+s4], $0x4000, $0x38;
	[tilespmem:$0x18800] =	vst v63  }
0x15: {  	_ =	swait.ge [sflag:s8], $0x4000  }
0x16: {  	[sflag:s8] =	ssyncset.done $0x0  }
0x17: {  	[sflag:s8] =	ssyncadd.s32 $0xFFFFC000  }
0x18: {  	[spmem:s10], [sflag:s9] =	dma.local [hbm:s5], $0x2800  }
0x19: {  	_ =	swait.ge [sflag:s8], $0x2800  }
0x1a: {  	[sflag:s8] =	ssyncset.done $0x0  }
0x1b: {  	[sflag:s8] =	ssyncadd.s32 $0xFFFFD800  }
0x1c: {  	s0 =	sadd.s32 $0x0, s11;
	[bflag:$0x0] =	sbarrier.arrive $0xFFFF  }
0x1d: {  	[tilespmem:s4], [sflag:$0x1] =	stream.linear.gather [hbm4b:s0+s4], $0x800, $0x38;
	[tilespmem:$0x18800] =	vst v63  }
0x1e: {  	_ =	swait.ge [sflag:s8], $0x800  }
0x1f: {  	[sflag:s8] =	ssyncset.done $0x0  }
0x20: {  	[sflag:s8] =	ssyncadd.s32 $0xFFFFF800  }
0x21: {  	[spmem:s3] =	stream.indirect.scatter.add.f32 [tilespmem:s7], [sflag:$0x1], $0x80, s4, s12, $0xb8;
	[tilespmem:$0x18800] =	vst v63  }
0x22: {  	_ =	swait.ge [sflag:s8], $0x4000  }
0x23: {  	[sflag:s8] =	ssyncset.done $0x0  }
0x24: {  	[sflag:s8] =	ssyncadd.s32 $0xFFFFC000  }
0x25: {  	[spmem:s3] =	stream.indirect.scatter.add.f32 [tilespmem:s7], [sflag:$0x1], $0x80, s12, s12, $0xb8;
	[tilespmem:$0x18800] =	vst v63  }
0x26: {  	_ =	swait.ge [sflag:s8], $0x4000  }
0x27: {  	[sflag:s8] =	ssyncset.done $0x0  }
0x28: {  	[sflag:s8] =	ssyncadd.s32 $0xFFFFC000  }
0x29: {  	[spmem:s3] =	stream.indirect.scatter.add.f32 [tilespmem:s7], [sflag:$0x1], $0x80, s13, s12, $0xb8;
	[tilespmem:$0x18800] =	vst v63  }
0x2a: {  	_ =	swait.ge [sflag:s8], $0x4000  }
0x2b: {  	[sflag:s8] =	ssyncset.done $0x0  }
0x2c: {  	[sflag:s8] =	ssyncadd.s32 $0xFFFFC000  }
0x2d: {  	[spmem:s3] =	stream.indirect.scatter.add.f32 [tilespmem:s7], [sflag:$0x1], $0x80, s14, s12, $0xb8;
	[tilespmem:$0x18800] =	vst v63  }
0x2e: {  	_ =	swait.ge [sflag:s8], $0x4000  }
0x2f: {  	[sflag:s8] =	ssyncset.done $0x0  }
0x30: {  	[sflag:s8] =	ssyncadd.s32 $0xFFFFC000  }
0x31: {  	[spmem:s3] =	stream.indirect.scatter.add.f32 [tilespmem:s7], [sflag:$0x1], $0x80, s15, s12, $0xb8;
	[tilespmem:$0x18800] =	vst v63  }
0x32: {  	_ =	swait.ge [sflag:s8], $0x4000  }
0x33: {  	[sflag:s8] =	ssyncset.done $0x0  }
0x34: {  	[sflag:s8] =	ssyncadd.s32 $0xFFFFC000  }
0x35: {  	[spmem:s3] =	stream.indirect.scatter.add.f32 [tilespmem:s7], [sflag:$0x1], $0x80, s16, s12, $0xb8;
	[tilespmem:$0x18800] =	vst v63  }
0x36: {  	_ =	swait.ge [sflag:s8], $0x4000  }
0x37: {  	[sflag:s8] =	ssyncset.done $0x0  }
0x38: {  	[sflag:s8] =	ssyncadd.s32 $0xFFFFC000  }
0x39: {  	[spmem:s3] =	stream.indirect.scatter.add.f32 [tilespmem:s7], [sflag:$0x1], $0x80, s17, s12, $0xb8;
	[tilespmem:$0x18800] =	vst v63  }
0x3a: {  	_ =	swait.ge [sflag:s8], $0x4000  }
0x3b: {  	[sflag:s8] =	ssyncset.done $0x0  }
0x3c: {  	[sflag:s8] =	ssyncadd.s32 $0xFFFFC000  }
0x3d: {  	[spmem:s3] =	stream.indirect.scatter.add.f32 [tilespmem:s7], [sflag:$0x1], $0x80, s18, s12, $0xb8;
	[tilespmem:$0x18800] =	vst v63  }
0x3e: {  	_ =	swait.ge [sflag:s8], $0x4000  }
0x3f: {  	[sflag:s8] =	ssyncset.done $0x0  }
0x40: {  	[sflag:s8] =	ssyncadd.s32 $0xFFFFC000  }
0x41: {  	[spmem:s3] =	stream.indirect.scatter.add.f32 [tilespmem:s7], [sflag:$0x1], $0x80, s19, s12, $0xb8;
	[tilespmem:$0x18800] =	vst v63  }
0x42: {  	_ =	swait.ge [sflag:s8], $0x4000  }
0x43: {  	[sflag:s8] =	ssyncset.done $0x0  }
0x44: {  	[sflag:s8] =	ssyncadd.s32 $0xFFFFC000  }
0x45: {  	[spmem:s3] =	stream.indirect.scatter.add.f32 [tilespmem:s7], [sflag:$0x1], $0x80, s20, s12, $0xb8;
	[tilespmem:$0x18800] =	vst v63  }
0x46: {  	_ =	swait.ge [sflag:s8], $0x4000  }
0x47: {  	[sflag:s8] =	ssyncset.done $0x0  }
0x48: {  	[sflag:s8] =	ssyncadd.s32 $0xFFFFC000  }
0x49: {  	[spmem:s3] =	stream.indirect.scatter.add.f32 [tilespmem:s7], [sflag:$0x1], $0x80, s21, s12, $0xb8;
	[tilespmem:$0x18800] =	vst v63  }
0x4a: {  	_ =	swait.ge [sflag:s8], $0x4000  }
0x4b: {  	[sflag:s8] =	ssyncset.done $0x0  }
0x4c: {  	[sflag:s8] =	ssyncadd.s32 $0xFFFFC000  }
0x4d: {  	[spmem:s3] =	stream.indirect.scatter.add.f32 [tilespmem:s7], [sflag:$0x1], $0x80, s22, s12, $0xb8;
	[tilespmem:$0x18800] =	vst v63  }
0x4e: {  	_ =	swait.ge [sflag:s8], $0x4000  }
0x4f: {  	[sflag:s8] =	ssyncset.done $0x0  }
0x50: {  	[sflag:s8] =	ssyncadd.s32 $0xFFFFC000  }
0x51: {  	[spmem:s3] =	stream.indirect.scatter.add.f32 [tilespmem:s7], [sflag:$0x1], $0x80, s23, s12, $0xb8;
	[tilespmem:$0x18800] =	vst v63  }
0x52: {  	_ =	swait.ge [sflag:s8], $0x4000  }
0x53: {  	[sflag:s8] =	ssyncset.done $0x0  }
0x54: {  	[sflag:s8] =	ssyncadd.s32 $0xFFFFC000  }
0x55: {  	[spmem:s3] =	stream.indirect.scatter.add.f32 [tilespmem:s7], [sflag:$0x1], $0x80, s25, s12, $0xb8;
	[tilespmem:$0x18800] =	vst v63  }
0x56: {  	_ =	swait.ge [sflag:s8], $0x4000  }
0x57: {  	[sflag:s8] =	ssyncset.done $0x0  }
0x58: {  	[sflag:s8] =	ssyncadd.s32 $0xFFFFC000  }
0x59: {  	[spmem:s3] =	stream.indirect.scatter.add.f32 [tilespmem:s7], [sflag:$0x1], $0x80, s26, s12, $0xb8;
	[tilespmem:$0x18800] =	vst v63  }
0x5a: {  	_ =	swait.ge [sflag:s8], $0x4000  }
0x5b: {  	[sflag:s8] =	ssyncset.done $0x0  }
0x5c: {  	[sflag:s8] =	ssyncadd.s32 $0xFFFFC000  }
0x5d: {  	[spmem:s3] =	stream.indirect.scatter.add.f32 [tilespmem:s7], [sflag:$0x1], $0x80, s28, s12, $0xb8;
	[tilespmem:$0x18800] =	vst v63  }
0x5e: {  	_ =	swait.ge [sflag:s8], $0x4000  }
0x5f: {  	s30 =	simm.s32 $0x100;
	s31 =	simm.s32 $0x200;
	[sflag:s8] =	ssyncset.done $0x0  }
.LBB2_2:
0x60: {  	s2 =	sadd.s32 s30, s11  }
0x61: {  	[sflag:s8] =	ssyncadd.s32 $0xFFFFC000;
	s30 =	smov.u32 s31;
	s0 =	sadd.s32 $0x100, s31  }
0x62: {  	[tilespmem:s4], [sflag:$0x1] =	stream.linear.gather [hbm4b:s2+s4], $0x800, $0x38;
	[tilespmem:$0x18800] =	vst v63  }
0x63: {  	p0 =	sne.s32 s31, $0x400;
	_ =	swait.ge [sflag:s8], $0x800  }
0x64: {  	[sflag:s8] =	ssyncset.done $0x0  }
0x65: {  	[sflag:s8] =	ssyncadd.s32 $0xFFFFF800  }
0x66: {  	[spmem:s3] =	stream.indirect.scatter.add.f32 [tilespmem:s7], [sflag:$0x1], $0x80, s4, s12, $0xb8;
	[tilespmem:$0x18800] =	vst v63  }
0x67: {  	_ =	swait.ge [sflag:s8], $0x4000  }
0x68: {  	[sflag:s8] =	ssyncset.done $0x0  }
0x69: {  	[sflag:s8] =	ssyncadd.s32 $0xFFFFC000  }
0x6a: {  	[spmem:s3] =	stream.indirect.scatter.add.f32 [tilespmem:s7], [sflag:$0x1], $0x80, s12, s12, $0xb8;
	[tilespmem:$0x18800] =	vst v63  }
0x6b: {  	_ =	swait.ge [sflag:s8], $0x4000  }
0x6c: {  	[sflag:s8] =	ssyncset.done $0x0  }
0x6d: {  	[sflag:s8] =	ssyncadd.s32 $0xFFFFC000  }
0x6e: {  	[spmem:s3] =	stream.indirect.scatter.add.f32 [tilespmem:s7], [sflag:$0x1], $0x80, s13, s12, $0xb8;
	[tilespmem:$0x18800] =	vst v63  }
0x6f: {  	_ =	swait.ge [sflag:s8], $0x4000  }
0x70: {  	[sflag:s8] =	ssyncset.done $0x0  }
0x71: {  	[sflag:s8] =	ssyncadd.s32 $0xFFFFC000  }
0x72: {  	[spmem:s3] =	stream.indirect.scatter.add.f32 [tilespmem:s7], [sflag:$0x1], $0x80, s14, s12, $0xb8;
	[tilespmem:$0x18800] =	vst v63  }
0x73: {  	_ =	swait.ge [sflag:s8], $0x4000  }
0x74: {  	[sflag:s8] =	ssyncset.done $0x0  }
0x75: {  	[sflag:s8] =	ssyncadd.s32 $0xFFFFC000  }
0x76: {  	[spmem:s3] =	stream.indirect.scatter.add.f32 [tilespmem:s7], [sflag:$0x1], $0x80, s15, s12, $0xb8;
	[tilespmem:$0x18800] =	vst v63  }
0x77: {  	_ =	swait.ge [sflag:s8], $0x4000  }
0x78: {  	[sflag:s8] =	ssyncset.done $0x0  }
0x79: {  	[sflag:s8] =	ssyncadd.s32 $0xFFFFC000  }
0x7a: {  	[spmem:s3] =	stream.indirect.scatter.add.f32 [tilespmem:s7], [sflag:$0x1], $0x80, s16, s12, $0xb8;
	[tilespmem:$0x18800] =	vst v63  }
0x7b: {  	_ =	swait.ge [sflag:s8], $0x4000  }
0x7c: {  	[sflag:s8] =	ssyncset.done $0x0  }
0x7d: {  	[sflag:s8] =	ssyncadd.s32 $0xFFFFC000  }
0x7e: {  	[spmem:s3] =	stream.indirect.scatter.add.f32 [tilespmem:s7], [sflag:$0x1], $0x80, s17, s12, $0xb8;
	[tilespmem:$0x18800] =	vst v63  }
0x7f: {  	_ =	swait.ge [sflag:s8], $0x4000  }
0x80: {  	[sflag:s8] =	ssyncset.done $0x0  }
0x81: {  	[sflag:s8] =	ssyncadd.s32 $0xFFFFC000  }
0x82: {  	[spmem:s3] =	stream.indirect.scatter.add.f32 [tilespmem:s7], [sflag:$0x1], $0x80, s18, s12, $0xb8;
	[tilespmem:$0x18800] =	vst v63  }
0x83: {  	_ =	swait.ge [sflag:s8], $0x4000  }
0x84: {  	[sflag:s8] =	ssyncset.done $0x0  }
0x85: {  	[sflag:s8] =	ssyncadd.s32 $0xFFFFC000  }
0x86: {  	[spmem:s3] =	stream.indirect.scatter.add.f32 [tilespmem:s7], [sflag:$0x1], $0x80, s19, s12, $0xb8;
	[tilespmem:$0x18800] =	vst v63  }
0x87: {  	_ =	swait.ge [sflag:s8], $0x4000  }
0x88: {  	[sflag:s8] =	ssyncset.done $0x0  }
0x89: {  	[sflag:s8] =	ssyncadd.s32 $0xFFFFC000  }
0x8a: {  	[spmem:s3] =	stream.indirect.scatter.add.f32 [tilespmem:s7], [sflag:$0x1], $0x80, s20, s12, $0xb8;
	[tilespmem:$0x18800] =	vst v63  }
0x8b: {  	_ =	swait.ge [sflag:s8], $0x4000  }
0x8c: {  	[sflag:s8] =	ssyncset.done $0x0  }
0x8d: {  	[sflag:s8] =	ssyncadd.s32 $0xFFFFC000  }
0x8e: {  	[spmem:s3] =	stream.indirect.scatter.add.f32 [tilespmem:s7], [sflag:$0x1], $0x80, s21, s12, $0xb8;
	[tilespmem:$0x18800] =	vst v63  }
0x8f: {  	_ =	swait.ge [sflag:s8], $0x4000  }
0x90: {  	[sflag:s8] =	ssyncset.done $0x0  }
0x91: {  	[sflag:s8] =	ssyncadd.s32 $0xFFFFC000  }
0x92: {  	[spmem:s3] =	stream.indirect.scatter.add.f32 [tilespmem:s7], [sflag:$0x1], $0x80, s22, s12, $0xb8;
	[tilespmem:$0x18800] =	vst v63  }
0x93: {  	_ =	swait.ge [sflag:s8], $0x4000  }
0x94: {  	[sflag:s8] =	ssyncset.done $0x0  }
0x95: {  	[sflag:s8] =	ssyncadd.s32 $0xFFFFC000  }
0x96: {  	[spmem:s3] =	stream.indirect.scatter.add.f32 [tilespmem:s7], [sflag:$0x1], $0x80, s23, s12, $0xb8;
	[tilespmem:$0x18800] =	vst v63  }
0x97: {  	_ =	swait.ge [sflag:s8], $0x4000  }
0x98: {  	[sflag:s8] =	ssyncset.done $0x0  }
0x99: {  	[sflag:s8] =	ssyncadd.s32 $0xFFFFC000  }
0x9a: {  	[spmem:s3] =	stream.indirect.scatter.add.f32 [tilespmem:s7], [sflag:$0x1], $0x80, s25, s12, $0xb8;
	[tilespmem:$0x18800] =	vst v63  }
0x9b: {  	_ =	swait.ge [sflag:s8], $0x4000  }
0x9c: {  	[sflag:s8] =	ssyncset.done $0x0  }
0x9d: {  	[sflag:s8] =	ssyncadd.s32 $0xFFFFC000  }
0x9e: {  	[spmem:s3] =	stream.indirect.scatter.add.f32 [tilespmem:s7], [sflag:$0x1], $0x80, s26, s12, $0xb8;
	[tilespmem:$0x18800] =	vst v63  }
0x9f: {  	_ =	swait.ge [sflag:s8], $0x4000  }
.Ltmp0:
0xa0: {  	[sflag:s8] =	ssyncset.done $0x0;
	(pc) =	sbr.rel @p0 .LBB2_2-.Ltmp0, $4  }
0xa1: {  	[sflag:s8] =	ssyncadd.s32 $0xFFFFC000  }
0xa2: {  	[spmem:s3] =	stream.indirect.scatter.add.f32 [tilespmem:s7], [sflag:$0x1], $0x80, s28, s12, $0xb8;
	[tilespmem:$0x18800] =	vst v63  }
0xa3: {  	_ =	swait.ge [sflag:s8], $0x4000  }
0xa4: {  	s31 =	smov.u32 s0;
	[sflag:s8] =	ssyncset.done $0x0  }
0xa5: {  	s0 =	sadd.s32 s30, s11;
	[sflag:s8] =	ssyncadd.s32 $0xFFFFC000  }
0xa6: {  	[tilespmem:s4], [sflag:$0x1] =	stream.linear.gather [hbm4b:s0+s4], $0x800, $0x38;
	[tilespmem:$0x18800] =	vst v63  }
0xa7: {  	_ =	swait.ge [sflag:s8], $0x800  }
0xa8: {  	[sflag:s8] =	ssyncset.done $0x0  }
0xa9: {  	[sflag:s8] =	ssyncadd.s32 $0xFFFFF800  }
0xaa: {  	[spmem:s3] =	stream.indirect.scatter.add.f32 [tilespmem:s7], [sflag:$0x1], $0x80, s4, s12, $0xb8;
	[tilespmem:$0x18800] =	vst v63  }
0xab: {  	_ =	swait.ge [sflag:s8], $0x4000  }
0xac: {  	[sflag:s8] =	ssyncset.done $0x0  }
0xad: {  	[sflag:s8] =	ssyncadd.s32 $0xFFFFC000  }
0xae: {  	[spmem:s3] =	stream.indirect.scatter.add.f32 [tilespmem:s7], [sflag:$0x1], $0x80, s12, s12, $0xb8;
	[tilespmem:$0x18800] =	vst v63  }
0xaf: {  	_ =	swait.ge [sflag:s8], $0x4000  }
0xb0: {  	[sflag:s8] =	ssyncset.done $0x0  }
0xb1: {  	[sflag:s8] =	ssyncadd.s32 $0xFFFFC000  }
0xb2: {  	[spmem:s3] =	stream.indirect.scatter.add.f32 [tilespmem:s7], [sflag:$0x1], $0x80, s13, s12, $0xb8;
	[tilespmem:$0x18800] =	vst v63  }
0xb3: {  	_ =	swait.ge [sflag:s8], $0x4000  }
0xb4: {  	[sflag:s8] =	ssyncset.done $0x0  }
0xb5: {  	[sflag:s8] =	ssyncadd.s32 $0xFFFFC000  }
0xb6: {  	[spmem:s3] =	stream.indirect.scatter.add.f32 [tilespmem:s7], [sflag:$0x1], $0x80, s14, s12, $0xb8;
	[tilespmem:$0x18800] =	vst v63  }
0xb7: {  	_ =	swait.ge [sflag:s8], $0x4000  }
0xb8: {  	[sflag:s8] =	ssyncset.done $0x0  }
0xb9: {  	[sflag:s8] =	ssyncadd.s32 $0xFFFFC000  }
0xba: {  	[spmem:s3] =	stream.indirect.scatter.add.f32 [tilespmem:s7], [sflag:$0x1], $0x80, s15, s12, $0xb8;
	[tilespmem:$0x18800] =	vst v63  }
0xbb: {  	_ =	swait.ge [sflag:s8], $0x4000  }
0xbc: {  	[sflag:s8] =	ssyncset.done $0x0  }
0xbd: {  	[sflag:s8] =	ssyncadd.s32 $0xFFFFC000  }
0xbe: {  	[spmem:s3] =	stream.indirect.scatter.add.f32 [tilespmem:s7], [sflag:$0x1], $0x80, s16, s12, $0xb8;
	[tilespmem:$0x18800] =	vst v63  }
0xbf: {  	_ =	swait.ge [sflag:s8], $0x4000  }
0xc0: {  	[sflag:s8] =	ssyncset.done $0x0  }
0xc1: {  	[sflag:s8] =	ssyncadd.s32 $0xFFFFC000  }
0xc2: {  	[spmem:s3] =	stream.indirect.scatter.add.f32 [tilespmem:s7], [sflag:$0x1], $0x80, s17, s12, $0xb8;
	[tilespmem:$0x18800] =	vst v63  }
0xc3: {  	_ =	swait.ge [sflag:s8], $0x4000  }
0xc4: {  	[sflag:s8] =	ssyncset.done $0x0  }
0xc5: {  	[sflag:s8] =	ssyncadd.s32 $0xFFFFC000  }
0xc6: {  	[spmem:s3] =	stream.indirect.scatter.add.f32 [tilespmem:s7], [sflag:$0x1], $0x80, s18, s12, $0xb8;
	[tilespmem:$0x18800] =	vst v63  }
0xc7: {  	_ =	swait.ge [sflag:s8], $0x4000  }
0xc8: {  	[sflag:s8] =	ssyncset.done $0x0  }
0xc9: {  	[sflag:s8] =	ssyncadd.s32 $0xFFFFC000  }
0xca: {  	[spmem:s3] =	stream.indirect.scatter.add.f32 [tilespmem:s7], [sflag:$0x1], $0x80, s19, s12, $0xb8;
	[tilespmem:$0x18800] =	vst v63  }
0xcb: {  	_ =	swait.ge [sflag:s8], $0x4000  }
0xcc: {  	[sflag:s8] =	ssyncset.done $0x0  }
0xcd: {  	[sflag:s8] =	ssyncadd.s32 $0xFFFFC000  }
0xce: {  	[spmem:s3] =	stream.indirect.scatter.add.f32 [tilespmem:s7], [sflag:$0x1], $0x80, s20, s12, $0xb8;
	[tilespmem:$0x18800] =	vst v63  }
0xcf: {  	_ =	swait.ge [sflag:s8], $0x4000  }
0xd0: {  	[sflag:s8] =	ssyncset.done $0x0  }
0xd1: {  	[sflag:s8] =	ssyncadd.s32 $0xFFFFC000  }
0xd2: {  	[spmem:s3] =	stream.indirect.scatter.add.f32 [tilespmem:s7], [sflag:$0x1], $0x80, s21, s12, $0xb8;
	[tilespmem:$0x18800] =	vst v63  }
0xd3: {  	_ =	swait.ge [sflag:s8], $0x4000  }
0xd4: {  	[sflag:s8] =	ssyncset.done $0x0  }
0xd5: {  	[sflag:s8] =	ssyncadd.s32 $0xFFFFC000  }
0xd6: {  	[spmem:s3] =	stream.indirect.scatter.add.f32 [tilespmem:s7], [sflag:$0x1], $0x80, s22, s12, $0xb8;
	[tilespmem:$0x18800] =	vst v63  }
0xd7: {  	_ =	swait.ge [sflag:s8], $0x4000  }
0xd8: {  	[sflag:s8] =	ssyncset.done $0x0  }
0xd9: {  	[sflag:s8] =	ssyncadd.s32 $0xFFFFC000  }
0xda: {  	[spmem:s3] =	stream.indirect.scatter.add.f32 [tilespmem:s7], [sflag:$0x1], $0x80, s23, s12, $0xb8;
	[tilespmem:$0x18800] =	vst v63  }
0xdb: {  	_ =	swait.ge [sflag:s8], $0x4000  }
0xdc: {  	[sflag:s8] =	ssyncset.done $0x0  }
0xdd: {  	[sflag:s8] =	ssyncadd.s32 $0xFFFFC000  }
0xde: {  	[spmem:s3] =	stream.indirect.scatter.add.f32 [tilespmem:s7], [sflag:$0x1], $0x80, s25, s12, $0xb8;
	[tilespmem:$0x18800] =	vst v63  }
0xdf: {  	_ =	swait.ge [sflag:s8], $0x4000  }
0xe0: {  	[sflag:s8] =	ssyncset.done $0x0  }
0xe1: {  	[sflag:s8] =	ssyncadd.s32 $0xFFFFC000  }
0xe2: {  	[spmem:s3] =	stream.indirect.scatter.add.f32 [tilespmem:s7], [sflag:$0x1], $0x80, s26, s12, $0xb8;
	[tilespmem:$0x18800] =	vst v63  }
0xe3: {  	_ =	swait.ge [sflag:s8], $0x4000  }
0xe4: {  	[sflag:s8] =	ssyncset.done $0x0  }
0xe5: {  	[sflag:s8] =	ssyncadd.s32 $0xFFFFC000  }
0xe6: {  	[spmem:s3] =	stream.indirect.scatter.add.f32 [tilespmem:s7], [sflag:$0x1], $0x80, s28, s12, $0xb8;
	[tilespmem:$0x18800] =	vst v63  }
0xe7: {  	_ =	swait.ge [sflag:s8], $0x4000  }
0xe8: {  	s29 =	sadd.s32 $0x1, s29;
	[sflag:s8] =	ssyncset.done $0x0  }
0xe9: {  	p0 =	sne.s32 s29, s6;
	[sflag:s8] =	ssyncadd.s32 $0xFFFFC000  }
.Ltmp1:
0xea: {  	[bflag:$0x0] =	sbarrier.arrive $0xFFFF;
	(pc) =	sbr.rel @p0 .LBB2_1-.Ltmp1, $4  }
0xeb: {  	[hbm:s24], [sflag:s9] =	dma.local [spmem:s10], $0x2800  }
0xec: {  	_ =	swait.ge [sflag:s8], $0x2800  }
0xed: {  	[sflag:s8] =	ssyncset.done $0x0  }
0xee: {  	[sflag:s8] =	ssyncadd.s32 $0xFFFFD800  }
0xef: {  	_ =	sfence.sel $0x180000  }
0xf0: {  	[bflag:$0x0] =	sbarrier.arrive $0xFFFF  }
0xf1: {  	_ =	strace $0x90000047  }
0xf2: {  	s0 =	stileid.u32;
	[bflag:$0x2] =	sbarrier.arrive $0xFFFF  }
0xf3: {  	p0 =	sne.s32 s0, $0x0;
	s0 =	rddreg [dreg:$0x4]  }
0xf4: {  	s0 =	sadd.s32 @!p0 $0x100000, s0  }
0xf5: {  	[sflag:s0] =	ssyncadd.tile.s32 @!p0 $0x1;
	_ =	shalt  }
.Lfunc_end2:
_tile_overlayer_lowered:
.L_overlay_start_2:
0xf6: {  	(tag) =	ssettag $0x2  }
0xf7: {  	s0 =	rddreg [dreg:$0x0];
	s2 =	stileid.u32  }
0xf8: {  	s1 =	rddreg [dreg:$0x1];
	p0 =	sne.s32 s2, $0x0  }
0xf9: {  	s3 =	rddreg [dreg:$0x2];
	[bflag:$0x3] =	sbarrier.arrive $0xFFFF;
	s2 =	simm.s32 @!p0 $0x1C01  }
0xfa: {  	[timem:s3], [sflag:s2] =	dma.local @!p0 [hbm:s0], s1  }
0xfb: {  	s0 =	simm.s32 @!p0 $0x1  }
0xfc: {  	_ =	swait.ge @!p0 [sflag:s0], s1  }
0xfd: {  	s1 =	ssub.s32 @!p0 $0x0, s1;
	[sflag:s0] =	ssyncset.done @!p0 $0x0  }
0xfe: {  	[sflag:s0] =	ssyncadd.s32 @!p0 s1  }
0xff: {  	[bflag:$0x3] =	sbarrier.arrive $0xFFFF  }
0x100: {  	_ =	shalt  }

</sc_bundles>
